<compile_context>
chip_gen: v7x
topology: tpu7x:2x2x1
jax: 0.10.2.dev20260603
libtpu: 0.0.44.dev20260713+nightly
codegen_flags: <defaults>
</compile_context>

<pallas_src>
import functools

import jax
import jax.numpy as jnp
from jax import lax
from jax.experimental import pallas as pl
from jax.experimental.pallas import tpu as pltpu
from jax.experimental.pallas import tpu_sc as plsc

NUM_NODES = 1_000_000
BATCH = 16384
DIM = 64

PAD_NODES = 1_000_064
TILES_PER_ROW = PAD_NODES // 128
ROW_STRIDE = TILES_PER_ROW * 1024
FLAT = 8 * ROW_STRIDE
GATHER_SPAN = 7_999_616


@functools.cache
def _make_gather():
    info = plsc.get_sparse_core_info()
    nc, ns = info.num_cores, info.num_subcores
    nw = nc * ns
    b_per_w = BATCH // nw

    mesh = plsc.VectorSubcoreMesh(core_axis_name="c", subcore_axis_name="s")

    lane_blocks = b_per_w // 128

    @functools.partial(
        pl.kernel,
        mesh=mesh,
        out_type=jax.ShapeDtypeStruct((8, BATCH // 128, 8, 128), jnp.float32),
        scratch_types=[
            pltpu.VMEM((b_per_w,), jnp.int32),
            pltpu.VMEM((b_per_w,), jnp.int32),
            pltpu.VMEM((DIM, b_per_w), jnp.float32),
            pltpu.SemaphoreType.DMA,
            pltpu.SemaphoreType.DMA,
        ],
        compiler_params=pltpu.CompilerParams(use_tc_tiling_on_sc=False),
    )
    def gather_kernel(flat_hbm, idx_hbm, out_hbm, idx_v, off_v, st1, sem, osem):
        wid = lax.axis_index("s") * nc + lax.axis_index("c")
        base = wid * b_per_w
        pltpu.sync_copy(idx_hbm.at[pl.ds(base, b_per_w)], idx_v)
        for i in range(b_per_w // 16):
            v = idx_v[pl.ds(i * 16, 16)]
            off_v[pl.ds(i * 16, 16)] = v + (v >> 7) * 896
        for e in range(DIM):
            c_e = (e // 8) * ROW_STRIDE + (e % 8) * 128
            pltpu.make_async_copy(
                flat_hbm.at[pl.ds(c_e, GATHER_SPAN)].at[off_v],
                st1.at[e],
                sem,
            ).start()
        pltpu.make_async_copy(
            flat_hbm.at[pl.ds(0, DIM * b_per_w)], st1, sem
        ).wait()
        for r in range(8):
            for j in range(lane_blocks):
                pltpu.make_async_copy(
                    st1.at[pl.ds(8 * r, 8), pl.ds(128 * j, 128)],
                    out_hbm.at[r, wid * lane_blocks + j],
                    osem,
                ).start()
        pltpu.make_async_copy(
            flat_hbm.at[pl.ds(0, DIM * b_per_w)], st1, osem
        ).wait()

    return gather_kernel, nw, b_per_w


@jax.jit
def kernel(index, lookup_table):
    gather, nw, b_per_w = _make_gather()
    padded = jnp.pad(lookup_table, ((0, PAD_NODES - NUM_NODES), (0, 0)))
    flat = (
        padded.T.reshape(8, 8, TILES_PER_ROW, 128)
        .transpose(0, 2, 1, 3)
        .reshape(FLAT)
    )
    out4 = gather(flat, index.astype(jnp.int32))
    return out4.transpose(1, 3, 0, 2).reshape(BATCH, DIM)

# --- scband reference (transcript-rebuilt; emitter-appended) ---
"""Pipeline reference for scband-rhsembedding-6468220748188 (READ-ONLY COPY).

The authoritative reference and input builder live on the scoring server;
editing this copy changes nothing except your own understanding.
"""

import jax, jax.numpy as jnp
import numpy as np

NUM_NODES = 1000000
EMBED_DIM = 64
BATCH = 16384


def setup_inputs(seed: int = 0) -> dict:
    key = jax.random.key(seed)
    k_idx, k_tab = jax.random.split(key)
    index = jax.random.randint(k_idx, (BATCH,), 0, NUM_NODES, dtype=jnp.int64)
    # torch.nn.Embedding default init: N(0, 1)
    lookup_table = jax.random.normal(k_tab, (NUM_NODES, EMBED_DIM), dtype=jnp.float32)
    return {"index": index, "lookup_table": lookup_table}


def reference(index, lookup_table):
    # emb_mode == 'lookup': only the lookup_embedding path is active.
    # The projector (LayerNorm) and encoder are only used in 'feature'/'fusion' modes.
    out = jnp.take(lookup_table, index, axis=0)
    return out

if __name__ == "__main__":
    import jax
    _d = setup_inputs()
    print(jax.jit(kernel)(*tuple(_d.values())))

</pallas_src>

<mosaic_0001>
#map = affine_map<(d0, d1) -> (0)>
#map1 = affine_map<(d0, d1) -> (0, 0, 0, 0)>
module attributes {stable_mosaic.version = 14 : i64} {
  func.func @gather_kernel(%arg0: i32, %arg1: i32, %arg2: memref<64004096xf32, #tpu.memory_space<hbm>>, %arg3: memref<16384xi32, #tpu.memory_space<hbm>>, %arg4: memref<8x128x8x128xf32, #tpu.memory_space<hbm>>, %arg5: memref<512xi32, #tpu.memory_space<vmem>>, %arg6: memref<512xi32, #tpu.memory_space<vmem>>, %arg7: memref<64x512xf32, #tpu.memory_space<vmem>>, %arg8: memref<!tpu.dma_semaphore, #tpu.memory_space<semaphore_mem>>, %arg9: memref<!tpu.dma_semaphore, #tpu.memory_space<semaphore_mem>>) attributes {dimension_semantics = [#tpu.dimension_semantics<core_parallel>, #tpu.dimension_semantics<subcore_parallel>], iteration_bounds = array<i64: 2, 16>, scalar_prefetch = 0 : i64, scratch_operands = 5 : i64, tpu.core_type = #tpu.core_type<sc_vector_subcore>, window_params = [{transform_indices = #map}, {transform_indices = #map}, {transform_indices = #map1}]} {
    %mul3A = arith.constant 2 : i32
    %mul3A_0 = arith.muli %arg1, %mul3A : i32
    %add3A = arith.addi %mul3A_0, %arg0 : i32
    %mul3A_1 = arith.constant 512 : i32
    %mul3A_2 = arith.muli %add3A, %mul3A_1 : i32
    "tpu.region"() ({
      %run_scoped3A = tpu.sem_alloc : memref<!tpu.dma_semaphore, #tpu.memory_space<semaphore_mem>>
      %dma_start3A_1574 = tpu.memref_slice %arg3[%mul3A_2] : memref<16384xi32, #tpu.memory_space<hbm>> -> memref<512xi32, #tpu.memory_space<hbm>>
      %dma_start3A_1575 = tpu.memref_slice %arg3[%mul3A_2] : memref<16384xi32, #tpu.memory_space<hbm>> -> memref<512xi32, #tpu.memory_space<hbm>>
      tpu.enqueue_dma source(%dma_start3A_1575 : memref<512xi32, #tpu.memory_space<hbm>>) target(%arg5 : memref<512xi32, #tpu.memory_space<vmem>>) target_semaphore(%run_scoped3A : memref<!tpu.dma_semaphore, #tpu.memory_space<semaphore_mem>>)
      %dma_wait3A_1576 = tpu.memref_slice %arg3[%mul3A_2] : memref<16384xi32, #tpu.memory_space<hbm>> -> memref<512xi32, #tpu.memory_space<hbm>>
      %dma_wait3A_1577 = tpu.memref_slice %arg3[%mul3A_2] : memref<16384xi32, #tpu.memory_space<hbm>> -> memref<512xi32, #tpu.memory_space<hbm>>
      tpu.wait_dma2 semaphore(%run_scoped3A : memref<!tpu.dma_semaphore, #tpu.memory_space<semaphore_mem>>) src(%dma_wait3A_1577 : memref<512xi32, #tpu.memory_space<hbm>>) dst(%arg5 : memref<512xi32, #tpu.memory_space<vmem>>)
      tpu.yield
    }) : () -> ()
    %get3A = arith.constant 0 : index
    %get3A_3 = tpu.vector_load %arg5[%get3A] {strides = array<i32>} : memref<512xi32, #tpu.memory_space<vmem>>, vector<16xi32>,
    %get3A_4 = vector.shape_cast %get3A_3 : vector<16xi32> to vector<16xi32>
    %shift_right_arithmetic3A = arith.constant 7 : i32
    %shift_right_arithmetic3A_5 = vector.broadcast %shift_right_arithmetic3A : i32 to vector<16xi32>
    %shift_right_arithmetic3A_6 = arith.shrsi %get3A_4, %shift_right_arithmetic3A_5 : vector<16xi32>
    %mul3A_7 = arith.constant 896 : i32
    %mul3A_8 = vector.broadcast %mul3A_7 : i32 to vector<16xi32>
    %mul3A_9 = arith.muli %shift_right_arithmetic3A_6, %mul3A_8 : vector<16xi32>
    %add3A_10 = arith.addi %get3A_4, %mul3A_9 : vector<16xi32>
    %swap3A = arith.constant 0 : index
    %swap3A_11 = tpu.vector_load %arg6[%swap3A] {strides = array<i32>} : memref<512xi32, #tpu.memory_space<vmem>>, vector<16xi32>,
    %swap3A_12 = vector.shape_cast %swap3A_11 : vector<16xi32> to vector<16xi32>
    %swap3A_13 = vector.shape_cast %add3A_10 : vector<16xi32> to vector<16xi32>
    tpu.vector_store %arg6[%swap3A], %swap3A_13 {strides = array<i32>} : memref<512xi32, #tpu.memory_space<vmem>>, vector<16xi32>,
    %get3A_14 = arith.constant 16 : index
    %get3A_15 = tpu.vector_load %arg5[%get3A_14] {strides = array<i32>} : memref<512xi32, #tpu.memory_space<vmem>>, vector<16xi32>,
    %get3A_16 = vector.shape_cast %get3A_15 : vector<16xi32> to vector<16xi32>
    %shift_right_arithmetic3A_17 = arith.constant 7 : i32
    %shift_right_arithmetic3A_18 = vector.broadcast %shift_right_arithmetic3A_17 : i32 to vector<16xi32>
    %shift_right_arithmetic3A_19 = arith.shrsi %get3A_16, %shift_right_arithmetic3A_18 : vector<16xi32>
    %mul3A_20 = arith.constant 896 : i32
    %mul3A_21 = vector.broadcast %mul3A_20 : i32 to vector<16xi32>
    %mul3A_22 = arith.muli %shift_right_arithmetic3A_19, %mul3A_21 : vector<16xi32>
    %add3A_23 = arith.addi %get3A_16, %mul3A_22 : vector<16xi32>
    %swap3A_24 = arith.constant 16 : index
    %swap3A_25 = tpu.vector_load %arg6[%swap3A_24] {strides = array<i32>} : memref<512xi32, #tpu.memory_space<vmem>>, vector<16xi32>,
    %swap3A_26 = vector.shape_cast %swap3A_25 : vector<16xi32> to vector<16xi32>
    %swap3A_27 = vector.shape_cast %add3A_23 : vector<16xi32> to vector<16xi32>
    tpu.vector_store %arg6[%swap3A_24], %swap3A_27 {strides = array<i32>} : memref<512xi32, #tpu.memory_space<vmem>>, vector<16xi32>,
    %get3A_28 = arith.constant 32 : index
    %get3A_29 = tpu.vector_load %arg5[%get3A_28] {strides = array<i32>} : memref<512xi32, #tpu.memory_space<vmem>>, vector<16xi32>,
    %get3A_30 = vector.shape_cast %get3A_29 : vector<16xi32> to vector<16xi32>
    %shift_right_arithmetic3A_31 = arith.constant 7 : i32
    %shift_right_arithmetic3A_32 = vector.broadcast %shift_right_arithmetic3A_31 : i32 to vector<16xi32>
    %shift_right_arithmetic3A_33 = arith.shrsi %get3A_30, %shift_right_arithmetic3A_32 : vector<16xi32>
    %mul3A_34 = arith.constant 896 : i32
    %mul3A_35 = vector.broadcast %mul3A_34 : i32 to vector<16xi32>
    %mul3A_36 = arith.muli %shift_right_arithmetic3A_33, %mul3A_35 : vector<16xi32>
    %add3A_37 = arith.addi %get3A_30, %mul3A_36 : vector<16xi32>
    %swap3A_38 = arith.constant 32 : index
    %swap3A_39 = tpu.vector_load %arg6[%swap3A_38] {strides = array<i32>} : memref<512xi32, #tpu.memory_space<vmem>>, vector<16xi32>,
    %swap3A_40 = vector.shape_cast %swap3A_39 : vector<16xi32> to vector<16xi32>
    %swap3A_41 = vector.shape_cast %add3A_37 : vector<16xi32> to vector<16xi32>
    tpu.vector_store %arg6[%swap3A_38], %swap3A_41 {strides = array<i32>} : memref<512xi32, #tpu.memory_space<vmem>>, vector<16xi32>,
    %get3A_42 = arith.constant 48 : index
    %get3A_43 = tpu.vector_load %arg5[%get3A_42] {strides = array<i32>} : memref<512xi32, #tpu.memory_space<vmem>>, vector<16xi32>,
    %get3A_44 = vector.shape_cast %get3A_43 : vector<16xi32> to vector<16xi32>
    %shift_right_arithmetic3A_45 = arith.constant 7 : i32
    %shift_right_arithmetic3A_46 = vector.broadcast %shift_right_arithmetic3A_45 : i32 to vector<16xi32>
    %shift_right_arithmetic3A_47 = arith.shrsi %get3A_44, %shift_right_arithmetic3A_46 : vector<16xi32>
    %mul3A_48 = arith.constant 896 : i32
    %mul3A_49 = vector.broadcast %mul3A_48 : i32 to vector<16xi32>
    %mul3A_50 = arith.muli %shift_right_arithmetic3A_47, %mul3A_49 : vector<16xi32>
    %add3A_51 = arith.addi %get3A_44, %mul3A_50 : vector<16xi32>
    %swap3A_52 = arith.constant 48 : index
    %swap3A_53 = tpu.vector_load %arg6[%swap3A_52] {strides = array<i32>} : memref<512xi32, #tpu.memory_space<vmem>>, vector<16xi32>,
    %swap3A_54 = vector.shape_cast %swap3A_53 : vector<16xi32> to vector<16xi32>
    %swap3A_55 = vector.shape_cast %add3A_51 : vector<16xi32> to vector<16xi32>
    tpu.vector_store %arg6[%swap3A_52], %swap3A_55 {strides = array<i32>} : memref<512xi32, #tpu.memory_space<vmem>>, vector<16xi32>,
    %get3A_56 = arith.constant 64 : index
    %get3A_57 = tpu.vector_load %arg5[%get3A_56] {strides = array<i32>} : memref<512xi32, #tpu.memory_space<vmem>>, vector<16xi32>,
    %get3A_58 = vector.shape_cast %get3A_57 : vector<16xi32> to vector<16xi32>
    %shift_right_arithmetic3A_59 = arith.constant 7 : i32
    %shift_right_arithmetic3A_60 = vector.broadcast %shift_right_arithmetic3A_59 : i32 to vector<16xi32>
    %shift_right_arithmetic3A_61 = arith.shrsi %get3A_58, %shift_right_arithmetic3A_60 : vector<16xi32>
    %mul3A_62 = arith.constant 896 : i32
    %mul3A_63 = vector.broadcast %mul3A_62 : i32 to vector<16xi32>
    %mul3A_64 = arith.muli %shift_right_arithmetic3A_61, %mul3A_63 : vector<16xi32>
    %add3A_65 = arith.addi %get3A_58, %mul3A_64 : vector<16xi32>
    %swap3A_66 = arith.constant 64 : index
    %swap3A_67 = tpu.vector_load %arg6[%swap3A_66] {strides = array<i32>} : memref<512xi32, #tpu.memory_space<vmem>>, vector<16xi32>,
    %swap3A_68 = vector.shape_cast %swap3A_67 : vector<16xi32> to vector<16xi32>
    %swap3A_69 = vector.shape_cast %add3A_65 : vector<16xi32> to vector<16xi32>
    tpu.vector_store %arg6[%swap3A_66], %swap3A_69 {strides = array<i32>} : memref<512xi32, #tpu.memory_space<vmem>>, vector<16xi32>,
    %get3A_70 = arith.constant 80 : index
    %get3A_71 = tpu.vector_load %arg5[%get3A_70] {strides = array<i32>} : memref<512xi32, #tpu.memory_space<vmem>>, vector<16xi32>,
    %get3A_72 = vector.shape_cast %get3A_71 : vector<16xi32> to vector<16xi32>
    %shift_right_arithmetic3A_73 = arith.constant 7 : i32
    %shift_right_arithmetic3A_74 = vector.broadcast %shift_right_arithmetic3A_73 : i32 to vector<16xi32>
    %shift_right_arithmetic3A_75 = arith.shrsi %get3A_72, %shift_right_arithmetic3A_74 : vector<16xi32>
    %mul3A_76 = arith.constant 896 : i32
    %mul3A_77 = vector.broadcast %mul3A_76 : i32 to vector<16xi32>
    %mul3A_78 = arith.muli %shift_right_arithmetic3A_75, %mul3A_77 : vector<16xi32>
    %add3A_79 = arith.addi %get3A_72, %mul3A_78 : vector<16xi32>
    %swap3A_80 = arith.constant 80 : index
    %swap3A_81 = tpu.vector_load %arg6[%swap3A_80] {strides = array<i32>} : memref<512xi32, #tpu.memory_space<vmem>>, vector<16xi32>,
    %swap3A_82 = vector.shape_cast %swap3A_81 : vector<16xi32> to vector<16xi32>
    %swap3A_83 = vector.shape_cast %add3A_79 : vector<16xi32> to vector<16xi32>
    tpu.vector_store %arg6[%swap3A_80], %swap3A_83 {strides = array<i32>} : memref<512xi32, #tpu.memory_space<vmem>>, vector<16xi32>,
    %get3A_84 = arith.constant 96 : index
    %get3A_85 = tpu.vector_load %arg5[%get3A_84] {strides = array<i32>} : memref<512xi32, #tpu.memory_space<vmem>>, vector<16xi32>,
    %get3A_86 = vector.shape_cast %get3A_85 : vector<16xi32> to vector<16xi32>
    %shift_right_arithmetic3A_87 = arith.constant 7 : i32
    %shift_right_arithmetic3A_88 = vector.broadcast %shift_right_arithmetic3A_87 : i32 to vector<16xi32>
    %shift_right_arithmetic3A_89 = arith.shrsi %get3A_86, %shift_right_arithmetic3A_88 : vector<16xi32>
    %mul3A_90 = arith.constant 896 : i32
    %mul3A_91 = vector.broadcast %mul3A_90 : i32 to vector<16xi32>
    %mul3A_92 = arith.muli %shift_right_arithmetic3A_89, %mul3A_91 : vector<16xi32>
    %add3A_93 = arith.addi %get3A_86, %mul3A_92 : vector<16xi32>
    %swap3A_94 = arith.constant 96 : index
    %swap3A_95 = tpu.vector_load %arg6[%swap3A_94] {strides = array<i32>} : memref<512xi32, #tpu.memory_space<vmem>>, vector<16xi32>,
    %swap3A_96 = vector.shape_cast %swap3A_95 : vector<16xi32> to vector<16xi32>
    %swap3A_97 = vector.shape_cast %add3A_93 : vector<16xi32> to vector<16xi32>
    tpu.vector_store %arg6[%swap3A_94], %swap3A_97 {strides = array<i32>} : memref<512xi32, #tpu.memory_space<vmem>>, vector<16xi32>,
    %get3A_98 = arith.constant 112 : index
    %get3A_99 = tpu.vector_load %arg5[%get3A_98] {strides = array<i32>} : memref<512xi32, #tpu.memory_space<vmem>>, vector<16xi32>,
    %get3A_100 = vector.shape_cast %get3A_99 : vector<16xi32> to vector<16xi32>
    %shift_right_arithmetic3A_101 = arith.constant 7 : i32
    %shift_right_arithmetic3A_102 = vector.broadcast %shift_right_arithmetic3A_101 : i32 to vector<16xi32>
    %shift_right_arithmetic3A_103 = arith.shrsi %get3A_100, %shift_right_arithmetic3A_102 : vector<16xi32>
    %mul3A_104 = arith.constant 896 : i32
    %mul3A_105 = vector.broadcast %mul3A_104 : i32 to vector<16xi32>
    %mul3A_106 = arith.muli %shift_right_arithmetic3A_103, %mul3A_105 : vector<16xi32>
    %add3A_107 = arith.addi %get3A_100, %mul3A_106 : vector<16xi32>
    %swap3A_108 = arith.constant 112 : index
    %swap3A_109 = tpu.vector_load %arg6[%swap3A_108] {strides = array<i32>} : memref<512xi32, #tpu.memory_space<vmem>>, vector<16xi32>,
    %swap3A_110 = vector.shape_cast %swap3A_109 : vector<16xi32> to vector<16xi32>
    %swap3A_111 = vector.shape_cast %add3A_107 : vector<16xi32> to vector<16xi32>
    tpu.vector_store %arg6[%swap3A_108], %swap3A_111 {strides = array<i32>} : memref<512xi32, #tpu.memory_space<vmem>>, vector<16xi32>,
    %get3A_112 = arith.constant 128 : index
    %get3A_113 = tpu.vector_load %arg5[%get3A_112] {strides = array<i32>} : memref<512xi32, #tpu.memory_space<vmem>>, vector<16xi32>,
    %get3A_114 = vector.shape_cast %get3A_113 : vector<16xi32> to vector<16xi32>
    %shift_right_arithmetic3A_115 = arith.constant 7 : i32
    %shift_right_arithmetic3A_116 = vector.broadcast %shift_right_arithmetic3A_115 : i32 to vector<16xi32>
    %shift_right_arithmetic3A_117 = arith.shrsi %get3A_114, %shift_right_arithmetic3A_116 : vector<16xi32>
    %mul3A_118 = arith.constant 896 : i32
    %mul3A_119 = vector.broadcast %mul3A_118 : i32 to vector<16xi32>
    %mul3A_120 = arith.muli %shift_right_arithmetic3A_117, %mul3A_119 : vector<16xi32>
    %add3A_121 = arith.addi %get3A_114, %mul3A_120 : vector<16xi32>
    %swap3A_122 = arith.constant 128 : index
    %swap3A_123 = tpu.vector_load %arg6[%swap3A_122] {strides = array<i32>} : memref<512xi32, #tpu.memory_space<vmem>>, vector<16xi32>,
    %swap3A_124 = vector.shape_cast %swap3A_123 : vector<16xi32> to vector<16xi32>
    %swap3A_125 = vector.shape_cast %add3A_121 : vector<16xi32> to vector<16xi32>
    tpu.vector_store %arg6[%swap3A_122], %swap3A_125 {strides = array<i32>} : memref<512xi32, #tpu.memory_space<vmem>>, vector<16xi32>,
    %get3A_126 = arith.constant 144 : index
    %get3A_127 = tpu.vector_load %arg5[%get3A_126] {strides = array<i32>} : memref<512xi32, #tpu.memory_space<vmem>>, vector<16xi32>,
    %get3A_128 = vector.shape_cast %get3A_127 : vector<16xi32> to vector<16xi32>
    %shift_right_arithmetic3A_129 = arith.constant 7 : i32
    %shift_right_arithmetic3A_130 = vector.broadcast %shift_right_arithmetic3A_129 : i32 to vector<16xi32>
    %shift_right_arithmetic3A_131 = arith.shrsi %get3A_128, %shift_right_arithmetic3A_130 : vector<16xi32>
    %mul3A_132 = arith.constant 896 : i32
    %mul3A_133 = vector.broadcast %mul3A_132 : i32 to vector<16xi32>
    %mul3A_134 = arith.muli %shift_right_arithmetic3A_131, %mul3A_133 : vector<16xi32>
    %add3A_135 = arith.addi %get3A_128, %mul3A_134 : vector<16xi32>
    %swap3A_136 = arith.constant 144 : index
    %swap3A_137 = tpu.vector_load %arg6[%swap3A_136] {strides = array<i32>} : memref<512xi32, #tpu.memory_space<vmem>>, vector<16xi32>,
    %swap3A_138 = vector.shape_cast %swap3A_137 : vector<16xi32> to vector<16xi32>
    %swap3A_139 = vector.shape_cast %add3A_135 : vector<16xi32> to vector<16xi32>
    tpu.vector_store %arg6[%swap3A_136], %swap3A_139 {strides = array<i32>} : memref<512xi32, #tpu.memory_space<vmem>>, vector<16xi32>,
    %get3A_140 = arith.constant 160 : index
    %get3A_141 = tpu.vector_load %arg5[%get3A_140] {strides = array<i32>} : memref<512xi32, #tpu.memory_space<vmem>>, vector<16xi32>,
    %get3A_142 = vector.shape_cast %get3A_141 : vector<16xi32> to vector<16xi32>
    %shift_right_arithmetic3A_143 = arith.constant 7 : i32
    %shift_right_arithmetic3A_144 = vector.broadcast %shift_right_arithmetic3A_143 : i32 to vector<16xi32>
    %shift_right_arithmetic3A_145 = arith.shrsi %get3A_142, %shift_right_arithmetic3A_144 : vector<16xi32>
    %mul3A_146 = arith.constant 896 : i32
    %mul3A_147 = vector.broadcast %mul3A_146 : i32 to vector<16xi32>
    %mul3A_148 = arith.muli %shift_right_arithmetic3A_145, %mul3A_147 : vector<16xi32>
    %add3A_149 = arith.addi %get3A_142, %mul3A_148 : vector<16xi32>
    %swap3A_150 = arith.constant 160 : index
    %swap3A_151 = tpu.vector_load %arg6[%swap3A_150] {strides = array<i32>} : memref<512xi32, #tpu.memory_space<vmem>>, vector<16xi32>,
    %swap3A_152 = vector.shape_cast %swap3A_151 : vector<16xi32> to vector<16xi32>
    %swap3A_153 = vector.shape_cast %add3A_149 : vector<16xi32> to vector<16xi32>
    tpu.vector_store %arg6[%swap3A_150], %swap3A_153 {strides = array<i32>} : memref<512xi32, #tpu.memory_space<vmem>>, vector<16xi32>,
    %get3A_154 = arith.constant 176 : index
    %get3A_155 = tpu.vector_load %arg5[%get3A_154] {strides = array<i32>} : memref<512xi32, #tpu.memory_space<vmem>>, vector<16xi32>,
    %get3A_156 = vector.shape_cast %get3A_155 : vector<16xi32> to vector<16xi32>
    %shift_right_arithmetic3A_157 = arith.constant 7 : i32
    %shift_right_arithmetic3A_158 = vector.broadcast %shift_right_arithmetic3A_157 : i32 to vector<16xi32>
    %shift_right_arithmetic3A_159 = arith.shrsi %get3A_156, %shift_right_arithmetic3A_158 : vector<16xi32>
    %mul3A_160 = arith.constant 896 : i32
    %mul3A_161 = vector.broadcast %mul3A_160 : i32 to vector<16xi32>
    %mul3A_162 = arith.muli %shift_right_arithmetic3A_159, %mul3A_161 : vector<16xi32>
    %add3A_163 = arith.addi %get3A_156, %mul3A_162 : vector<16xi32>
    %swap3A_164 = arith.constant 176 : index
    %swap3A_165 = tpu.vector_load %arg6[%swap3A_164] {strides = array<i32>} : memref<512xi32, #tpu.memory_space<vmem>>, vector<16xi32>,
    %swap3A_166 = vector.shape_cast %swap3A_165 : vector<16xi32> to vector<16xi32>
    %swap3A_167 = vector.shape_cast %add3A_163 : vector<16xi32> to vector<16xi32>
    tpu.vector_store %arg6[%swap3A_164], %swap3A_167 {strides = array<i32>} : memref<512xi32, #tpu.memory_space<vmem>>, vector<16xi32>,
    %get3A_168 = arith.constant 192 : index
    %get3A_169 = tpu.vector_load %arg5[%get3A_168] {strides = array<i32>} : memref<512xi32, #tpu.memory_space<vmem>>, vector<16xi32>,
    %get3A_170 = vector.shape_cast %get3A_169 : vector<16xi32> to vector<16xi32>
    %shift_right_arithmetic3A_171 = arith.constant 7 : i32
    %shift_right_arithmetic3A_172 = vector.broadcast %shift_right_arithmetic3A_171 : i32 to vector<16xi32>
    %shift_right_arithmetic3A_173 = arith.shrsi %get3A_170, %shift_right_arithmetic3A_172 : vector<16xi32>
    %mul3A_174 = arith.constant 896 : i32
    %mul3A_175 = vector.broadcast %mul3A_174 : i32 to vector<16xi32>
    %mul3A_176 = arith.muli %shift_right_arithmetic3A_173, %mul3A_175 : vector<16xi32>
    %add3A_177 = arith.addi %get3A_170, %mul3A_176 : vector<16xi32>
    %swap3A_178 = arith.constant 192 : index
    %swap3A_179 = tpu.vector_load %arg6[%swap3A_178] {strides = array<i32>} : memref<512xi32, #tpu.memory_space<vmem>>, vector<16xi32>,
    %swap3A_180 = vector.shape_cast %swap3A_179 : vector<16xi32> to vector<16xi32>
    %swap3A_181 = vector.shape_cast %add3A_177 : vector<16xi32> to vector<16xi32>
    tpu.vector_store %arg6[%swap3A_178], %swap3A_181 {strides = array<i32>} : memref<512xi32, #tpu.memory_space<vmem>>, vector<16xi32>,
    %get3A_182 = arith.constant 208 : index
    %get3A_183 = tpu.vector_load %arg5[%get3A_182] {strides = array<i32>} : memref<512xi32, #tpu.memory_space<vmem>>, vector<16xi32>,
    %get3A_184 = vector.shape_cast %get3A_183 : vector<16xi32> to vector<16xi32>
    %shift_right_arithmetic3A_185 = arith.constant 7 : i32
    %shift_right_arithmetic3A_186 = vector.broadcast %shift_right_arithmetic3A_185 : i32 to vector<16xi32>
    %shift_right_arithmetic3A_187 = arith.shrsi %get3A_184, %shift_right_arithmetic3A_186 : vector<16xi32>
    %mul3A_188 = arith.constant 896 : i32
    %mul3A_189 = vector.broadcast %mul3A_188 : i32 to vector<16xi32>
    %mul3A_190 = arith.muli %shift_right_arithmetic3A_187, %mul3A_189 : vector<16xi32>
    %add3A_191 = arith.addi %get3A_184, %mul3A_190 : vector<16xi32>
    %swap3A_192 = arith.constant 208 : index
    %swap3A_193 = tpu.vector_load %arg6[%swap3A_192] {strides = array<i32>} : memref<512xi32, #tpu.memory_space<vmem>>, vector<16xi32>,
    %swap3A_194 = vector.shape_cast %swap3A_193 : vector<16xi32> to vector<16xi32>
    %swap3A_195 = vector.shape_cast %add3A_191 : vector<16xi32> to vector<16xi32>
    tpu.vector_store %arg6[%swap3A_192], %swap3A_195 {strides = array<i32>} : memref<512xi32, #tpu.memory_space<vmem>>, vector<16xi32>,
    %get3A_196 = arith.constant 224 : index
    %get3A_197 = tpu.vector_load %arg5[%get3A_196] {strides = array<i32>} : memref<512xi32, #tpu.memory_space<vmem>>, vector<16xi32>,
    %get3A_198 = vector.shape_cast %get3A_197 : vector<16xi32> to vector<16xi32>
    %shift_right_arithmetic3A_199 = arith.constant 7 : i32
    %shift_right_arithmetic3A_200 = vector.broadcast %shift_right_arithmetic3A_199 : i32 to vector<16xi32>
    %shift_right_arithmetic3A_201 = arith.shrsi %get3A_198, %shift_right_arithmetic3A_200 : vector<16xi32>
    %mul3A_202 = arith.constant 896 : i32
    %mul3A_203 = vector.broadcast %mul3A_202 : i32 to vector<16xi32>
    %mul3A_204 = arith.muli %shift_right_arithmetic3A_201, %mul3A_203 : vector<16xi32>
    %add3A_205 = arith.addi %get3A_198, %mul3A_204 : vector<16xi32>
    %swap3A_206 = arith.constant 224 : index
    %swap3A_207 = tpu.vector_load %arg6[%swap3A_206] {strides = array<i32>} : memref<512xi32, #tpu.memory_space<vmem>>, vector<16xi32>,
    %swap3A_208 = vector.shape_cast %swap3A_207 : vector<16xi32> to vector<16xi32>
    %swap3A_209 = vector.shape_cast %add3A_205 : vector<16xi32> to vector<16xi32>
    tpu.vector_store %arg6[%swap3A_206], %swap3A_209 {strides = array<i32>} : memref<512xi32, #tpu.memory_space<vmem>>, vector<16xi32>,
    %get3A_210 = arith.constant 240 : index
    %get3A_211 = tpu.vector_load %arg5[%get3A_210] {strides = array<i32>} : memref<512xi32, #tpu.memory_space<vmem>>, vector<16xi32>,
    %get3A_212 = vector.shape_cast %get3A_211 : vector<16xi32> to vector<16xi32>
    %shift_right_arithmetic3A_213 = arith.constant 7 : i32
    %shift_right_arithmetic3A_214 = vector.broadcast %shift_right_arithmetic3A_213 : i32 to vector<16xi32>
    %shift_right_arithmetic3A_215 = arith.shrsi %get3A_212, %shift_right_arithmetic3A_214 : vector<16xi32>
    %mul3A_216 = arith.constant 896 : i32
    %mul3A_217 = vector.broadcast %mul3A_216 : i32 to vector<16xi32>
    %mul3A_218 = arith.muli %shift_right_arithmetic3A_215, %mul3A_217 : vector<16xi32>
    %add3A_219 = arith.addi %get3A_212, %mul3A_218 : vector<16xi32>
    %swap3A_220 = arith.constant 240 : index
    %swap3A_221 = tpu.vector_load %arg6[%swap3A_220] {strides = array<i32>} : memref<512xi32, #tpu.memory_space<vmem>>, vector<16xi32>,
    %swap3A_222 = vector.shape_cast %swap3A_221 : vector<16xi32> to vector<16xi32>
    %swap3A_223 = vector.shape_cast %add3A_219 : vector<16xi32> to vector<16xi32>
    tpu.vector_store %arg6[%swap3A_220], %swap3A_223 {strides = array<i32>} : memref<512xi32, #tpu.memory_space<vmem>>, vector<16xi32>,
    %get3A_224 = arith.constant 256 : index
    %get3A_225 = tpu.vector_load %arg5[%get3A_224] {strides = array<i32>} : memref<512xi32, #tpu.memory_space<vmem>>, vector<16xi32>,
    %get3A_226 = vector.shape_cast %get3A_225 : vector<16xi32> to vector<16xi32>
    %shift_right_arithmetic3A_227 = arith.constant 7 : i32
    %shift_right_arithmetic3A_228 = vector.broadcast %shift_right_arithmetic3A_227 : i32 to vector<16xi32>
    %shift_right_arithmetic3A_229 = arith.shrsi %get3A_226, %shift_right_arithmetic3A_228 : vector<16xi32>
    %mul3A_230 = arith.constant 896 : i32
    %mul3A_231 = vector.broadcast %mul3A_230 : i32 to vector<16xi32>
    %mul3A_232 = arith.muli %shift_right_arithmetic3A_229, %mul3A_231 : vector<16xi32>
    %add3A_233 = arith.addi %get3A_226, %mul3A_232 : vector<16xi32>
    %swap3A_234 = arith.constant 256 : index
    %swap3A_235 = tpu.vector_load %arg6[%swap3A_234] {strides = array<i32>} : memref<512xi32, #tpu.memory_space<vmem>>, vector<16xi32>,
    %swap3A_236 = vector.shape_cast %swap3A_235 : vector<16xi32> to vector<16xi32>
    %swap3A_237 = vector.shape_cast %add3A_233 : vector<16xi32> to vector<16xi32>
    tpu.vector_store %arg6[%swap3A_234], %swap3A_237 {strides = array<i32>} : memref<512xi32, #tpu.memory_space<vmem>>, vector<16xi32>,
    %get3A_238 = arith.constant 272 : index
    %get3A_239 = tpu.vector_load %arg5[%get3A_238] {strides = array<i32>} : memref<512xi32, #tpu.memory_space<vmem>>, vector<16xi32>,
    %get3A_240 = vector.shape_cast %get3A_239 : vector<16xi32> to vector<16xi32>
    %shift_right_arithmetic3A_241 = arith.constant 7 : i32
    %shift_right_arithmetic3A_242 = vector.broadcast %shift_right_arithmetic3A_241 : i32 to vector<16xi32>
    %shift_right_arithmetic3A_243 = arith.shrsi %get3A_240, %shift_right_arithmetic3A_242 : vector<16xi32>
    %mul3A_244 = arith.constant 896 : i32
    %mul3A_245 = vector.broadcast %mul3A_244 : i32 to vector<16xi32>
    %mul3A_246 = arith.muli %shift_right_arithmetic3A_243, %mul3A_245 : vector<16xi32>
    %add3A_247 = arith.addi %get3A_240, %mul3A_246 : vector<16xi32>
    %swap3A_248 = arith.constant 272 : index
    %swap3A_249 = tpu.vector_load %arg6[%swap3A_248] {strides = array<i32>} : memref<512xi32, #tpu.memory_space<vmem>>, vector<16xi32>,
    %swap3A_250 = vector.shape_cast %swap3A_249 : vector<16xi32> to vector<16xi32>
    %swap3A_251 = vector.shape_cast %add3A_247 : vector<16xi32> to vector<16xi32>
    tpu.vector_store %arg6[%swap3A_248], %swap3A_251 {strides = array<i32>} : memref<512xi32, #tpu.memory_space<vmem>>, vector<16xi32>,
    %get3A_252 = arith.constant 288 : index
    %get3A_253 = tpu.vector_load %arg5[%get3A_252] {strides = array<i32>} : memref<512xi32, #tpu.memory_space<vmem>>, vector<16xi32>,
    %get3A_254 = vector.shape_cast %get3A_253 : vector<16xi32> to vector<16xi32>
    %shift_right_arithmetic3A_255 = arith.constant 7 : i32
    %shift_right_arithmetic3A_256 = vector.broadcast %shift_right_arithmetic3A_255 : i32 to vector<16xi32>
    %shift_right_arithmetic3A_257 = arith.shrsi %get3A_254, %shift_right_arithmetic3A_256 : vector<16xi32>
    %mul3A_258 = arith.constant 896 : i32
    %mul3A_259 = vector.broadcast %mul3A_258 : i32 to vector<16xi32>
    %mul3A_260 = arith.muli %shift_right_arithmetic3A_257, %mul3A_259 : vector<16xi32>
    %add3A_261 = arith.addi %get3A_254, %mul3A_260 : vector<16xi32>
    %swap3A_262 = arith.constant 288 : index
    %swap3A_263 = tpu.vector_load %arg6[%swap3A_262] {strides = array<i32>} : memref<512xi32, #tpu.memory_space<vmem>>, vector<16xi32>,
    %swap3A_264 = vector.shape_cast %swap3A_263 : vector<16xi32> to vector<16xi32>
    %swap3A_265 = vector.shape_cast %add3A_261 : vector<16xi32> to vector<16xi32>
    tpu.vector_store %arg6[%swap3A_262], %swap3A_265 {strides = array<i32>} : memref<512xi32, #tpu.memory_space<vmem>>, vector<16xi32>,
    %get3A_266 = arith.constant 304 : index
    %get3A_267 = tpu.vector_load %arg5[%get3A_266] {strides = array<i32>} : memref<512xi32, #tpu.memory_space<vmem>>, vector<16xi32>,
    %get3A_268 = vector.shape_cast %get3A_267 : vector<16xi32> to vector<16xi32>
    %shift_right_arithmetic3A_269 = arith.constant 7 : i32
    %shift_right_arithmetic3A_270 = vector.broadcast %shift_right_arithmetic3A_269 : i32 to vector<16xi32>
    %shift_right_arithmetic3A_271 = arith.shrsi %get3A_268, %shift_right_arithmetic3A_270 : vector<16xi32>
    %mul3A_272 = arith.constant 896 : i32
    %mul3A_273 = vector.broadcast %mul3A_272 : i32 to vector<16xi32>
    %mul3A_274 = arith.muli %shift_right_arithmetic3A_271, %mul3A_273 : vector<16xi32>
    %add3A_275 = arith.addi %get3A_268, %mul3A_274 : vector<16xi32>
    %swap3A_276 = arith.constant 304 : index
    %swap3A_277 = tpu.vector_load %arg6[%swap3A_276] {strides = array<i32>} : memref<512xi32, #tpu.memory_space<vmem>>, vector<16xi32>,
    %swap3A_278 = vector.shape_cast %swap3A_277 : vector<16xi32> to vector<16xi32>
    %swap3A_279 = vector.shape_cast %add3A_275 : vector<16xi32> to vector<16xi32>
    tpu.vector_store %arg6[%swap3A_276], %swap3A_279 {strides = array<i32>} : memref<512xi32, #tpu.memory_space<vmem>>, vector<16xi32>,
    %get3A_280 = arith.constant 320 : index
    %get3A_281 = tpu.vector_load %arg5[%get3A_280] {strides = array<i32>} : memref<512xi32, #tpu.memory_space<vmem>>, vector<16xi32>,
    %get3A_282 = vector.shape_cast %get3A_281 : vector<16xi32> to vector<16xi32>
    %shift_right_arithmetic3A_283 = arith.constant 7 : i32
    %shift_right_arithmetic3A_284 = vector.broadcast %shift_right_arithmetic3A_283 : i32 to vector<16xi32>
    %shift_right_arithmetic3A_285 = arith.shrsi %get3A_282, %shift_right_arithmetic3A_284 : vector<16xi32>
    %mul3A_286 = arith.constant 896 : i32
    %mul3A_287 = vector.broadcast %mul3A_286 : i32 to vector<16xi32>
    %mul3A_288 = arith.muli %shift_right_arithmetic3A_285, %mul3A_287 : vector<16xi32>
    %add3A_289 = arith.addi %get3A_282, %mul3A_288 : vector<16xi32>
    %swap3A_290 = arith.constant 320 : index
    %swap3A_291 = tpu.vector_load %arg6[%swap3A_290] {strides = array<i32>} : memref<512xi32, #tpu.memory_space<vmem>>, vector<16xi32>,
    %swap3A_292 = vector.shape_cast %swap3A_291 : vector<16xi32> to vector<16xi32>
    %swap3A_293 = vector.shape_cast %add3A_289 : vector<16xi32> to vector<16xi32>
    tpu.vector_store %arg6[%swap3A_290], %swap3A_293 {strides = array<i32>} : memref<512xi32, #tpu.memory_space<vmem>>, vector<16xi32>,
    %get3A_294 = arith.constant 336 : index
    %get3A_295 = tpu.vector_load %arg5[%get3A_294] {strides = array<i32>} : memref<512xi32, #tpu.memory_space<vmem>>, vector<16xi32>,
    %get3A_296 = vector.shape_cast %get3A_295 : vector<16xi32> to vector<16xi32>
    %shift_right_arithmetic3A_297 = arith.constant 7 : i32
    %shift_right_arithmetic3A_298 = vector.broadcast %shift_right_arithmetic3A_297 : i32 to vector<16xi32>
    %shift_right_arithmetic3A_299 = arith.shrsi %get3A_296, %shift_right_arithmetic3A_298 : vector<16xi32>
    %mul3A_300 = arith.constant 896 : i32
    %mul3A_301 = vector.broadcast %mul3A_300 : i32 to vector<16xi32>
    %mul3A_302 = arith.muli %shift_right_arithmetic3A_299, %mul3A_301 : vector<16xi32>
    %add3A_303 = arith.addi %get3A_296, %mul3A_302 : vector<16xi32>
    %swap3A_304 = arith.constant 336 : index
    %swap3A_305 = tpu.vector_load %arg6[%swap3A_304] {strides = array<i32>} : memref<512xi32, #tpu.memory_space<vmem>>, vector<16xi32>,
    %swap3A_306 = vector.shape_cast %swap3A_305 : vector<16xi32> to vector<16xi32>
    %swap3A_307 = vector.shape_cast %add3A_303 : vector<16xi32> to vector<16xi32>
    tpu.vector_store %arg6[%swap3A_304], %swap3A_307 {strides = array<i32>} : memref<512xi32, #tpu.memory_space<vmem>>, vector<16xi32>,
    %get3A_308 = arith.constant 352 : index
    %get3A_309 = tpu.vector_load %arg5[%get3A_308] {strides = array<i32>} : memref<512xi32, #tpu.memory_space<vmem>>, vector<16xi32>,
    %get3A_310 = vector.shape_cast %get3A_309 : vector<16xi32> to vector<16xi32>
    %shift_right_arithmetic3A_311 = arith.constant 7 : i32
    %shift_right_arithmetic3A_312 = vector.broadcast %shift_right_arithmetic3A_311 : i32 to vector<16xi32>
    %shift_right_arithmetic3A_313 = arith.shrsi %get3A_310, %shift_right_arithmetic3A_312 : vector<16xi32>
    %mul3A_314 = arith.constant 896 : i32
    %mul3A_315 = vector.broadcast %mul3A_314 : i32 to vector<16xi32>
    %mul3A_316 = arith.muli %shift_right_arithmetic3A_313, %mul3A_315 : vector<16xi32>
    %add3A_317 = arith.addi %get3A_310, %mul3A_316 : vector<16xi32>
    %swap3A_318 = arith.constant 352 : index
    %swap3A_319 = tpu.vector_load %arg6[%swap3A_318] {strides = array<i32>} : memref<512xi32, #tpu.memory_space<vmem>>, vector<16xi32>,
    %swap3A_320 = vector.shape_cast %swap3A_319 : vector<16xi32> to vector<16xi32>
    %swap3A_321 = vector.shape_cast %add3A_317 : vector<16xi32> to vector<16xi32>
    tpu.vector_store %arg6[%swap3A_318], %swap3A_321 {strides = array<i32>} : memref<512xi32, #tpu.memory_space<vmem>>, vector<16xi32>,
    %get3A_322 = arith.constant 368 : index
    %get3A_323 = tpu.vector_load %arg5[%get3A_322] {strides = array<i32>} : memref<512xi32, #tpu.memory_space<vmem>>, vector<16xi32>,
    %get3A_324 = vector.shape_cast %get3A_323 : vector<16xi32> to vector<16xi32>
    %shift_right_arithmetic3A_325 = arith.constant 7 : i32
    %shift_right_arithmetic3A_326 = vector.broadcast %shift_right_arithmetic3A_325 : i32 to vector<16xi32>
    %shift_right_arithmetic3A_327 = arith.shrsi %get3A_324, %shift_right_arithmetic3A_326 : vector<16xi32>
    %mul3A_328 = arith.constant 896 : i32
    %mul3A_329 = vector.broadcast %mul3A_328 : i32 to vector<16xi32>
    %mul3A_330 = arith.muli %shift_right_arithmetic3A_327, %mul3A_329 : vector<16xi32>
    %add3A_331 = arith.addi %get3A_324, %mul3A_330 : vector<16xi32>
    %swap3A_332 = arith.constant 368 : index
    %swap3A_333 = tpu.vector_load %arg6[%swap3A_332] {strides = array<i32>} : memref<512xi32, #tpu.memory_space<vmem>>, vector<16xi32>,
    %swap3A_334 = vector.shape_cast %swap3A_333 : vector<16xi32> to vector<16xi32>
    %swap3A_335 = vector.shape_cast %add3A_331 : vector<16xi32> to vector<16xi32>
    tpu.vector_store %arg6[%swap3A_332], %swap3A_335 {strides = array<i32>} : memref<512xi32, #tpu.memory_space<vmem>>, vector<16xi32>,
    %get3A_336 = arith.constant 384 : index
    %get3A_337 = tpu.vector_load %arg5[%get3A_336] {strides = array<i32>} : memref<512xi32, #tpu.memory_space<vmem>>, vector<16xi32>,
    %get3A_338 = vector.shape_cast %get3A_337 : vector<16xi32> to vector<16xi32>
    %shift_right_arithmetic3A_339 = arith.constant 7 : i32
    %shift_right_arithmetic3A_340 = vector.broadcast %shift_right_arithmetic3A_339 : i32 to vector<16xi32>
    %shift_right_arithmetic3A_341 = arith.shrsi %get3A_338, %shift_right_arithmetic3A_340 : vector<16xi32>
    %mul3A_342 = arith.constant 896 : i32
    %mul3A_343 = vector.broadcast %mul3A_342 : i32 to vector<16xi32>
    %mul3A_344 = arith.muli %shift_right_arithmetic3A_341, %mul3A_343 : vector<16xi32>
    %add3A_345 = arith.addi %get3A_338, %mul3A_344 : vector<16xi32>
    %swap3A_346 = arith.constant 384 : index
    %swap3A_347 = tpu.vector_load %arg6[%swap3A_346] {strides = array<i32>} : memref<512xi32, #tpu.memory_space<vmem>>, vector<16xi32>,
    %swap3A_348 = vector.shape_cast %swap3A_347 : vector<16xi32> to vector<16xi32>
    %swap3A_349 = vector.shape_cast %add3A_345 : vector<16xi32> to vector<16xi32>
    tpu.vector_store %arg6[%swap3A_346], %swap3A_349 {strides = array<i32>} : memref<512xi32, #tpu.memory_space<vmem>>, vector<16xi32>,
    %get3A_350 = arith.constant 400 : index
    %get3A_351 = tpu.vector_load %arg5[%get3A_350] {strides = array<i32>} : memref<512xi32, #tpu.memory_space<vmem>>, vector<16xi32>,
    %get3A_352 = vector.shape_cast %get3A_351 : vector<16xi32> to vector<16xi32>
    %shift_right_arithmetic3A_353 = arith.constant 7 : i32
    %shift_right_arithmetic3A_354 = vector.broadcast %shift_right_arithmetic3A_353 : i32 to vector<16xi32>
    %shift_right_arithmetic3A_355 = arith.shrsi %get3A_352, %shift_right_arithmetic3A_354 : vector<16xi32>
    %mul3A_356 = arith.constant 896 : i32
    %mul3A_357 = vector.broadcast %mul3A_356 : i32 to vector<16xi32>
    %mul3A_358 = arith.muli %shift_right_arithmetic3A_355, %mul3A_357 : vector<16xi32>
    %add3A_359 = arith.addi %get3A_352, %mul3A_358 : vector<16xi32>
    %swap3A_360 = arith.constant 400 : index
    %swap3A_361 = tpu.vector_load %arg6[%swap3A_360] {strides = array<i32>} : memref<512xi32, #tpu.memory_space<vmem>>, vector<16xi32>,
    %swap3A_362 = vector.shape_cast %swap3A_361 : vector<16xi32> to vector<16xi32>
    %swap3A_363 = vector.shape_cast %add3A_359 : vector<16xi32> to vector<16xi32>
    tpu.vector_store %arg6[%swap3A_360], %swap3A_363 {strides = array<i32>} : memref<512xi32, #tpu.memory_space<vmem>>, vector<16xi32>,
    %get3A_364 = arith.constant 416 : index
    %get3A_365 = tpu.vector_load %arg5[%get3A_364] {strides = array<i32>} : memref<512xi32, #tpu.memory_space<vmem>>, vector<16xi32>,
    %get3A_366 = vector.shape_cast %get3A_365 : vector<16xi32> to vector<16xi32>
    %shift_right_arithmetic3A_367 = arith.constant 7 : i32
    %shift_right_arithmetic3A_368 = vector.broadcast %shift_right_arithmetic3A_367 : i32 to vector<16xi32>
    %shift_right_arithmetic3A_369 = arith.shrsi %get3A_366, %shift_right_arithmetic3A_368 : vector<16xi32>
    %mul3A_370 = arith.constant 896 : i32
    %mul3A_371 = vector.broadcast %mul3A_370 : i32 to vector<16xi32>
    %mul3A_372 = arith.muli %shift_right_arithmetic3A_369, %mul3A_371 : vector<16xi32>
    %add3A_373 = arith.addi %get3A_366, %mul3A_372 : vector<16xi32>
    %swap3A_374 = arith.constant 416 : index
    %swap3A_375 = tpu.vector_load %arg6[%swap3A_374] {strides = array<i32>} : memref<512xi32, #tpu.memory_space<vmem>>, vector<16xi32>,
    %swap3A_376 = vector.shape_cast %swap3A_375 : vector<16xi32> to vector<16xi32>
    %swap3A_377 = vector.shape_cast %add3A_373 : vector<16xi32> to vector<16xi32>
    tpu.vector_store %arg6[%swap3A_374], %swap3A_377 {strides = array<i32>} : memref<512xi32, #tpu.memory_space<vmem>>, vector<16xi32>,
    %get3A_378 = arith.constant 432 : index
    %get3A_379 = tpu.vector_load %arg5[%get3A_378] {strides = array<i32>} : memref<512xi32, #tpu.memory_space<vmem>>, vector<16xi32>,
    %get3A_380 = vector.shape_cast %get3A_379 : vector<16xi32> to vector<16xi32>
    %shift_right_arithmetic3A_381 = arith.constant 7 : i32
    %shift_right_arithmetic3A_382 = vector.broadcast %shift_right_arithmetic3A_381 : i32 to vector<16xi32>
    %shift_right_arithmetic3A_383 = arith.shrsi %get3A_380, %shift_right_arithmetic3A_382 : vector<16xi32>
    %mul3A_384 = arith.constant 896 : i32
    %mul3A_385 = vector.broadcast %mul3A_384 : i32 to vector<16xi32>
    %mul3A_386 = arith.muli %shift_right_arithmetic3A_383, %mul3A_385 : vector<16xi32>
    %add3A_387 = arith.addi %get3A_380, %mul3A_386 : vector<16xi32>
    %swap3A_388 = arith.constant 432 : index
    %swap3A_389 = tpu.vector_load %arg6[%swap3A_388] {strides = array<i32>} : memref<512xi32, #tpu.memory_space<vmem>>, vector<16xi32>,
    %swap3A_390 = vector.shape_cast %swap3A_389 : vector<16xi32> to vector<16xi32>
    %swap3A_391 = vector.shape_cast %add3A_387 : vector<16xi32> to vector<16xi32>
    tpu.vector_store %arg6[%swap3A_388], %swap3A_391 {strides = array<i32>} : memref<512xi32, #tpu.memory_space<vmem>>, vector<16xi32>,
    %get3A_392 = arith.constant 448 : index
    %get3A_393 = tpu.vector_load %arg5[%get3A_392] {strides = array<i32>} : memref<512xi32, #tpu.memory_space<vmem>>, vector<16xi32>,
    %get3A_394 = vector.shape_cast %get3A_393 : vector<16xi32> to vector<16xi32>
    %shift_right_arithmetic3A_395 = arith.constant 7 : i32
    %shift_right_arithmetic3A_396 = vector.broadcast %shift_right_arithmetic3A_395 : i32 to vector<16xi32>
    %shift_right_arithmetic3A_397 = arith.shrsi %get3A_394, %shift_right_arithmetic3A_396 : vector<16xi32>
    %mul3A_398 = arith.constant 896 : i32
    %mul3A_399 = vector.broadcast %mul3A_398 : i32 to vector<16xi32>
    %mul3A_400 = arith.muli %shift_right_arithmetic3A_397, %mul3A_399 : vector<16xi32>
    %add3A_401 = arith.addi %get3A_394, %mul3A_400 : vector<16xi32>
    %swap3A_402 = arith.constant 448 : index
    %swap3A_403 = tpu.vector_load %arg6[%swap3A_402] {strides = array<i32>} : memref<512xi32, #tpu.memory_space<vmem>>, vector<16xi32>,
    %swap3A_404 = vector.shape_cast %swap3A_403 : vector<16xi32> to vector<16xi32>
    %swap3A_405 = vector.shape_cast %add3A_401 : vector<16xi32> to vector<16xi32>
    tpu.vector_store %arg6[%swap3A_402], %swap3A_405 {strides = array<i32>} : memref<512xi32, #tpu.memory_space<vmem>>, vector<16xi32>,
    %get3A_406 = arith.constant 464 : index
    %get3A_407 = tpu.vector_load %arg5[%get3A_406] {strides = array<i32>} : memref<512xi32, #tpu.memory_space<vmem>>, vector<16xi32>,
    %get3A_408 = vector.shape_cast %get3A_407 : vector<16xi32> to vector<16xi32>
    %shift_right_arithmetic3A_409 = arith.constant 7 : i32
    %shift_right_arithmetic3A_410 = vector.broadcast %shift_right_arithmetic3A_409 : i32 to vector<16xi32>
    %shift_right_arithmetic3A_411 = arith.shrsi %get3A_408, %shift_right_arithmetic3A_410 : vector<16xi32>
    %mul3A_412 = arith.constant 896 : i32
    %mul3A_413 = vector.broadcast %mul3A_412 : i32 to vector<16xi32>
    %mul3A_414 = arith.muli %shift_right_arithmetic3A_411, %mul3A_413 : vector<16xi32>
    %add3A_415 = arith.addi %get3A_408, %mul3A_414 : vector<16xi32>
    %swap3A_416 = arith.constant 464 : index
    %swap3A_417 = tpu.vector_load %arg6[%swap3A_416] {strides = array<i32>} : memref<512xi32, #tpu.memory_space<vmem>>, vector<16xi32>,
    %swap3A_418 = vector.shape_cast %swap3A_417 : vector<16xi32> to vector<16xi32>
    %swap3A_419 = vector.shape_cast %add3A_415 : vector<16xi32> to vector<16xi32>
    tpu.vector_store %arg6[%swap3A_416], %swap3A_419 {strides = array<i32>} : memref<512xi32, #tpu.memory_space<vmem>>, vector<16xi32>,
    %get3A_420 = arith.constant 480 : index
    %get3A_421 = tpu.vector_load %arg5[%get3A_420] {strides = array<i32>} : memref<512xi32, #tpu.memory_space<vmem>>, vector<16xi32>,
    %get3A_422 = vector.shape_cast %get3A_421 : vector<16xi32> to vector<16xi32>
    %shift_right_arithmetic3A_423 = arith.constant 7 : i32
    %shift_right_arithmetic3A_424 = vector.broadcast %shift_right_arithmetic3A_423 : i32 to vector<16xi32>
    %shift_right_arithmetic3A_425 = arith.shrsi %get3A_422, %shift_right_arithmetic3A_424 : vector<16xi32>
    %mul3A_426 = arith.constant 896 : i32
    %mul3A_427 = vector.broadcast %mul3A_426 : i32 to vector<16xi32>
    %mul3A_428 = arith.muli %shift_right_arithmetic3A_425, %mul3A_427 : vector<16xi32>
    %add3A_429 = arith.addi %get3A_422, %mul3A_428 : vector<16xi32>
    %swap3A_430 = arith.constant 480 : index
    %swap3A_431 = tpu.vector_load %arg6[%swap3A_430] {strides = array<i32>} : memref<512xi32, #tpu.memory_space<vmem>>, vector<16xi32>,
    %swap3A_432 = vector.shape_cast %swap3A_431 : vector<16xi32> to vector<16xi32>
    %swap3A_433 = vector.shape_cast %add3A_429 : vector<16xi32> to vector<16xi32>
    tpu.vector_store %arg6[%swap3A_430], %swap3A_433 {strides = array<i32>} : memref<512xi32, #tpu.memory_space<vmem>>, vector<16xi32>,
    %get3A_434 = arith.constant 496 : index
    %get3A_435 = tpu.vector_load %arg5[%get3A_434] {strides = array<i32>} : memref<512xi32, #tpu.memory_space<vmem>>, vector<16xi32>,
    %get3A_436 = vector.shape_cast %get3A_435 : vector<16xi32> to vector<16xi32>
    %shift_right_arithmetic3A_437 = arith.constant 7 : i32
    %shift_right_arithmetic3A_438 = vector.broadcast %shift_right_arithmetic3A_437 : i32 to vector<16xi32>
    %shift_right_arithmetic3A_439 = arith.shrsi %get3A_436, %shift_right_arithmetic3A_438 : vector<16xi32>
    %mul3A_440 = arith.constant 896 : i32
    %mul3A_441 = vector.broadcast %mul3A_440 : i32 to vector<16xi32>
    %mul3A_442 = arith.muli %shift_right_arithmetic3A_439, %mul3A_441 : vector<16xi32>
    %add3A_443 = arith.addi %get3A_436, %mul3A_442 : vector<16xi32>
    %swap3A_444 = arith.constant 496 : index
    %swap3A_445 = tpu.vector_load %arg6[%swap3A_444] {strides = array<i32>} : memref<512xi32, #tpu.memory_space<vmem>>, vector<16xi32>,
    %swap3A_446 = vector.shape_cast %swap3A_445 : vector<16xi32> to vector<16xi32>
    %swap3A_447 = vector.shape_cast %add3A_443 : vector<16xi32> to vector<16xi32>
    tpu.vector_store %arg6[%swap3A_444], %swap3A_447 {strides = array<i32>} : memref<512xi32, #tpu.memory_space<vmem>>, vector<16xi32>,
    %dma_start3A = arith.constant 0 : i32
    %dma_start3A_448 = arith.constant 0 : i32
    %dma_start3A_449 = tpu.memref_slice %arg7[%dma_start3A, %dma_start3A_448] : memref<64x512xf32, #tpu.memory_space<vmem>> -> memref<1x512xf32, #tpu.memory_space<vmem>>
    %dma_start3A_450 = tpu.memref_squeeze %dma_start3A_449 : memref<1x512xf32, #tpu.memory_space<vmem>> -> memref<512xf32, #tpu.memory_space<vmem>>
    %dma_start3A_451 = arith.constant 0 : i32
    %dma_start3A_452 = tpu.memref_slice %arg2[%dma_start3A_451] : memref<64004096xf32, #tpu.memory_space<hbm>> -> memref<7999616xf32, #tpu.memory_space<hbm>>
    %dma_start3A_453 = arith.constant 0 : i32
    %dma_start3A_454 = tpu.memref_slice %dma_start3A_452[%dma_start3A_453] : memref<7999616xf32, #tpu.memory_space<hbm>> -> memref<7999616xf32, #tpu.memory_space<hbm>>
    tpu.enqueue_indirect_dma source(%dma_start3A_454 : memref<7999616xf32, #tpu.memory_space<hbm>>) target(%dma_start3A_450 : memref<512xf32, #tpu.memory_space<vmem>>) offsets(%arg6 : memref<512xi32, #tpu.memory_space<vmem>>) semaphore(%arg8 : memref<!tpu.dma_semaphore, #tpu.memory_space<semaphore_mem>>)
    %dma_start3A_455 = arith.constant 1 : i32
    %dma_start3A_456 = arith.constant 0 : i32
    %dma_start3A_457 = tpu.memref_slice %arg7[%dma_start3A_455, %dma_start3A_456] : memref<64x512xf32, #tpu.memory_space<vmem>> -> memref<1x512xf32, #tpu.memory_space<vmem>>
    %dma_start3A_458 = tpu.memref_squeeze %dma_start3A_457 : memref<1x512xf32, #tpu.memory_space<vmem>> -> memref<512xf32, #tpu.memory_space<vmem>>
    %dma_start3A_459 = arith.constant 128 : i32
    %dma_start3A_460 = tpu.memref_slice %arg2[%dma_start3A_459] : memref<64004096xf32, #tpu.memory_space<hbm>> -> memref<7999616xf32, #tpu.memory_space<hbm>>
    %dma_start3A_461 = arith.constant 0 : i32
    %dma_start3A_462 = tpu.memref_slice %dma_start3A_460[%dma_start3A_461] : memref<7999616xf32, #tpu.memory_space<hbm>> -> memref<7999616xf32, #tpu.memory_space<hbm>>
    tpu.enqueue_indirect_dma source(%dma_start3A_462 : memref<7999616xf32, #tpu.memory_space<hbm>>) target(%dma_start3A_458 : memref<512xf32, #tpu.memory_space<vmem>>) offsets(%arg6 : memref<512xi32, #tpu.memory_space<vmem>>) semaphore(%arg8 : memref<!tpu.dma_semaphore, #tpu.memory_space<semaphore_mem>>)
    %dma_start3A_463 = arith.constant 2 : i32
    %dma_start3A_464 = arith.constant 0 : i32
    %dma_start3A_465 = tpu.memref_slice %arg7[%dma_start3A_463, %dma_start3A_464] : memref<64x512xf32, #tpu.memory_space<vmem>> -> memref<1x512xf32, #tpu.memory_space<vmem>>
    %dma_start3A_466 = tpu.memref_squeeze %dma_start3A_465 : memref<1x512xf32, #tpu.memory_space<vmem>> -> memref<512xf32, #tpu.memory_space<vmem>>
    %dma_start3A_467 = arith.constant 256 : i32
    %dma_start3A_468 = tpu.memref_slice %arg2[%dma_start3A_467] : memref<64004096xf32, #tpu.memory_space<hbm>> -> memref<7999616xf32, #tpu.memory_space<hbm>>
    %dma_start3A_469 = arith.constant 0 : i32
    %dma_start3A_470 = tpu.memref_slice %dma_start3A_468[%dma_start3A_469] : memref<7999616xf32, #tpu.memory_space<hbm>> -> memref<7999616xf32, #tpu.memory_space<hbm>>
    tpu.enqueue_indirect_dma source(%dma_start3A_470 : memref<7999616xf32, #tpu.memory_space<hbm>>) target(%dma_start3A_466 : memref<512xf32, #tpu.memory_space<vmem>>) offsets(%arg6 : memref<512xi32, #tpu.memory_space<vmem>>) semaphore(%arg8 : memref<!tpu.dma_semaphore, #tpu.memory_space<semaphore_mem>>)
    %dma_start3A_471 = arith.constant 3 : i32
    %dma_start3A_472 = arith.constant 0 : i32
    %dma_start3A_473 = tpu.memref_slice %arg7[%dma_start3A_471, %dma_start3A_472] : memref<64x512xf32, #tpu.memory_space<vmem>> -> memref<1x512xf32, #tpu.memory_space<vmem>>
    %dma_start3A_474 = tpu.memref_squeeze %dma_start3A_473 : memref<1x512xf32, #tpu.memory_space<vmem>> -> memref<512xf32, #tpu.memory_space<vmem>>
    %dma_start3A_475 = arith.constant 384 : i32
    %dma_start3A_476 = tpu.memref_slice %arg2[%dma_start3A_475] : memref<64004096xf32, #tpu.memory_space<hbm>> -> memref<7999616xf32, #tpu.memory_space<hbm>>
    %dma_start3A_477 = arith.constant 0 : i32
    %dma_start3A_478 = tpu.memref_slice %dma_start3A_476[%dma_start3A_477] : memref<7999616xf32, #tpu.memory_space<hbm>> -> memref<7999616xf32, #tpu.memory_space<hbm>>
    tpu.enqueue_indirect_dma source(%dma_start3A_478 : memref<7999616xf32, #tpu.memory_space<hbm>>) target(%dma_start3A_474 : memref<512xf32, #tpu.memory_space<vmem>>) offsets(%arg6 : memref<512xi32, #tpu.memory_space<vmem>>) semaphore(%arg8 : memref<!tpu.dma_semaphore, #tpu.memory_space<semaphore_mem>>)
    %dma_start3A_479 = arith.constant 4 : i32
    %dma_start3A_480 = arith.constant 0 : i32
    %dma_start3A_481 = tpu.memref_slice %arg7[%dma_start3A_479, %dma_start3A_480] : memref<64x512xf32, #tpu.memory_space<vmem>> -> memref<1x512xf32, #tpu.memory_space<vmem>>
    %dma_start3A_482 = tpu.memref_squeeze %dma_start3A_481 : memref<1x512xf32, #tpu.memory_space<vmem>> -> memref<512xf32, #tpu.memory_space<vmem>>
    %dma_start3A_483 = arith.constant 512 : i32
    %dma_start3A_484 = tpu.memref_slice %arg2[%dma_start3A_483] : memref<64004096xf32, #tpu.memory_space<hbm>> -> memref<7999616xf32, #tpu.memory_space<hbm>>
    %dma_start3A_485 = arith.constant 0 : i32
    %dma_start3A_486 = tpu.memref_slice %dma_start3A_484[%dma_start3A_485] : memref<7999616xf32, #tpu.memory_space<hbm>> -> memref<7999616xf32, #tpu.memory_space<hbm>>
    tpu.enqueue_indirect_dma source(%dma_start3A_486 : memref<7999616xf32, #tpu.memory_space<hbm>>) target(%dma_start3A_482 : memref<512xf32, #tpu.memory_space<vmem>>) offsets(%arg6 : memref<512xi32, #tpu.memory_space<vmem>>) semaphore(%arg8 : memref<!tpu.dma_semaphore, #tpu.memory_space<semaphore_mem>>)
    %dma_start3A_487 = arith.constant 5 : i32
    %dma_start3A_488 = arith.constant 0 : i32
    %dma_start3A_489 = tpu.memref_slice %arg7[%dma_start3A_487, %dma_start3A_488] : memref<64x512xf32, #tpu.memory_space<vmem>> -> memref<1x512xf32, #tpu.memory_space<vmem>>
    %dma_start3A_490 = tpu.memref_squeeze %dma_start3A_489 : memref<1x512xf32, #tpu.memory_space<vmem>> -> memref<512xf32, #tpu.memory_space<vmem>>
    %dma_start3A_491 = arith.constant 640 : i32
    %dma_start3A_492 = tpu.memref_slice %arg2[%dma_start3A_491] : memref<64004096xf32, #tpu.memory_space<hbm>> -> memref<7999616xf32, #tpu.memory_space<hbm>>
    %dma_start3A_493 = arith.constant 0 : i32
    %dma_start3A_494 = tpu.memref_slice %dma_start3A_492[%dma_start3A_493] : memref<7999616xf32, #tpu.memory_space<hbm>> -> memref<7999616xf32, #tpu.memory_space<hbm>>
    tpu.enqueue_indirect_dma source(%dma_start3A_494 : memref<7999616xf32, #tpu.memory_space<hbm>>) target(%dma_start3A_490 : memref<512xf32, #tpu.memory_space<vmem>>) offsets(%arg6 : memref<512xi32, #tpu.memory_space<vmem>>) semaphore(%arg8 : memref<!tpu.dma_semaphore, #tpu.memory_space<semaphore_mem>>)
    %dma_start3A_495 = arith.constant 6 : i32
    %dma_start3A_496 = arith.constant 0 : i32
    %dma_start3A_497 = tpu.memref_slice %arg7[%dma_start3A_495, %dma_start3A_496] : memref<64x512xf32, #tpu.memory_space<vmem>> -> memref<1x512xf32, #tpu.memory_space<vmem>>
    %dma_start3A_498 = tpu.memref_squeeze %dma_start3A_497 : memref<1x512xf32, #tpu.memory_space<vmem>> -> memref<512xf32, #tpu.memory_space<vmem>>
    %dma_start3A_499 = arith.constant 768 : i32
    %dma_start3A_500 = tpu.memref_slice %arg2[%dma_start3A_499] : memref<64004096xf32, #tpu.memory_space<hbm>> -> memref<7999616xf32, #tpu.memory_space<hbm>>
    %dma_start3A_501 = arith.constant 0 : i32
    %dma_start3A_502 = tpu.memref_slice %dma_start3A_500[%dma_start3A_501] : memref<7999616xf32, #tpu.memory_space<hbm>> -> memref<7999616xf32, #tpu.memory_space<hbm>>
    tpu.enqueue_indirect_dma source(%dma_start3A_502 : memref<7999616xf32, #tpu.memory_space<hbm>>) target(%dma_start3A_498 : memref<512xf32, #tpu.memory_space<vmem>>) offsets(%arg6 : memref<512xi32, #tpu.memory_space<vmem>>) semaphore(%arg8 : memref<!tpu.dma_semaphore, #tpu.memory_space<semaphore_mem>>)
    %dma_start3A_503 = arith.constant 7 : i32
    %dma_start3A_504 = arith.constant 0 : i32
    %dma_start3A_505 = tpu.memref_slice %arg7[%dma_start3A_503, %dma_start3A_504] : memref<64x512xf32, #tpu.memory_space<vmem>> -> memref<1x512xf32, #tpu.memory_space<vmem>>
    %dma_start3A_506 = tpu.memref_squeeze %dma_start3A_505 : memref<1x512xf32, #tpu.memory_space<vmem>> -> memref<512xf32, #tpu.memory_space<vmem>>
    %dma_start3A_507 = arith.constant 896 : i32
    %dma_start3A_508 = tpu.memref_slice %arg2[%dma_start3A_507] : memref<64004096xf32, #tpu.memory_space<hbm>> -> memref<7999616xf32, #tpu.memory_space<hbm>>
    %dma_start3A_509 = arith.constant 0 : i32
    %dma_start3A_510 = tpu.memref_slice %dma_start3A_508[%dma_start3A_509] : memref<7999616xf32, #tpu.memory_space<hbm>> -> memref<7999616xf32, #tpu.memory_space<hbm>>
    tpu.enqueue_indirect_dma source(%dma_start3A_510 : memref<7999616xf32, #tpu.memory_space<hbm>>) target(%dma_start3A_506 : memref<512xf32, #tpu.memory_space<vmem>>) offsets(%arg6 : memref<512xi32, #tpu.memory_space<vmem>>) semaphore(%arg8 : memref<!tpu.dma_semaphore, #tpu.memory_space<semaphore_mem>>)
    %dma_start3A_511 = arith.constant 8 : i32
    %dma_start3A_512 = arith.constant 0 : i32
    %dma_start3A_513 = tpu.memref_slice %arg7[%dma_start3A_511, %dma_start3A_512] : memref<64x512xf32, #tpu.memory_space<vmem>> -> memref<1x512xf32, #tpu.memory_space<vmem>>
    %dma_start3A_514 = tpu.memref_squeeze %dma_start3A_513 : memref<1x512xf32, #tpu.memory_space<vmem>> -> memref<512xf32, #tpu.memory_space<vmem>>
    %dma_start3A_515 = arith.constant 8000512 : i32
    %dma_start3A_516 = tpu.memref_slice %arg2[%dma_start3A_515] : memref<64004096xf32, #tpu.memory_space<hbm>> -> memref<7999616xf32, #tpu.memory_space<hbm>>
    %dma_start3A_517 = arith.constant 0 : i32
    %dma_start3A_518 = tpu.memref_slice %dma_start3A_516[%dma_start3A_517] : memref<7999616xf32, #tpu.memory_space<hbm>> -> memref<7999616xf32, #tpu.memory_space<hbm>>
    tpu.enqueue_indirect_dma source(%dma_start3A_518 : memref<7999616xf32, #tpu.memory_space<hbm>>) target(%dma_start3A_514 : memref<512xf32, #tpu.memory_space<vmem>>) offsets(%arg6 : memref<512xi32, #tpu.memory_space<vmem>>) semaphore(%arg8 : memref<!tpu.dma_semaphore, #tpu.memory_space<semaphore_mem>>)
    %dma_start3A_519 = arith.constant 9 : i32
    %dma_start3A_520 = arith.constant 0 : i32
    %dma_start3A_521 = tpu.memref_slice %arg7[%dma_start3A_519, %dma_start3A_520] : memref<64x512xf32, #tpu.memory_space<vmem>> -> memref<1x512xf32, #tpu.memory_space<vmem>>
    %dma_start3A_522 = tpu.memref_squeeze %dma_start3A_521 : memref<1x512xf32, #tpu.memory_space<vmem>> -> memref<512xf32, #tpu.memory_space<vmem>>
    %dma_start3A_523 = arith.constant 8000640 : i32
    %dma_start3A_524 = tpu.memref_slice %arg2[%dma_start3A_523] : memref<64004096xf32, #tpu.memory_space<hbm>> -> memref<7999616xf32, #tpu.memory_space<hbm>>
    %dma_start3A_525 = arith.constant 0 : i32
    %dma_start3A_526 = tpu.memref_slice %dma_start3A_524[%dma_start3A_525] : memref<7999616xf32, #tpu.memory_space<hbm>> -> memref<7999616xf32, #tpu.memory_space<hbm>>
    tpu.enqueue_indirect_dma source(%dma_start3A_526 : memref<7999616xf32, #tpu.memory_space<hbm>>) target(%dma_start3A_522 : memref<512xf32, #tpu.memory_space<vmem>>) offsets(%arg6 : memref<512xi32, #tpu.memory_space<vmem>>) semaphore(%arg8 : memref<!tpu.dma_semaphore, #tpu.memory_space<semaphore_mem>>)
    %dma_start3A_527 = arith.constant 10 : i32
    %dma_start3A_528 = arith.constant 0 : i32
    %dma_start3A_529 = tpu.memref_slice %arg7[%dma_start3A_527, %dma_start3A_528] : memref<64x512xf32, #tpu.memory_space<vmem>> -> memref<1x512xf32, #tpu.memory_space<vmem>>
    %dma_start3A_530 = tpu.memref_squeeze %dma_start3A_529 : memref<1x512xf32, #tpu.memory_space<vmem>> -> memref<512xf32, #tpu.memory_space<vmem>>
    %dma_start3A_531 = arith.constant 8000768 : i32
    %dma_start3A_532 = tpu.memref_slice %arg2[%dma_start3A_531] : memref<64004096xf32, #tpu.memory_space<hbm>> -> memref<7999616xf32, #tpu.memory_space<hbm>>
    %dma_start3A_533 = arith.constant 0 : i32
    %dma_start3A_534 = tpu.memref_slice %dma_start3A_532[%dma_start3A_533] : memref<7999616xf32, #tpu.memory_space<hbm>> -> memref<7999616xf32, #tpu.memory_space<hbm>>
    tpu.enqueue_indirect_dma source(%dma_start3A_534 : memref<7999616xf32, #tpu.memory_space<hbm>>) target(%dma_start3A_530 : memref<512xf32, #tpu.memory_space<vmem>>) offsets(%arg6 : memref<512xi32, #tpu.memory_space<vmem>>) semaphore(%arg8 : memref<!tpu.dma_semaphore, #tpu.memory_space<semaphore_mem>>)
    %dma_start3A_535 = arith.constant 11 : i32
    %dma_start3A_536 = arith.constant 0 : i32
    %dma_start3A_537 = tpu.memref_slice %arg7[%dma_start3A_535, %dma_start3A_536] : memref<64x512xf32, #tpu.memory_space<vmem>> -> memref<1x512xf32, #tpu.memory_space<vmem>>
    %dma_start3A_538 = tpu.memref_squeeze %dma_start3A_537 : memref<1x512xf32, #tpu.memory_space<vmem>> -> memref<512xf32, #tpu.memory_space<vmem>>
    %dma_start3A_539 = arith.constant 8000896 : i32
    %dma_start3A_540 = tpu.memref_slice %arg2[%dma_start3A_539] : memref<64004096xf32, #tpu.memory_space<hbm>> -> memref<7999616xf32, #tpu.memory_space<hbm>>
    %dma_start3A_541 = arith.constant 0 : i32
    %dma_start3A_542 = tpu.memref_slice %dma_start3A_540[%dma_start3A_541] : memref<7999616xf32, #tpu.memory_space<hbm>> -> memref<7999616xf32, #tpu.memory_space<hbm>>
    tpu.enqueue_indirect_dma source(%dma_start3A_542 : memref<7999616xf32, #tpu.memory_space<hbm>>) target(%dma_start3A_538 : memref<512xf32, #tpu.memory_space<vmem>>) offsets(%arg6 : memref<512xi32, #tpu.memory_space<vmem>>) semaphore(%arg8 : memref<!tpu.dma_semaphore, #tpu.memory_space<semaphore_mem>>)
    %dma_start3A_543 = arith.constant 12 : i32
    %dma_start3A_544 = arith.constant 0 : i32
    %dma_start3A_545 = tpu.memref_slice %arg7[%dma_start3A_543, %dma_start3A_544] : memref<64x512xf32, #tpu.memory_space<vmem>> -> memref<1x512xf32, #tpu.memory_space<vmem>>
    %dma_start3A_546 = tpu.memref_squeeze %dma_start3A_545 : memref<1x512xf32, #tpu.memory_space<vmem>> -> memref<512xf32, #tpu.memory_space<vmem>>
    %dma_start3A_547 = arith.constant 8001024 : i32
    %dma_start3A_548 = tpu.memref_slice %arg2[%dma_start3A_547] : memref<64004096xf32, #tpu.memory_space<hbm>> -> memref<7999616xf32, #tpu.memory_space<hbm>>
    %dma_start3A_549 = arith.constant 0 : i32
    %dma_start3A_550 = tpu.memref_slice %dma_start3A_548[%dma_start3A_549] : memref<7999616xf32, #tpu.memory_space<hbm>> -> memref<7999616xf32, #tpu.memory_space<hbm>>
    tpu.enqueue_indirect_dma source(%dma_start3A_550 : memref<7999616xf32, #tpu.memory_space<hbm>>) target(%dma_start3A_546 : memref<512xf32, #tpu.memory_space<vmem>>) offsets(%arg6 : memref<512xi32, #tpu.memory_space<vmem>>) semaphore(%arg8 : memref<!tpu.dma_semaphore, #tpu.memory_space<semaphore_mem>>)
    %dma_start3A_551 = arith.constant 13 : i32
    %dma_start3A_552 = arith.constant 0 : i32
    %dma_start3A_553 = tpu.memref_slice %arg7[%dma_start3A_551, %dma_start3A_552] : memref<64x512xf32, #tpu.memory_space<vmem>> -> memref<1x512xf32, #tpu.memory_space<vmem>>
    %dma_start3A_554 = tpu.memref_squeeze %dma_start3A_553 : memref<1x512xf32, #tpu.memory_space<vmem>> -> memref<512xf32, #tpu.memory_space<vmem>>
    %dma_start3A_555 = arith.constant 8001152 : i32
    %dma_start3A_556 = tpu.memref_slice %arg2[%dma_start3A_555] : memref<64004096xf32, #tpu.memory_space<hbm>> -> memref<7999616xf32, #tpu.memory_space<hbm>>
    %dma_start3A_557 = arith.constant 0 : i32
    %dma_start3A_558 = tpu.memref_slice %dma_start3A_556[%dma_start3A_557] : memref<7999616xf32, #tpu.memory_space<hbm>> -> memref<7999616xf32, #tpu.memory_space<hbm>>
    tpu.enqueue_indirect_dma source(%dma_start3A_558 : memref<7999616xf32, #tpu.memory_space<hbm>>) target(%dma_start3A_554 : memref<512xf32, #tpu.memory_space<vmem>>) offsets(%arg6 : memref<512xi32, #tpu.memory_space<vmem>>) semaphore(%arg8 : memref<!tpu.dma_semaphore, #tpu.memory_space<semaphore_mem>>)
    %dma_start3A_559 = arith.constant 14 : i32
    %dma_start3A_560 = arith.constant 0 : i32
    %dma_start3A_561 = tpu.memref_slice %arg7[%dma_start3A_559, %dma_start3A_560] : memref<64x512xf32, #tpu.memory_space<vmem>> -> memref<1x512xf32, #tpu.memory_space<vmem>>
    %dma_start3A_562 = tpu.memref_squeeze %dma_start3A_561 : memref<1x512xf32, #tpu.memory_space<vmem>> -> memref<512xf32, #tpu.memory_space<vmem>>
    %dma_start3A_563 = arith.constant 8001280 : i32
    %dma_start3A_564 = tpu.memref_slice %arg2[%dma_start3A_563] : memref<64004096xf32, #tpu.memory_space<hbm>> -> memref<7999616xf32, #tpu.memory_space<hbm>>
    %dma_start3A_565 = arith.constant 0 : i32
    %dma_start3A_566 = tpu.memref_slice %dma_start3A_564[%dma_start3A_565] : memref<7999616xf32, #tpu.memory_space<hbm>> -> memref<7999616xf32, #tpu.memory_space<hbm>>
    tpu.enqueue_indirect_dma source(%dma_start3A_566 : memref<7999616xf32, #tpu.memory_space<hbm>>) target(%dma_start3A_562 : memref<512xf32, #tpu.memory_space<vmem>>) offsets(%arg6 : memref<512xi32, #tpu.memory_space<vmem>>) semaphore(%arg8 : memref<!tpu.dma_semaphore, #tpu.memory_space<semaphore_mem>>)
    %dma_start3A_567 = arith.constant 15 : i32
    %dma_start3A_568 = arith.constant 0 : i32
    %dma_start3A_569 = tpu.memref_slice %arg7[%dma_start3A_567, %dma_start3A_568] : memref<64x512xf32, #tpu.memory_space<vmem>> -> memref<1x512xf32, #tpu.memory_space<vmem>>
    %dma_start3A_570 = tpu.memref_squeeze %dma_start3A_569 : memref<1x512xf32, #tpu.memory_space<vmem>> -> memref<512xf32, #tpu.memory_space<vmem>>
    %dma_start3A_571 = arith.constant 8001408 : i32
    %dma_start3A_572 = tpu.memref_slice %arg2[%dma_start3A_571] : memref<64004096xf32, #tpu.memory_space<hbm>> -> memref<7999616xf32, #tpu.memory_space<hbm>>
    %dma_start3A_573 = arith.constant 0 : i32
    %dma_start3A_574 = tpu.memref_slice %dma_start3A_572[%dma_start3A_573] : memref<7999616xf32, #tpu.memory_space<hbm>> -> memref<7999616xf32, #tpu.memory_space<hbm>>
    tpu.enqueue_indirect_dma source(%dma_start3A_574 : memref<7999616xf32, #tpu.memory_space<hbm>>) target(%dma_start3A_570 : memref<512xf32, #tpu.memory_space<vmem>>) offsets(%arg6 : memref<512xi32, #tpu.memory_space<vmem>>) semaphore(%arg8 : memref<!tpu.dma_semaphore, #tpu.memory_space<semaphore_mem>>)
    %dma_start3A_575 = arith.constant 16 : i32
    %dma_start3A_576 = arith.constant 0 : i32
    %dma_start3A_577 = tpu.memref_slice %arg7[%dma_start3A_575, %dma_start3A_576] : memref<64x512xf32, #tpu.memory_space<vmem>> -> memref<1x512xf32, #tpu.memory_space<vmem>>
    %dma_start3A_578 = tpu.memref_squeeze %dma_start3A_577 : memref<1x512xf32, #tpu.memory_space<vmem>> -> memref<512xf32, #tpu.memory_space<vmem>>
    %dma_start3A_579 = arith.constant 16001024 : i32
    %dma_start3A_580 = tpu.memref_slice %arg2[%dma_start3A_579] : memref<64004096xf32, #tpu.memory_space<hbm>> -> memref<7999616xf32, #tpu.memory_space<hbm>>
    %dma_start3A_581 = arith.constant 0 : i32
    %dma_start3A_582 = tpu.memref_slice %dma_start3A_580[%dma_start3A_581] : memref<7999616xf32, #tpu.memory_space<hbm>> -> memref<7999616xf32, #tpu.memory_space<hbm>>
    tpu.enqueue_indirect_dma source(%dma_start3A_582 : memref<7999616xf32, #tpu.memory_space<hbm>>) target(%dma_start3A_578 : memref<512xf32, #tpu.memory_space<vmem>>) offsets(%arg6 : memref<512xi32, #tpu.memory_space<vmem>>) semaphore(%arg8 : memref<!tpu.dma_semaphore, #tpu.memory_space<semaphore_mem>>)
    %dma_start3A_583 = arith.constant 17 : i32
    %dma_start3A_584 = arith.constant 0 : i32
    %dma_start3A_585 = tpu.memref_slice %arg7[%dma_start3A_583, %dma_start3A_584] : memref<64x512xf32, #tpu.memory_space<vmem>> -> memref<1x512xf32, #tpu.memory_space<vmem>>
    %dma_start3A_586 = tpu.memref_squeeze %dma_start3A_585 : memref<1x512xf32, #tpu.memory_space<vmem>> -> memref<512xf32, #tpu.memory_space<vmem>>
    %dma_start3A_587 = arith.constant 16001152 : i32
    %dma_start3A_588 = tpu.memref_slice %arg2[%dma_start3A_587] : memref<64004096xf32, #tpu.memory_space<hbm>> -> memref<7999616xf32, #tpu.memory_space<hbm>>
    %dma_start3A_589 = arith.constant 0 : i32
    %dma_start3A_590 = tpu.memref_slice %dma_start3A_588[%dma_start3A_589] : memref<7999616xf32, #tpu.memory_space<hbm>> -> memref<7999616xf32, #tpu.memory_space<hbm>>
    tpu.enqueue_indirect_dma source(%dma_start3A_590 : memref<7999616xf32, #tpu.memory_space<hbm>>) target(%dma_start3A_586 : memref<512xf32, #tpu.memory_space<vmem>>) offsets(%arg6 : memref<512xi32, #tpu.memory_space<vmem>>) semaphore(%arg8 : memref<!tpu.dma_semaphore, #tpu.memory_space<semaphore_mem>>)
    %dma_start3A_591 = arith.constant 18 : i32
    %dma_start3A_592 = arith.constant 0 : i32
    %dma_start3A_593 = tpu.memref_slice %arg7[%dma_start3A_591, %dma_start3A_592] : memref<64x512xf32, #tpu.memory_space<vmem>> -> memref<1x512xf32, #tpu.memory_space<vmem>>
    %dma_start3A_594 = tpu.memref_squeeze %dma_start3A_593 : memref<1x512xf32, #tpu.memory_space<vmem>> -> memref<512xf32, #tpu.memory_space<vmem>>
    %dma_start3A_595 = arith.constant 16001280 : i32
    %dma_start3A_596 = tpu.memref_slice %arg2[%dma_start3A_595] : memref<64004096xf32, #tpu.memory_space<hbm>> -> memref<7999616xf32, #tpu.memory_space<hbm>>
    %dma_start3A_597 = arith.constant 0 : i32
    %dma_start3A_598 = tpu.memref_slice %dma_start3A_596[%dma_start3A_597] : memref<7999616xf32, #tpu.memory_space<hbm>> -> memref<7999616xf32, #tpu.memory_space<hbm>>
    tpu.enqueue_indirect_dma source(%dma_start3A_598 : memref<7999616xf32, #tpu.memory_space<hbm>>) target(%dma_start3A_594 : memref<512xf32, #tpu.memory_space<vmem>>) offsets(%arg6 : memref<512xi32, #tpu.memory_space<vmem>>) semaphore(%arg8 : memref<!tpu.dma_semaphore, #tpu.memory_space<semaphore_mem>>)
    %dma_start3A_599 = arith.constant 19 : i32
    %dma_start3A_600 = arith.constant 0 : i32
    %dma_start3A_601 = tpu.memref_slice %arg7[%dma_start3A_599, %dma_start3A_600] : memref<64x512xf32, #tpu.memory_space<vmem>> -> memref<1x512xf32, #tpu.memory_space<vmem>>
    %dma_start3A_602 = tpu.memref_squeeze %dma_start3A_601 : memref<1x512xf32, #tpu.memory_space<vmem>> -> memref<512xf32, #tpu.memory_space<vmem>>
    %dma_start3A_603 = arith.constant 16001408 : i32
    %dma_start3A_604 = tpu.memref_slice %arg2[%dma_start3A_603] : memref<64004096xf32, #tpu.memory_space<hbm>> -> memref<7999616xf32, #tpu.memory_space<hbm>>
    %dma_start3A_605 = arith.constant 0 : i32
    %dma_start3A_606 = tpu.memref_slice %dma_start3A_604[%dma_start3A_605] : memref<7999616xf32, #tpu.memory_space<hbm>> -> memref<7999616xf32, #tpu.memory_space<hbm>>
    tpu.enqueue_indirect_dma source(%dma_start3A_606 : memref<7999616xf32, #tpu.memory_space<hbm>>) target(%dma_start3A_602 : memref<512xf32, #tpu.memory_space<vmem>>) offsets(%arg6 : memref<512xi32, #tpu.memory_space<vmem>>) semaphore(%arg8 : memref<!tpu.dma_semaphore, #tpu.memory_space<semaphore_mem>>)
    %dma_start3A_607 = arith.constant 20 : i32
    %dma_start3A_608 = arith.constant 0 : i32
    %dma_start3A_609 = tpu.memref_slice %arg7[%dma_start3A_607, %dma_start3A_608] : memref<64x512xf32, #tpu.memory_space<vmem>> -> memref<1x512xf32, #tpu.memory_space<vmem>>
    %dma_start3A_610 = tpu.memref_squeeze %dma_start3A_609 : memref<1x512xf32, #tpu.memory_space<vmem>> -> memref<512xf32, #tpu.memory_space<vmem>>
    %dma_start3A_611 = arith.constant 16001536 : i32
    %dma_start3A_612 = tpu.memref_slice %arg2[%dma_start3A_611] : memref<64004096xf32, #tpu.memory_space<hbm>> -> memref<7999616xf32, #tpu.memory_space<hbm>>
    %dma_start3A_613 = arith.constant 0 : i32
    %dma_start3A_614 = tpu.memref_slice %dma_start3A_612[%dma_start3A_613] : memref<7999616xf32, #tpu.memory_space<hbm>> -> memref<7999616xf32, #tpu.memory_space<hbm>>
    tpu.enqueue_indirect_dma source(%dma_start3A_614 : memref<7999616xf32, #tpu.memory_space<hbm>>) target(%dma_start3A_610 : memref<512xf32, #tpu.memory_space<vmem>>) offsets(%arg6 : memref<512xi32, #tpu.memory_space<vmem>>) semaphore(%arg8 : memref<!tpu.dma_semaphore, #tpu.memory_space<semaphore_mem>>)
    %dma_start3A_615 = arith.constant 21 : i32
    %dma_start3A_616 = arith.constant 0 : i32
    %dma_start3A_617 = tpu.memref_slice %arg7[%dma_start3A_615, %dma_start3A_616] : memref<64x512xf32, #tpu.memory_space<vmem>> -> memref<1x512xf32, #tpu.memory_space<vmem>>
    %dma_start3A_618 = tpu.memref_squeeze %dma_start3A_617 : memref<1x512xf32, #tpu.memory_space<vmem>> -> memref<512xf32, #tpu.memory_space<vmem>>
    %dma_start3A_619 = arith.constant 16001664 : i32
    %dma_start3A_620 = tpu.memref_slice %arg2[%dma_start3A_619] : memref<64004096xf32, #tpu.memory_space<hbm>> -> memref<7999616xf32, #tpu.memory_space<hbm>>
    %dma_start3A_621 = arith.constant 0 : i32
    %dma_start3A_622 = tpu.memref_slice %dma_start3A_620[%dma_start3A_621] : memref<7999616xf32, #tpu.memory_space<hbm>> -> memref<7999616xf32, #tpu.memory_space<hbm>>
    tpu.enqueue_indirect_dma source(%dma_start3A_622 : memref<7999616xf32, #tpu.memory_space<hbm>>) target(%dma_start3A_618 : memref<512xf32, #tpu.memory_space<vmem>>) offsets(%arg6 : memref<512xi32, #tpu.memory_space<vmem>>) semaphore(%arg8 : memref<!tpu.dma_semaphore, #tpu.memory_space<semaphore_mem>>)
    %dma_start3A_623 = arith.constant 22 : i32
    %dma_start3A_624 = arith.constant 0 : i32
    %dma_start3A_625 = tpu.memref_slice %arg7[%dma_start3A_623, %dma_start3A_624] : memref<64x512xf32, #tpu.memory_space<vmem>> -> memref<1x512xf32, #tpu.memory_space<vmem>>
    %dma_start3A_626 = tpu.memref_squeeze %dma_start3A_625 : memref<1x512xf32, #tpu.memory_space<vmem>> -> memref<512xf32, #tpu.memory_space<vmem>>
    %dma_start3A_627 = arith.constant 16001792 : i32
    %dma_start3A_628 = tpu.memref_slice %arg2[%dma_start3A_627] : memref<64004096xf32, #tpu.memory_space<hbm>> -> memref<7999616xf32, #tpu.memory_space<hbm>>
    %dma_start3A_629 = arith.constant 0 : i32
    %dma_start3A_630 = tpu.memref_slice %dma_start3A_628[%dma_start3A_629] : memref<7999616xf32, #tpu.memory_space<hbm>> -> memref<7999616xf32, #tpu.memory_space<hbm>>
    tpu.enqueue_indirect_dma source(%dma_start3A_630 : memref<7999616xf32, #tpu.memory_space<hbm>>) target(%dma_start3A_626 : memref<512xf32, #tpu.memory_space<vmem>>) offsets(%arg6 : memref<512xi32, #tpu.memory_space<vmem>>) semaphore(%arg8 : memref<!tpu.dma_semaphore, #tpu.memory_space<semaphore_mem>>)
    %dma_start3A_631 = arith.constant 23 : i32
    %dma_start3A_632 = arith.constant 0 : i32
    %dma_start3A_633 = tpu.memref_slice %arg7[%dma_start3A_631, %dma_start3A_632] : memref<64x512xf32, #tpu.memory_space<vmem>> -> memref<1x512xf32, #tpu.memory_space<vmem>>
    %dma_start3A_634 = tpu.memref_squeeze %dma_start3A_633 : memref<1x512xf32, #tpu.memory_space<vmem>> -> memref<512xf32, #tpu.memory_space<vmem>>
    %dma_start3A_635 = arith.constant 16001920 : i32
    %dma_start3A_636 = tpu.memref_slice %arg2[%dma_start3A_635] : memref<64004096xf32, #tpu.memory_space<hbm>> -> memref<7999616xf32, #tpu.memory_space<hbm>>
    %dma_start3A_637 = arith.constant 0 : i32
    %dma_start3A_638 = tpu.memref_slice %dma_start3A_636[%dma_start3A_637] : memref<7999616xf32, #tpu.memory_space<hbm>> -> memref<7999616xf32, #tpu.memory_space<hbm>>
    tpu.enqueue_indirect_dma source(%dma_start3A_638 : memref<7999616xf32, #tpu.memory_space<hbm>>) target(%dma_start3A_634 : memref<512xf32, #tpu.memory_space<vmem>>) offsets(%arg6 : memref<512xi32, #tpu.memory_space<vmem>>) semaphore(%arg8 : memref<!tpu.dma_semaphore, #tpu.memory_space<semaphore_mem>>)
    %dma_start3A_639 = arith.constant 24 : i32
    %dma_start3A_640 = arith.constant 0 : i32
    %dma_start3A_641 = tpu.memref_slice %arg7[%dma_start3A_639, %dma_start3A_640] : memref<64x512xf32, #tpu.memory_space<vmem>> -> memref<1x512xf32, #tpu.memory_space<vmem>>
    %dma_start3A_642 = tpu.memref_squeeze %dma_start3A_641 : memref<1x512xf32, #tpu.memory_space<vmem>> -> memref<512xf32, #tpu.memory_space<vmem>>
    %dma_start3A_643 = arith.constant 24001536 : i32
    %dma_start3A_644 = tpu.memref_slice %arg2[%dma_start3A_643] : memref<64004096xf32, #tpu.memory_space<hbm>> -> memref<7999616xf32, #tpu.memory_space<hbm>>
    %dma_start3A_645 = arith.constant 0 : i32
    %dma_start3A_646 = tpu.memref_slice %dma_start3A_644[%dma_start3A_645] : memref<7999616xf32, #tpu.memory_space<hbm>> -> memref<7999616xf32, #tpu.memory_space<hbm>>
    tpu.enqueue_indirect_dma source(%dma_start3A_646 : memref<7999616xf32, #tpu.memory_space<hbm>>) target(%dma_start3A_642 : memref<512xf32, #tpu.memory_space<vmem>>) offsets(%arg6 : memref<512xi32, #tpu.memory_space<vmem>>) semaphore(%arg8 : memref<!tpu.dma_semaphore, #tpu.memory_space<semaphore_mem>>)
    %dma_start3A_647 = arith.constant 25 : i32
    %dma_start3A_648 = arith.constant 0 : i32
    %dma_start3A_649 = tpu.memref_slice %arg7[%dma_start3A_647, %dma_start3A_648] : memref<64x512xf32, #tpu.memory_space<vmem>> -> memref<1x512xf32, #tpu.memory_space<vmem>>
    %dma_start3A_650 = tpu.memref_squeeze %dma_start3A_649 : memref<1x512xf32, #tpu.memory_space<vmem>> -> memref<512xf32, #tpu.memory_space<vmem>>
    %dma_start3A_651 = arith.constant 24001664 : i32
    %dma_start3A_652 = tpu.memref_slice %arg2[%dma_start3A_651] : memref<64004096xf32, #tpu.memory_space<hbm>> -> memref<7999616xf32, #tpu.memory_space<hbm>>
    %dma_start3A_653 = arith.constant 0 : i32
    %dma_start3A_654 = tpu.memref_slice %dma_start3A_652[%dma_start3A_653] : memref<7999616xf32, #tpu.memory_space<hbm>> -> memref<7999616xf32, #tpu.memory_space<hbm>>
    tpu.enqueue_indirect_dma source(%dma_start3A_654 : memref<7999616xf32, #tpu.memory_space<hbm>>) target(%dma_start3A_650 : memref<512xf32, #tpu.memory_space<vmem>>) offsets(%arg6 : memref<512xi32, #tpu.memory_space<vmem>>) semaphore(%arg8 : memref<!tpu.dma_semaphore, #tpu.memory_space<semaphore_mem>>)
    %dma_start3A_655 = arith.constant 26 : i32
    %dma_start3A_656 = arith.constant 0 : i32
    %dma_start3A_657 = tpu.memref_slice %arg7[%dma_start3A_655, %dma_start3A_656] : memref<64x512xf32, #tpu.memory_space<vmem>> -> memref<1x512xf32, #tpu.memory_space<vmem>>
    %dma_start3A_658 = tpu.memref_squeeze %dma_start3A_657 : memref<1x512xf32, #tpu.memory_space<vmem>> -> memref<512xf32, #tpu.memory_space<vmem>>
    %dma_start3A_659 = arith.constant 24001792 : i32
    %dma_start3A_660 = tpu.memref_slice %arg2[%dma_start3A_659] : memref<64004096xf32, #tpu.memory_space<hbm>> -> memref<7999616xf32, #tpu.memory_space<hbm>>
    %dma_start3A_661 = arith.constant 0 : i32
    %dma_start3A_662 = tpu.memref_slice %dma_start3A_660[%dma_start3A_661] : memref<7999616xf32, #tpu.memory_space<hbm>> -> memref<7999616xf32, #tpu.memory_space<hbm>>
    tpu.enqueue_indirect_dma source(%dma_start3A_662 : memref<7999616xf32, #tpu.memory_space<hbm>>) target(%dma_start3A_658 : memref<512xf32, #tpu.memory_space<vmem>>) offsets(%arg6 : memref<512xi32, #tpu.memory_space<vmem>>) semaphore(%arg8 : memref<!tpu.dma_semaphore, #tpu.memory_space<semaphore_mem>>)
    %dma_start3A_663 = arith.constant 27 : i32
    %dma_start3A_664 = arith.constant 0 : i32
    %dma_start3A_665 = tpu.memref_slice %arg7[%dma_start3A_663, %dma_start3A_664] : memref<64x512xf32, #tpu.memory_space<vmem>> -> memref<1x512xf32, #tpu.memory_space<vmem>>
    %dma_start3A_666 = tpu.memref_squeeze %dma_start3A_665 : memref<1x512xf32, #tpu.memory_space<vmem>> -> memref<512xf32, #tpu.memory_space<vmem>>
    %dma_start3A_667 = arith.constant 24001920 : i32
    %dma_start3A_668 = tpu.memref_slice %arg2[%dma_start3A_667] : memref<64004096xf32, #tpu.memory_space<hbm>> -> memref<7999616xf32, #tpu.memory_space<hbm>>
    %dma_start3A_669 = arith.constant 0 : i32
    %dma_start3A_670 = tpu.memref_slice %dma_start3A_668[%dma_start3A_669] : memref<7999616xf32, #tpu.memory_space<hbm>> -> memref<7999616xf32, #tpu.memory_space<hbm>>
    tpu.enqueue_indirect_dma source(%dma_start3A_670 : memref<7999616xf32, #tpu.memory_space<hbm>>) target(%dma_start3A_666 : memref<512xf32, #tpu.memory_space<vmem>>) offsets(%arg6 : memref<512xi32, #tpu.memory_space<vmem>>) semaphore(%arg8 : memref<!tpu.dma_semaphore, #tpu.memory_space<semaphore_mem>>)
    %dma_start3A_671 = arith.constant 28 : i32
    %dma_start3A_672 = arith.constant 0 : i32
    %dma_start3A_673 = tpu.memref_slice %arg7[%dma_start3A_671, %dma_start3A_672] : memref<64x512xf32, #tpu.memory_space<vmem>> -> memref<1x512xf32, #tpu.memory_space<vmem>>
    %dma_start3A_674 = tpu.memref_squeeze %dma_start3A_673 : memref<1x512xf32, #tpu.memory_space<vmem>> -> memref<512xf32, #tpu.memory_space<vmem>>
    %dma_start3A_675 = arith.constant 24002048 : i32
    %dma_start3A_676 = tpu.memref_slice %arg2[%dma_start3A_675] : memref<64004096xf32, #tpu.memory_space<hbm>> -> memref<7999616xf32, #tpu.memory_space<hbm>>
    %dma_start3A_677 = arith.constant 0 : i32
    %dma_start3A_678 = tpu.memref_slice %dma_start3A_676[%dma_start3A_677] : memref<7999616xf32, #tpu.memory_space<hbm>> -> memref<7999616xf32, #tpu.memory_space<hbm>>
    tpu.enqueue_indirect_dma source(%dma_start3A_678 : memref<7999616xf32, #tpu.memory_space<hbm>>) target(%dma_start3A_674 : memref<512xf32, #tpu.memory_space<vmem>>) offsets(%arg6 : memref<512xi32, #tpu.memory_space<vmem>>) semaphore(%arg8 : memref<!tpu.dma_semaphore, #tpu.memory_space<semaphore_mem>>)
    %dma_start3A_679 = arith.constant 29 : i32
    %dma_start3A_680 = arith.constant 0 : i32
    %dma_start3A_681 = tpu.memref_slice %arg7[%dma_start3A_679, %dma_start3A_680] : memref<64x512xf32, #tpu.memory_space<vmem>> -> memref<1x512xf32, #tpu.memory_space<vmem>>
    %dma_start3A_682 = tpu.memref_squeeze %dma_start3A_681 : memref<1x512xf32, #tpu.memory_space<vmem>> -> memref<512xf32, #tpu.memory_space<vmem>>
    %dma_start3A_683 = arith.constant 24002176 : i32
    %dma_start3A_684 = tpu.memref_slice %arg2[%dma_start3A_683] : memref<64004096xf32, #tpu.memory_space<hbm>> -> memref<7999616xf32, #tpu.memory_space<hbm>>
    %dma_start3A_685 = arith.constant 0 : i32
    %dma_start3A_686 = tpu.memref_slice %dma_start3A_684[%dma_start3A_685] : memref<7999616xf32, #tpu.memory_space<hbm>> -> memref<7999616xf32, #tpu.memory_space<hbm>>
    tpu.enqueue_indirect_dma source(%dma_start3A_686 : memref<7999616xf32, #tpu.memory_space<hbm>>) target(%dma_start3A_682 : memref<512xf32, #tpu.memory_space<vmem>>) offsets(%arg6 : memref<512xi32, #tpu.memory_space<vmem>>) semaphore(%arg8 : memref<!tpu.dma_semaphore, #tpu.memory_space<semaphore_mem>>)
    %dma_start3A_687 = arith.constant 30 : i32
    %dma_start3A_688 = arith.constant 0 : i32
    %dma_start3A_689 = tpu.memref_slice %arg7[%dma_start3A_687, %dma_start3A_688] : memref<64x512xf32, #tpu.memory_space<vmem>> -> memref<1x512xf32, #tpu.memory_space<vmem>>
    %dma_start3A_690 = tpu.memref_squeeze %dma_start3A_689 : memref<1x512xf32, #tpu.memory_space<vmem>> -> memref<512xf32, #tpu.memory_space<vmem>>
    %dma_start3A_691 = arith.constant 24002304 : i32
    %dma_start3A_692 = tpu.memref_slice %arg2[%dma_start3A_691] : memref<64004096xf32, #tpu.memory_space<hbm>> -> memref<7999616xf32, #tpu.memory_space<hbm>>
    %dma_start3A_693 = arith.constant 0 : i32
    %dma_start3A_694 = tpu.memref_slice %dma_start3A_692[%dma_start3A_693] : memref<7999616xf32, #tpu.memory_space<hbm>> -> memref<7999616xf32, #tpu.memory_space<hbm>>
    tpu.enqueue_indirect_dma source(%dma_start3A_694 : memref<7999616xf32, #tpu.memory_space<hbm>>) target(%dma_start3A_690 : memref<512xf32, #tpu.memory_space<vmem>>) offsets(%arg6 : memref<512xi32, #tpu.memory_space<vmem>>) semaphore(%arg8 : memref<!tpu.dma_semaphore, #tpu.memory_space<semaphore_mem>>)
    %dma_start3A_695 = arith.constant 31 : i32
    %dma_start3A_696 = arith.constant 0 : i32
    %dma_start3A_697 = tpu.memref_slice %arg7[%dma_start3A_695, %dma_start3A_696] : memref<64x512xf32, #tpu.memory_space<vmem>> -> memref<1x512xf32, #tpu.memory_space<vmem>>
    %dma_start3A_698 = tpu.memref_squeeze %dma_start3A_697 : memref<1x512xf32, #tpu.memory_space<vmem>> -> memref<512xf32, #tpu.memory_space<vmem>>
    %dma_start3A_699 = arith.constant 24002432 : i32
    %dma_start3A_700 = tpu.memref_slice %arg2[%dma_start3A_699] : memref<64004096xf32, #tpu.memory_space<hbm>> -> memref<7999616xf32, #tpu.memory_space<hbm>>
    %dma_start3A_701 = arith.constant 0 : i32
    %dma_start3A_702 = tpu.memref_slice %dma_start3A_700[%dma_start3A_701] : memref<7999616xf32, #tpu.memory_space<hbm>> -> memref<7999616xf32, #tpu.memory_space<hbm>>
    tpu.enqueue_indirect_dma source(%dma_start3A_702 : memref<7999616xf32, #tpu.memory_space<hbm>>) target(%dma_start3A_698 : memref<512xf32, #tpu.memory_space<vmem>>) offsets(%arg6 : memref<512xi32, #tpu.memory_space<vmem>>) semaphore(%arg8 : memref<!tpu.dma_semaphore, #tpu.memory_space<semaphore_mem>>)
    %dma_start3A_703 = arith.constant 32 : i32
    %dma_start3A_704 = arith.constant 0 : i32
    %dma_start3A_705 = tpu.memref_slice %arg7[%dma_start3A_703, %dma_start3A_704] : memref<64x512xf32, #tpu.memory_space<vmem>> -> memref<1x512xf32, #tpu.memory_space<vmem>>
    %dma_start3A_706 = tpu.memref_squeeze %dma_start3A_705 : memref<1x512xf32, #tpu.memory_space<vmem>> -> memref<512xf32, #tpu.memory_space<vmem>>
    %dma_start3A_707 = arith.constant 32002048 : i32
    %dma_start3A_708 = tpu.memref_slice %arg2[%dma_start3A_707] : memref<64004096xf32, #tpu.memory_space<hbm>> -> memref<7999616xf32, #tpu.memory_space<hbm>>
    %dma_start3A_709 = arith.constant 0 : i32
    %dma_start3A_710 = tpu.memref_slice %dma_start3A_708[%dma_start3A_709] : memref<7999616xf32, #tpu.memory_space<hbm>> -> memref<7999616xf32, #tpu.memory_space<hbm>>
    tpu.enqueue_indirect_dma source(%dma_start3A_710 : memref<7999616xf32, #tpu.memory_space<hbm>>) target(%dma_start3A_706 : memref<512xf32, #tpu.memory_space<vmem>>) offsets(%arg6 : memref<512xi32, #tpu.memory_space<vmem>>) semaphore(%arg8 : memref<!tpu.dma_semaphore, #tpu.memory_space<semaphore_mem>>)
    %dma_start3A_711 = arith.constant 33 : i32
    %dma_start3A_712 = arith.constant 0 : i32
    %dma_start3A_713 = tpu.memref_slice %arg7[%dma_start3A_711, %dma_start3A_712] : memref<64x512xf32, #tpu.memory_space<vmem>> -> memref<1x512xf32, #tpu.memory_space<vmem>>
    %dma_start3A_714 = tpu.memref_squeeze %dma_start3A_713 : memref<1x512xf32, #tpu.memory_space<vmem>> -> memref<512xf32, #tpu.memory_space<vmem>>
    %dma_start3A_715 = arith.constant 32002176 : i32
    %dma_start3A_716 = tpu.memref_slice %arg2[%dma_start3A_715] : memref<64004096xf32, #tpu.memory_space<hbm>> -> memref<7999616xf32, #tpu.memory_space<hbm>>
    %dma_start3A_717 = arith.constant 0 : i32
    %dma_start3A_718 = tpu.memref_slice %dma_start3A_716[%dma_start3A_717] : memref<7999616xf32, #tpu.memory_space<hbm>> -> memref<7999616xf32, #tpu.memory_space<hbm>>
    tpu.enqueue_indirect_dma source(%dma_start3A_718 : memref<7999616xf32, #tpu.memory_space<hbm>>) target(%dma_start3A_714 : memref<512xf32, #tpu.memory_space<vmem>>) offsets(%arg6 : memref<512xi32, #tpu.memory_space<vmem>>) semaphore(%arg8 : memref<!tpu.dma_semaphore, #tpu.memory_space<semaphore_mem>>)
    %dma_start3A_719 = arith.constant 34 : i32
    %dma_start3A_720 = arith.constant 0 : i32
    %dma_start3A_721 = tpu.memref_slice %arg7[%dma_start3A_719, %dma_start3A_720] : memref<64x512xf32, #tpu.memory_space<vmem>> -> memref<1x512xf32, #tpu.memory_space<vmem>>
    %dma_start3A_722 = tpu.memref_squeeze %dma_start3A_721 : memref<1x512xf32, #tpu.memory_space<vmem>> -> memref<512xf32, #tpu.memory_space<vmem>>
    %dma_start3A_723 = arith.constant 32002304 : i32
    %dma_start3A_724 = tpu.memref_slice %arg2[%dma_start3A_723] : memref<64004096xf32, #tpu.memory_space<hbm>> -> memref<7999616xf32, #tpu.memory_space<hbm>>
    %dma_start3A_725 = arith.constant 0 : i32
    %dma_start3A_726 = tpu.memref_slice %dma_start3A_724[%dma_start3A_725] : memref<7999616xf32, #tpu.memory_space<hbm>> -> memref<7999616xf32, #tpu.memory_space<hbm>>
    tpu.enqueue_indirect_dma source(%dma_start3A_726 : memref<7999616xf32, #tpu.memory_space<hbm>>) target(%dma_start3A_722 : memref<512xf32, #tpu.memory_space<vmem>>) offsets(%arg6 : memref<512xi32, #tpu.memory_space<vmem>>) semaphore(%arg8 : memref<!tpu.dma_semaphore, #tpu.memory_space<semaphore_mem>>)
    %dma_start3A_727 = arith.constant 35 : i32
    %dma_start3A_728 = arith.constant 0 : i32
    %dma_start3A_729 = tpu.memref_slice %arg7[%dma_start3A_727, %dma_start3A_728] : memref<64x512xf32, #tpu.memory_space<vmem>> -> memref<1x512xf32, #tpu.memory_space<vmem>>
    %dma_start3A_730 = tpu.memref_squeeze %dma_start3A_729 : memref<1x512xf32, #tpu.memory_space<vmem>> -> memref<512xf32, #tpu.memory_space<vmem>>
    %dma_start3A_731 = arith.constant 32002432 : i32
    %dma_start3A_732 = tpu.memref_slice %arg2[%dma_start3A_731] : memref<64004096xf32, #tpu.memory_space<hbm>> -> memref<7999616xf32, #tpu.memory_space<hbm>>
    %dma_start3A_733 = arith.constant 0 : i32
    %dma_start3A_734 = tpu.memref_slice %dma_start3A_732[%dma_start3A_733] : memref<7999616xf32, #tpu.memory_space<hbm>> -> memref<7999616xf32, #tpu.memory_space<hbm>>
    tpu.enqueue_indirect_dma source(%dma_start3A_734 : memref<7999616xf32, #tpu.memory_space<hbm>>) target(%dma_start3A_730 : memref<512xf32, #tpu.memory_space<vmem>>) offsets(%arg6 : memref<512xi32, #tpu.memory_space<vmem>>) semaphore(%arg8 : memref<!tpu.dma_semaphore, #tpu.memory_space<semaphore_mem>>)
    %dma_start3A_735 = arith.constant 36 : i32
    %dma_start3A_736 = arith.constant 0 : i32
    %dma_start3A_737 = tpu.memref_slice %arg7[%dma_start3A_735, %dma_start3A_736] : memref<64x512xf32, #tpu.memory_space<vmem>> -> memref<1x512xf32, #tpu.memory_space<vmem>>
    %dma_start3A_738 = tpu.memref_squeeze %dma_start3A_737 : memref<1x512xf32, #tpu.memory_space<vmem>> -> memref<512xf32, #tpu.memory_space<vmem>>
    %dma_start3A_739 = arith.constant 32002560 : i32
    %dma_start3A_740 = tpu.memref_slice %arg2[%dma_start3A_739] : memref<64004096xf32, #tpu.memory_space<hbm>> -> memref<7999616xf32, #tpu.memory_space<hbm>>
    %dma_start3A_741 = arith.constant 0 : i32
    %dma_start3A_742 = tpu.memref_slice %dma_start3A_740[%dma_start3A_741] : memref<7999616xf32, #tpu.memory_space<hbm>> -> memref<7999616xf32, #tpu.memory_space<hbm>>
    tpu.enqueue_indirect_dma source(%dma_start3A_742 : memref<7999616xf32, #tpu.memory_space<hbm>>) target(%dma_start3A_738 : memref<512xf32, #tpu.memory_space<vmem>>) offsets(%arg6 : memref<512xi32, #tpu.memory_space<vmem>>) semaphore(%arg8 : memref<!tpu.dma_semaphore, #tpu.memory_space<semaphore_mem>>)
    %dma_start3A_743 = arith.constant 37 : i32
    %dma_start3A_744 = arith.constant 0 : i32
    %dma_start3A_745 = tpu.memref_slice %arg7[%dma_start3A_743, %dma_start3A_744] : memref<64x512xf32, #tpu.memory_space<vmem>> -> memref<1x512xf32, #tpu.memory_space<vmem>>
    %dma_start3A_746 = tpu.memref_squeeze %dma_start3A_745 : memref<1x512xf32, #tpu.memory_space<vmem>> -> memref<512xf32, #tpu.memory_space<vmem>>
    %dma_start3A_747 = arith.constant 32002688 : i32
    %dma_start3A_748 = tpu.memref_slice %arg2[%dma_start3A_747] : memref<64004096xf32, #tpu.memory_space<hbm>> -> memref<7999616xf32, #tpu.memory_space<hbm>>
    %dma_start3A_749 = arith.constant 0 : i32
    %dma_start3A_750 = tpu.memref_slice %dma_start3A_748[%dma_start3A_749] : memref<7999616xf32, #tpu.memory_space<hbm>> -> memref<7999616xf32, #tpu.memory_space<hbm>>
    tpu.enqueue_indirect_dma source(%dma_start3A_750 : memref<7999616xf32, #tpu.memory_space<hbm>>) target(%dma_start3A_746 : memref<512xf32, #tpu.memory_space<vmem>>) offsets(%arg6 : memref<512xi32, #tpu.memory_space<vmem>>) semaphore(%arg8 : memref<!tpu.dma_semaphore, #tpu.memory_space<semaphore_mem>>)
    %dma_start3A_751 = arith.constant 38 : i32
    %dma_start3A_752 = arith.constant 0 : i32
    %dma_start3A_753 = tpu.memref_slice %arg7[%dma_start3A_751, %dma_start3A_752] : memref<64x512xf32, #tpu.memory_space<vmem>> -> memref<1x512xf32, #tpu.memory_space<vmem>>
    %dma_start3A_754 = tpu.memref_squeeze %dma_start3A_753 : memref<1x512xf32, #tpu.memory_space<vmem>> -> memref<512xf32, #tpu.memory_space<vmem>>
    %dma_start3A_755 = arith.constant 32002816 : i32
    %dma_start3A_756 = tpu.memref_slice %arg2[%dma_start3A_755] : memref<64004096xf32, #tpu.memory_space<hbm>> -> memref<7999616xf32, #tpu.memory_space<hbm>>
    %dma_start3A_757 = arith.constant 0 : i32
    %dma_start3A_758 = tpu.memref_slice %dma_start3A_756[%dma_start3A_757] : memref<7999616xf32, #tpu.memory_space<hbm>> -> memref<7999616xf32, #tpu.memory_space<hbm>>
    tpu.enqueue_indirect_dma source(%dma_start3A_758 : memref<7999616xf32, #tpu.memory_space<hbm>>) target(%dma_start3A_754 : memref<512xf32, #tpu.memory_space<vmem>>) offsets(%arg6 : memref<512xi32, #tpu.memory_space<vmem>>) semaphore(%arg8 : memref<!tpu.dma_semaphore, #tpu.memory_space<semaphore_mem>>)
    %dma_start3A_759 = arith.constant 39 : i32
    %dma_start3A_760 = arith.constant 0 : i32
    %dma_start3A_761 = tpu.memref_slice %arg7[%dma_start3A_759, %dma_start3A_760] : memref<64x512xf32, #tpu.memory_space<vmem>> -> memref<1x512xf32, #tpu.memory_space<vmem>>
    %dma_start3A_762 = tpu.memref_squeeze %dma_start3A_761 : memref<1x512xf32, #tpu.memory_space<vmem>> -> memref<512xf32, #tpu.memory_space<vmem>>
    %dma_start3A_763 = arith.constant 32002944 : i32
    %dma_start3A_764 = tpu.memref_slice %arg2[%dma_start3A_763] : memref<64004096xf32, #tpu.memory_space<hbm>> -> memref<7999616xf32, #tpu.memory_space<hbm>>
    %dma_start3A_765 = arith.constant 0 : i32
    %dma_start3A_766 = tpu.memref_slice %dma_start3A_764[%dma_start3A_765] : memref<7999616xf32, #tpu.memory_space<hbm>> -> memref<7999616xf32, #tpu.memory_space<hbm>>
    tpu.enqueue_indirect_dma source(%dma_start3A_766 : memref<7999616xf32, #tpu.memory_space<hbm>>) target(%dma_start3A_762 : memref<512xf32, #tpu.memory_space<vmem>>) offsets(%arg6 : memref<512xi32, #tpu.memory_space<vmem>>) semaphore(%arg8 : memref<!tpu.dma_semaphore, #tpu.memory_space<semaphore_mem>>)
    %dma_start3A_767 = arith.constant 40 : i32
    %dma_start3A_768 = arith.constant 0 : i32
    %dma_start3A_769 = tpu.memref_slice %arg7[%dma_start3A_767, %dma_start3A_768] : memref<64x512xf32, #tpu.memory_space<vmem>> -> memref<1x512xf32, #tpu.memory_space<vmem>>
    %dma_start3A_770 = tpu.memref_squeeze %dma_start3A_769 : memref<1x512xf32, #tpu.memory_space<vmem>> -> memref<512xf32, #tpu.memory_space<vmem>>
    %dma_start3A_771 = arith.constant 40002560 : i32
    %dma_start3A_772 = tpu.memref_slice %arg2[%dma_start3A_771] : memref<64004096xf32, #tpu.memory_space<hbm>> -> memref<7999616xf32, #tpu.memory_space<hbm>>
    %dma_start3A_773 = arith.constant 0 : i32
    %dma_start3A_774 = tpu.memref_slice %dma_start3A_772[%dma_start3A_773] : memref<7999616xf32, #tpu.memory_space<hbm>> -> memref<7999616xf32, #tpu.memory_space<hbm>>
    tpu.enqueue_indirect_dma source(%dma_start3A_774 : memref<7999616xf32, #tpu.memory_space<hbm>>) target(%dma_start3A_770 : memref<512xf32, #tpu.memory_space<vmem>>) offsets(%arg6 : memref<512xi32, #tpu.memory_space<vmem>>) semaphore(%arg8 : memref<!tpu.dma_semaphore, #tpu.memory_space<semaphore_mem>>)
    %dma_start3A_775 = arith.constant 41 : i32
    %dma_start3A_776 = arith.constant 0 : i32
    %dma_start3A_777 = tpu.memref_slice %arg7[%dma_start3A_775, %dma_start3A_776] : memref<64x512xf32, #tpu.memory_space<vmem>> -> memref<1x512xf32, #tpu.memory_space<vmem>>
    %dma_start3A_778 = tpu.memref_squeeze %dma_start3A_777 : memref<1x512xf32, #tpu.memory_space<vmem>> -> memref<512xf32, #tpu.memory_space<vmem>>
    %dma_start3A_779 = arith.constant 40002688 : i32
    %dma_start3A_780 = tpu.memref_slice %arg2[%dma_start3A_779] : memref<64004096xf32, #tpu.memory_space<hbm>> -> memref<7999616xf32, #tpu.memory_space<hbm>>
    %dma_start3A_781 = arith.constant 0 : i32
    %dma_start3A_782 = tpu.memref_slice %dma_start3A_780[%dma_start3A_781] : memref<7999616xf32, #tpu.memory_space<hbm>> -> memref<7999616xf32, #tpu.memory_space<hbm>>
    tpu.enqueue_indirect_dma source(%dma_start3A_782 : memref<7999616xf32, #tpu.memory_space<hbm>>) target(%dma_start3A_778 : memref<512xf32, #tpu.memory_space<vmem>>) offsets(%arg6 : memref<512xi32, #tpu.memory_space<vmem>>) semaphore(%arg8 : memref<!tpu.dma_semaphore, #tpu.memory_space<semaphore_mem>>)
    %dma_start3A_783 = arith.constant 42 : i32
    %dma_start3A_784 = arith.constant 0 : i32
    %dma_start3A_785 = tpu.memref_slice %arg7[%dma_start3A_783, %dma_start3A_784] : memref<64x512xf32, #tpu.memory_space<vmem>> -> memref<1x512xf32, #tpu.memory_space<vmem>>
    %dma_start3A_786 = tpu.memref_squeeze %dma_start3A_785 : memref<1x512xf32, #tpu.memory_space<vmem>> -> memref<512xf32, #tpu.memory_space<vmem>>
    %dma_start3A_787 = arith.constant 40002816 : i32
    %dma_start3A_788 = tpu.memref_slice %arg2[%dma_start3A_787] : memref<64004096xf32, #tpu.memory_space<hbm>> -> memref<7999616xf32, #tpu.memory_space<hbm>>
    %dma_start3A_789 = arith.constant 0 : i32
    %dma_start3A_790 = tpu.memref_slice %dma_start3A_788[%dma_start3A_789] : memref<7999616xf32, #tpu.memory_space<hbm>> -> memref<7999616xf32, #tpu.memory_space<hbm>>
    tpu.enqueue_indirect_dma source(%dma_start3A_790 : memref<7999616xf32, #tpu.memory_space<hbm>>) target(%dma_start3A_786 : memref<512xf32, #tpu.memory_space<vmem>>) offsets(%arg6 : memref<512xi32, #tpu.memory_space<vmem>>) semaphore(%arg8 : memref<!tpu.dma_semaphore, #tpu.memory_space<semaphore_mem>>)
    %dma_start3A_791 = arith.constant 43 : i32
    %dma_start3A_792 = arith.constant 0 : i32
    %dma_start3A_793 = tpu.memref_slice %arg7[%dma_start3A_791, %dma_start3A_792] : memref<64x512xf32, #tpu.memory_space<vmem>> -> memref<1x512xf32, #tpu.memory_space<vmem>>
    %dma_start3A_794 = tpu.memref_squeeze %dma_start3A_793 : memref<1x512xf32, #tpu.memory_space<vmem>> -> memref<512xf32, #tpu.memory_space<vmem>>
    %dma_start3A_795 = arith.constant 40002944 : i32
    %dma_start3A_796 = tpu.memref_slice %arg2[%dma_start3A_795] : memref<64004096xf32, #tpu.memory_space<hbm>> -> memref<7999616xf32, #tpu.memory_space<hbm>>
    %dma_start3A_797 = arith.constant 0 : i32
    %dma_start3A_798 = tpu.memref_slice %dma_start3A_796[%dma_start3A_797] : memref<7999616xf32, #tpu.memory_space<hbm>> -> memref<7999616xf32, #tpu.memory_space<hbm>>
    tpu.enqueue_indirect_dma source(%dma_start3A_798 : memref<7999616xf32, #tpu.memory_space<hbm>>) target(%dma_start3A_794 : memref<512xf32, #tpu.memory_space<vmem>>) offsets(%arg6 : memref<512xi32, #tpu.memory_space<vmem>>) semaphore(%arg8 : memref<!tpu.dma_semaphore, #tpu.memory_space<semaphore_mem>>)
    %dma_start3A_799 = arith.constant 44 : i32
    %dma_start3A_800 = arith.constant 0 : i32
    %dma_start3A_801 = tpu.memref_slice %arg7[%dma_start3A_799, %dma_start3A_800] : memref<64x512xf32, #tpu.memory_space<vmem>> -> memref<1x512xf32, #tpu.memory_space<vmem>>
    %dma_start3A_802 = tpu.memref_squeeze %dma_start3A_801 : memref<1x512xf32, #tpu.memory_space<vmem>> -> memref<512xf32, #tpu.memory_space<vmem>>
    %dma_start3A_803 = arith.constant 40003072 : i32
    %dma_start3A_804 = tpu.memref_slice %arg2[%dma_start3A_803] : memref<64004096xf32, #tpu.memory_space<hbm>> -> memref<7999616xf32, #tpu.memory_space<hbm>>
    %dma_start3A_805 = arith.constant 0 : i32
    %dma_start3A_806 = tpu.memref_slice %dma_start3A_804[%dma_start3A_805] : memref<7999616xf32, #tpu.memory_space<hbm>> -> memref<7999616xf32, #tpu.memory_space<hbm>>
    tpu.enqueue_indirect_dma source(%dma_start3A_806 : memref<7999616xf32, #tpu.memory_space<hbm>>) target(%dma_start3A_802 : memref<512xf32, #tpu.memory_space<vmem>>) offsets(%arg6 : memref<512xi32, #tpu.memory_space<vmem>>) semaphore(%arg8 : memref<!tpu.dma_semaphore, #tpu.memory_space<semaphore_mem>>)
    %dma_start3A_807 = arith.constant 45 : i32
    %dma_start3A_808 = arith.constant 0 : i32
    %dma_start3A_809 = tpu.memref_slice %arg7[%dma_start3A_807, %dma_start3A_808] : memref<64x512xf32, #tpu.memory_space<vmem>> -> memref<1x512xf32, #tpu.memory_space<vmem>>
    %dma_start3A_810 = tpu.memref_squeeze %dma_start3A_809 : memref<1x512xf32, #tpu.memory_space<vmem>> -> memref<512xf32, #tpu.memory_space<vmem>>
    %dma_start3A_811 = arith.constant 40003200 : i32
    %dma_start3A_812 = tpu.memref_slice %arg2[%dma_start3A_811] : memref<64004096xf32, #tpu.memory_space<hbm>> -> memref<7999616xf32, #tpu.memory_space<hbm>>
    %dma_start3A_813 = arith.constant 0 : i32
    %dma_start3A_814 = tpu.memref_slice %dma_start3A_812[%dma_start3A_813] : memref<7999616xf32, #tpu.memory_space<hbm>> -> memref<7999616xf32, #tpu.memory_space<hbm>>
    tpu.enqueue_indirect_dma source(%dma_start3A_814 : memref<7999616xf32, #tpu.memory_space<hbm>>) target(%dma_start3A_810 : memref<512xf32, #tpu.memory_space<vmem>>) offsets(%arg6 : memref<512xi32, #tpu.memory_space<vmem>>) semaphore(%arg8 : memref<!tpu.dma_semaphore, #tpu.memory_space<semaphore_mem>>)
    %dma_start3A_815 = arith.constant 46 : i32
    %dma_start3A_816 = arith.constant 0 : i32
    %dma_start3A_817 = tpu.memref_slice %arg7[%dma_start3A_815, %dma_start3A_816] : memref<64x512xf32, #tpu.memory_space<vmem>> -> memref<1x512xf32, #tpu.memory_space<vmem>>
    %dma_start3A_818 = tpu.memref_squeeze %dma_start3A_817 : memref<1x512xf32, #tpu.memory_space<vmem>> -> memref<512xf32, #tpu.memory_space<vmem>>
    %dma_start3A_819 = arith.constant 40003328 : i32
    %dma_start3A_820 = tpu.memref_slice %arg2[%dma_start3A_819] : memref<64004096xf32, #tpu.memory_space<hbm>> -> memref<7999616xf32, #tpu.memory_space<hbm>>
    %dma_start3A_821 = arith.constant 0 : i32
    %dma_start3A_822 = tpu.memref_slice %dma_start3A_820[%dma_start3A_821] : memref<7999616xf32, #tpu.memory_space<hbm>> -> memref<7999616xf32, #tpu.memory_space<hbm>>
    tpu.enqueue_indirect_dma source(%dma_start3A_822 : memref<7999616xf32, #tpu.memory_space<hbm>>) target(%dma_start3A_818 : memref<512xf32, #tpu.memory_space<vmem>>) offsets(%arg6 : memref<512xi32, #tpu.memory_space<vmem>>) semaphore(%arg8 : memref<!tpu.dma_semaphore, #tpu.memory_space<semaphore_mem>>)
    %dma_start3A_823 = arith.constant 47 : i32
    %dma_start3A_824 = arith.constant 0 : i32
    %dma_start3A_825 = tpu.memref_slice %arg7[%dma_start3A_823, %dma_start3A_824] : memref<64x512xf32, #tpu.memory_space<vmem>> -> memref<1x512xf32, #tpu.memory_space<vmem>>
    %dma_start3A_826 = tpu.memref_squeeze %dma_start3A_825 : memref<1x512xf32, #tpu.memory_space<vmem>> -> memref<512xf32, #tpu.memory_space<vmem>>
    %dma_start3A_827 = arith.constant 40003456 : i32
    %dma_start3A_828 = tpu.memref_slice %arg2[%dma_start3A_827] : memref<64004096xf32, #tpu.memory_space<hbm>> -> memref<7999616xf32, #tpu.memory_space<hbm>>
    %dma_start3A_829 = arith.constant 0 : i32
    %dma_start3A_830 = tpu.memref_slice %dma_start3A_828[%dma_start3A_829] : memref<7999616xf32, #tpu.memory_space<hbm>> -> memref<7999616xf32, #tpu.memory_space<hbm>>
    tpu.enqueue_indirect_dma source(%dma_start3A_830 : memref<7999616xf32, #tpu.memory_space<hbm>>) target(%dma_start3A_826 : memref<512xf32, #tpu.memory_space<vmem>>) offsets(%arg6 : memref<512xi32, #tpu.memory_space<vmem>>) semaphore(%arg8 : memref<!tpu.dma_semaphore, #tpu.memory_space<semaphore_mem>>)
    %dma_start3A_831 = arith.constant 48 : i32
    %dma_start3A_832 = arith.constant 0 : i32
    %dma_start3A_833 = tpu.memref_slice %arg7[%dma_start3A_831, %dma_start3A_832] : memref<64x512xf32, #tpu.memory_space<vmem>> -> memref<1x512xf32, #tpu.memory_space<vmem>>
    %dma_start3A_834 = tpu.memref_squeeze %dma_start3A_833 : memref<1x512xf32, #tpu.memory_space<vmem>> -> memref<512xf32, #tpu.memory_space<vmem>>
    %dma_start3A_835 = arith.constant 48003072 : i32
    %dma_start3A_836 = tpu.memref_slice %arg2[%dma_start3A_835] : memref<64004096xf32, #tpu.memory_space<hbm>> -> memref<7999616xf32, #tpu.memory_space<hbm>>
    %dma_start3A_837 = arith.constant 0 : i32
    %dma_start3A_838 = tpu.memref_slice %dma_start3A_836[%dma_start3A_837] : memref<7999616xf32, #tpu.memory_space<hbm>> -> memref<7999616xf32, #tpu.memory_space<hbm>>
    tpu.enqueue_indirect_dma source(%dma_start3A_838 : memref<7999616xf32, #tpu.memory_space<hbm>>) target(%dma_start3A_834 : memref<512xf32, #tpu.memory_space<vmem>>) offsets(%arg6 : memref<512xi32, #tpu.memory_space<vmem>>) semaphore(%arg8 : memref<!tpu.dma_semaphore, #tpu.memory_space<semaphore_mem>>)
    %dma_start3A_839 = arith.constant 49 : i32
    %dma_start3A_840 = arith.constant 0 : i32
    %dma_start3A_841 = tpu.memref_slice %arg7[%dma_start3A_839, %dma_start3A_840] : memref<64x512xf32, #tpu.memory_space<vmem>> -> memref<1x512xf32, #tpu.memory_space<vmem>>
    %dma_start3A_842 = tpu.memref_squeeze %dma_start3A_841 : memref<1x512xf32, #tpu.memory_space<vmem>> -> memref<512xf32, #tpu.memory_space<vmem>>
    %dma_start3A_843 = arith.constant 48003200 : i32
    %dma_start3A_844 = tpu.memref_slice %arg2[%dma_start3A_843] : memref<64004096xf32, #tpu.memory_space<hbm>> -> memref<7999616xf32, #tpu.memory_space<hbm>>
    %dma_start3A_845 = arith.constant 0 : i32
    %dma_start3A_846 = tpu.memref_slice %dma_start3A_844[%dma_start3A_845] : memref<7999616xf32, #tpu.memory_space<hbm>> -> memref<7999616xf32, #tpu.memory_space<hbm>>
    tpu.enqueue_indirect_dma source(%dma_start3A_846 : memref<7999616xf32, #tpu.memory_space<hbm>>) target(%dma_start3A_842 : memref<512xf32, #tpu.memory_space<vmem>>) offsets(%arg6 : memref<512xi32, #tpu.memory_space<vmem>>) semaphore(%arg8 : memref<!tpu.dma_semaphore, #tpu.memory_space<semaphore_mem>>)
    %dma_start3A_847 = arith.constant 50 : i32
    %dma_start3A_848 = arith.constant 0 : i32
    %dma_start3A_849 = tpu.memref_slice %arg7[%dma_start3A_847, %dma_start3A_848] : memref<64x512xf32, #tpu.memory_space<vmem>> -> memref<1x512xf32, #tpu.memory_space<vmem>>
    %dma_start3A_850 = tpu.memref_squeeze %dma_start3A_849 : memref<1x512xf32, #tpu.memory_space<vmem>> -> memref<512xf32, #tpu.memory_space<vmem>>
    %dma_start3A_851 = arith.constant 48003328 : i32
    %dma_start3A_852 = tpu.memref_slice %arg2[%dma_start3A_851] : memref<64004096xf32, #tpu.memory_space<hbm>> -> memref<7999616xf32, #tpu.memory_space<hbm>>
    %dma_start3A_853 = arith.constant 0 : i32
    %dma_start3A_854 = tpu.memref_slice %dma_start3A_852[%dma_start3A_853] : memref<7999616xf32, #tpu.memory_space<hbm>> -> memref<7999616xf32, #tpu.memory_space<hbm>>
    tpu.enqueue_indirect_dma source(%dma_start3A_854 : memref<7999616xf32, #tpu.memory_space<hbm>>) target(%dma_start3A_850 : memref<512xf32, #tpu.memory_space<vmem>>) offsets(%arg6 : memref<512xi32, #tpu.memory_space<vmem>>) semaphore(%arg8 : memref<!tpu.dma_semaphore, #tpu.memory_space<semaphore_mem>>)
    %dma_start3A_855 = arith.constant 51 : i32
    %dma_start3A_856 = arith.constant 0 : i32
    %dma_start3A_857 = tpu.memref_slice %arg7[%dma_start3A_855, %dma_start3A_856] : memref<64x512xf32, #tpu.memory_space<vmem>> -> memref<1x512xf32, #tpu.memory_space<vmem>>
    %dma_start3A_858 = tpu.memref_squeeze %dma_start3A_857 : memref<1x512xf32, #tpu.memory_space<vmem>> -> memref<512xf32, #tpu.memory_space<vmem>>
    %dma_start3A_859 = arith.constant 48003456 : i32
    %dma_start3A_860 = tpu.memref_slice %arg2[%dma_start3A_859] : memref<64004096xf32, #tpu.memory_space<hbm>> -> memref<7999616xf32, #tpu.memory_space<hbm>>
    %dma_start3A_861 = arith.constant 0 : i32
    %dma_start3A_862 = tpu.memref_slice %dma_start3A_860[%dma_start3A_861] : memref<7999616xf32, #tpu.memory_space<hbm>> -> memref<7999616xf32, #tpu.memory_space<hbm>>
    tpu.enqueue_indirect_dma source(%dma_start3A_862 : memref<7999616xf32, #tpu.memory_space<hbm>>) target(%dma_start3A_858 : memref<512xf32, #tpu.memory_space<vmem>>) offsets(%arg6 : memref<512xi32, #tpu.memory_space<vmem>>) semaphore(%arg8 : memref<!tpu.dma_semaphore, #tpu.memory_space<semaphore_mem>>)
    %dma_start3A_863 = arith.constant 52 : i32
    %dma_start3A_864 = arith.constant 0 : i32
    %dma_start3A_865 = tpu.memref_slice %arg7[%dma_start3A_863, %dma_start3A_864] : memref<64x512xf32, #tpu.memory_space<vmem>> -> memref<1x512xf32, #tpu.memory_space<vmem>>
    %dma_start3A_866 = tpu.memref_squeeze %dma_start3A_865 : memref<1x512xf32, #tpu.memory_space<vmem>> -> memref<512xf32, #tpu.memory_space<vmem>>
    %dma_start3A_867 = arith.constant 48003584 : i32
    %dma_start3A_868 = tpu.memref_slice %arg2[%dma_start3A_867] : memref<64004096xf32, #tpu.memory_space<hbm>> -> memref<7999616xf32, #tpu.memory_space<hbm>>
    %dma_start3A_869 = arith.constant 0 : i32
    %dma_start3A_870 = tpu.memref_slice %dma_start3A_868[%dma_start3A_869] : memref<7999616xf32, #tpu.memory_space<hbm>> -> memref<7999616xf32, #tpu.memory_space<hbm>>
    tpu.enqueue_indirect_dma source(%dma_start3A_870 : memref<7999616xf32, #tpu.memory_space<hbm>>) target(%dma_start3A_866 : memref<512xf32, #tpu.memory_space<vmem>>) offsets(%arg6 : memref<512xi32, #tpu.memory_space<vmem>>) semaphore(%arg8 : memref<!tpu.dma_semaphore, #tpu.memory_space<semaphore_mem>>)
    %dma_start3A_871 = arith.constant 53 : i32
    %dma_start3A_872 = arith.constant 0 : i32
    %dma_start3A_873 = tpu.memref_slice %arg7[%dma_start3A_871, %dma_start3A_872] : memref<64x512xf32, #tpu.memory_space<vmem>> -> memref<1x512xf32, #tpu.memory_space<vmem>>
    %dma_start3A_874 = tpu.memref_squeeze %dma_start3A_873 : memref<1x512xf32, #tpu.memory_space<vmem>> -> memref<512xf32, #tpu.memory_space<vmem>>
    %dma_start3A_875 = arith.constant 48003712 : i32
    %dma_start3A_876 = tpu.memref_slice %arg2[%dma_start3A_875] : memref<64004096xf32, #tpu.memory_space<hbm>> -> memref<7999616xf32, #tpu.memory_space<hbm>>
    %dma_start3A_877 = arith.constant 0 : i32
    %dma_start3A_878 = tpu.memref_slice %dma_start3A_876[%dma_start3A_877] : memref<7999616xf32, #tpu.memory_space<hbm>> -> memref<7999616xf32, #tpu.memory_space<hbm>>
    tpu.enqueue_indirect_dma source(%dma_start3A_878 : memref<7999616xf32, #tpu.memory_space<hbm>>) target(%dma_start3A_874 : memref<512xf32, #tpu.memory_space<vmem>>) offsets(%arg6 : memref<512xi32, #tpu.memory_space<vmem>>) semaphore(%arg8 : memref<!tpu.dma_semaphore, #tpu.memory_space<semaphore_mem>>)
    %dma_start3A_879 = arith.constant 54 : i32
    %dma_start3A_880 = arith.constant 0 : i32
    %dma_start3A_881 = tpu.memref_slice %arg7[%dma_start3A_879, %dma_start3A_880] : memref<64x512xf32, #tpu.memory_space<vmem>> -> memref<1x512xf32, #tpu.memory_space<vmem>>
    %dma_start3A_882 = tpu.memref_squeeze %dma_start3A_881 : memref<1x512xf32, #tpu.memory_space<vmem>> -> memref<512xf32, #tpu.memory_space<vmem>>
    %dma_start3A_883 = arith.constant 48003840 : i32
    %dma_start3A_884 = tpu.memref_slice %arg2[%dma_start3A_883] : memref<64004096xf32, #tpu.memory_space<hbm>> -> memref<7999616xf32, #tpu.memory_space<hbm>>
    %dma_start3A_885 = arith.constant 0 : i32
    %dma_start3A_886 = tpu.memref_slice %dma_start3A_884[%dma_start3A_885] : memref<7999616xf32, #tpu.memory_space<hbm>> -> memref<7999616xf32, #tpu.memory_space<hbm>>
    tpu.enqueue_indirect_dma source(%dma_start3A_886 : memref<7999616xf32, #tpu.memory_space<hbm>>) target(%dma_start3A_882 : memref<512xf32, #tpu.memory_space<vmem>>) offsets(%arg6 : memref<512xi32, #tpu.memory_space<vmem>>) semaphore(%arg8 : memref<!tpu.dma_semaphore, #tpu.memory_space<semaphore_mem>>)
    %dma_start3A_887 = arith.constant 55 : i32
    %dma_start3A_888 = arith.constant 0 : i32
    %dma_start3A_889 = tpu.memref_slice %arg7[%dma_start3A_887, %dma_start3A_888] : memref<64x512xf32, #tpu.memory_space<vmem>> -> memref<1x512xf32, #tpu.memory_space<vmem>>
    %dma_start3A_890 = tpu.memref_squeeze %dma_start3A_889 : memref<1x512xf32, #tpu.memory_space<vmem>> -> memref<512xf32, #tpu.memory_space<vmem>>
    %dma_start3A_891 = arith.constant 48003968 : i32
    %dma_start3A_892 = tpu.memref_slice %arg2[%dma_start3A_891] : memref<64004096xf32, #tpu.memory_space<hbm>> -> memref<7999616xf32, #tpu.memory_space<hbm>>
    %dma_start3A_893 = arith.constant 0 : i32
    %dma_start3A_894 = tpu.memref_slice %dma_start3A_892[%dma_start3A_893] : memref<7999616xf32, #tpu.memory_space<hbm>> -> memref<7999616xf32, #tpu.memory_space<hbm>>
    tpu.enqueue_indirect_dma source(%dma_start3A_894 : memref<7999616xf32, #tpu.memory_space<hbm>>) target(%dma_start3A_890 : memref<512xf32, #tpu.memory_space<vmem>>) offsets(%arg6 : memref<512xi32, #tpu.memory_space<vmem>>) semaphore(%arg8 : memref<!tpu.dma_semaphore, #tpu.memory_space<semaphore_mem>>)
    %dma_start3A_895 = arith.constant 56 : i32
    %dma_start3A_896 = arith.constant 0 : i32
    %dma_start3A_897 = tpu.memref_slice %arg7[%dma_start3A_895, %dma_start3A_896] : memref<64x512xf32, #tpu.memory_space<vmem>> -> memref<1x512xf32, #tpu.memory_space<vmem>>
    %dma_start3A_898 = tpu.memref_squeeze %dma_start3A_897 : memref<1x512xf32, #tpu.memory_space<vmem>> -> memref<512xf32, #tpu.memory_space<vmem>>
    %dma_start3A_899 = arith.constant 56003584 : i32
    %dma_start3A_900 = tpu.memref_slice %arg2[%dma_start3A_899] : memref<64004096xf32, #tpu.memory_space<hbm>> -> memref<7999616xf32, #tpu.memory_space<hbm>>
    %dma_start3A_901 = arith.constant 0 : i32
    %dma_start3A_902 = tpu.memref_slice %dma_start3A_900[%dma_start3A_901] : memref<7999616xf32, #tpu.memory_space<hbm>> -> memref<7999616xf32, #tpu.memory_space<hbm>>
    tpu.enqueue_indirect_dma source(%dma_start3A_902 : memref<7999616xf32, #tpu.memory_space<hbm>>) target(%dma_start3A_898 : memref<512xf32, #tpu.memory_space<vmem>>) offsets(%arg6 : memref<512xi32, #tpu.memory_space<vmem>>) semaphore(%arg8 : memref<!tpu.dma_semaphore, #tpu.memory_space<semaphore_mem>>)
    %dma_start3A_903 = arith.constant 57 : i32
    %dma_start3A_904 = arith.constant 0 : i32
    %dma_start3A_905 = tpu.memref_slice %arg7[%dma_start3A_903, %dma_start3A_904] : memref<64x512xf32, #tpu.memory_space<vmem>> -> memref<1x512xf32, #tpu.memory_space<vmem>>
    %dma_start3A_906 = tpu.memref_squeeze %dma_start3A_905 : memref<1x512xf32, #tpu.memory_space<vmem>> -> memref<512xf32, #tpu.memory_space<vmem>>
    %dma_start3A_907 = arith.constant 56003712 : i32
    %dma_start3A_908 = tpu.memref_slice %arg2[%dma_start3A_907] : memref<64004096xf32, #tpu.memory_space<hbm>> -> memref<7999616xf32, #tpu.memory_space<hbm>>
    %dma_start3A_909 = arith.constant 0 : i32
    %dma_start3A_910 = tpu.memref_slice %dma_start3A_908[%dma_start3A_909] : memref<7999616xf32, #tpu.memory_space<hbm>> -> memref<7999616xf32, #tpu.memory_space<hbm>>
    tpu.enqueue_indirect_dma source(%dma_start3A_910 : memref<7999616xf32, #tpu.memory_space<hbm>>) target(%dma_start3A_906 : memref<512xf32, #tpu.memory_space<vmem>>) offsets(%arg6 : memref<512xi32, #tpu.memory_space<vmem>>) semaphore(%arg8 : memref<!tpu.dma_semaphore, #tpu.memory_space<semaphore_mem>>)
    %dma_start3A_911 = arith.constant 58 : i32
    %dma_start3A_912 = arith.constant 0 : i32
    %dma_start3A_913 = tpu.memref_slice %arg7[%dma_start3A_911, %dma_start3A_912] : memref<64x512xf32, #tpu.memory_space<vmem>> -> memref<1x512xf32, #tpu.memory_space<vmem>>
    %dma_start3A_914 = tpu.memref_squeeze %dma_start3A_913 : memref<1x512xf32, #tpu.memory_space<vmem>> -> memref<512xf32, #tpu.memory_space<vmem>>
    %dma_start3A_915 = arith.constant 56003840 : i32
    %dma_start3A_916 = tpu.memref_slice %arg2[%dma_start3A_915] : memref<64004096xf32, #tpu.memory_space<hbm>> -> memref<7999616xf32, #tpu.memory_space<hbm>>
    %dma_start3A_917 = arith.constant 0 : i32
    %dma_start3A_918 = tpu.memref_slice %dma_start3A_916[%dma_start3A_917] : memref<7999616xf32, #tpu.memory_space<hbm>> -> memref<7999616xf32, #tpu.memory_space<hbm>>
    tpu.enqueue_indirect_dma source(%dma_start3A_918 : memref<7999616xf32, #tpu.memory_space<hbm>>) target(%dma_start3A_914 : memref<512xf32, #tpu.memory_space<vmem>>) offsets(%arg6 : memref<512xi32, #tpu.memory_space<vmem>>) semaphore(%arg8 : memref<!tpu.dma_semaphore, #tpu.memory_space<semaphore_mem>>)
    %dma_start3A_919 = arith.constant 59 : i32
    %dma_start3A_920 = arith.constant 0 : i32
    %dma_start3A_921 = tpu.memref_slice %arg7[%dma_start3A_919, %dma_start3A_920] : memref<64x512xf32, #tpu.memory_space<vmem>> -> memref<1x512xf32, #tpu.memory_space<vmem>>
    %dma_start3A_922 = tpu.memref_squeeze %dma_start3A_921 : memref<1x512xf32, #tpu.memory_space<vmem>> -> memref<512xf32, #tpu.memory_space<vmem>>
    %dma_start3A_923 = arith.constant 56003968 : i32
    %dma_start3A_924 = tpu.memref_slice %arg2[%dma_start3A_923] : memref<64004096xf32, #tpu.memory_space<hbm>> -> memref<7999616xf32, #tpu.memory_space<hbm>>
    %dma_start3A_925 = arith.constant 0 : i32
    %dma_start3A_926 = tpu.memref_slice %dma_start3A_924[%dma_start3A_925] : memref<7999616xf32, #tpu.memory_space<hbm>> -> memref<7999616xf32, #tpu.memory_space<hbm>>
    tpu.enqueue_indirect_dma source(%dma_start3A_926 : memref<7999616xf32, #tpu.memory_space<hbm>>) target(%dma_start3A_922 : memref<512xf32, #tpu.memory_space<vmem>>) offsets(%arg6 : memref<512xi32, #tpu.memory_space<vmem>>) semaphore(%arg8 : memref<!tpu.dma_semaphore, #tpu.memory_space<semaphore_mem>>)
    %dma_start3A_927 = arith.constant 60 : i32
    %dma_start3A_928 = arith.constant 0 : i32
    %dma_start3A_929 = tpu.memref_slice %arg7[%dma_start3A_927, %dma_start3A_928] : memref<64x512xf32, #tpu.memory_space<vmem>> -> memref<1x512xf32, #tpu.memory_space<vmem>>
    %dma_start3A_930 = tpu.memref_squeeze %dma_start3A_929 : memref<1x512xf32, #tpu.memory_space<vmem>> -> memref<512xf32, #tpu.memory_space<vmem>>
    %dma_start3A_931 = arith.constant 56004096 : i32
    %dma_start3A_932 = tpu.memref_slice %arg2[%dma_start3A_931] : memref<64004096xf32, #tpu.memory_space<hbm>> -> memref<7999616xf32, #tpu.memory_space<hbm>>
    %dma_start3A_933 = arith.constant 0 : i32
    %dma_start3A_934 = tpu.memref_slice %dma_start3A_932[%dma_start3A_933] : memref<7999616xf32, #tpu.memory_space<hbm>> -> memref<7999616xf32, #tpu.memory_space<hbm>>
    tpu.enqueue_indirect_dma source(%dma_start3A_934 : memref<7999616xf32, #tpu.memory_space<hbm>>) target(%dma_start3A_930 : memref<512xf32, #tpu.memory_space<vmem>>) offsets(%arg6 : memref<512xi32, #tpu.memory_space<vmem>>) semaphore(%arg8 : memref<!tpu.dma_semaphore, #tpu.memory_space<semaphore_mem>>)
    %dma_start3A_935 = arith.constant 61 : i32
    %dma_start3A_936 = arith.constant 0 : i32
    %dma_start3A_937 = tpu.memref_slice %arg7[%dma_start3A_935, %dma_start3A_936] : memref<64x512xf32, #tpu.memory_space<vmem>> -> memref<1x512xf32, #tpu.memory_space<vmem>>
    %dma_start3A_938 = tpu.memref_squeeze %dma_start3A_937 : memref<1x512xf32, #tpu.memory_space<vmem>> -> memref<512xf32, #tpu.memory_space<vmem>>
    %dma_start3A_939 = arith.constant 56004224 : i32
    %dma_start3A_940 = tpu.memref_slice %arg2[%dma_start3A_939] : memref<64004096xf32, #tpu.memory_space<hbm>> -> memref<7999616xf32, #tpu.memory_space<hbm>>
    %dma_start3A_941 = arith.constant 0 : i32
    %dma_start3A_942 = tpu.memref_slice %dma_start3A_940[%dma_start3A_941] : memref<7999616xf32, #tpu.memory_space<hbm>> -> memref<7999616xf32, #tpu.memory_space<hbm>>
    tpu.enqueue_indirect_dma source(%dma_start3A_942 : memref<7999616xf32, #tpu.memory_space<hbm>>) target(%dma_start3A_938 : memref<512xf32, #tpu.memory_space<vmem>>) offsets(%arg6 : memref<512xi32, #tpu.memory_space<vmem>>) semaphore(%arg8 : memref<!tpu.dma_semaphore, #tpu.memory_space<semaphore_mem>>)
    %dma_start3A_943 = arith.constant 62 : i32
    %dma_start3A_944 = arith.constant 0 : i32
    %dma_start3A_945 = tpu.memref_slice %arg7[%dma_start3A_943, %dma_start3A_944] : memref<64x512xf32, #tpu.memory_space<vmem>> -> memref<1x512xf32, #tpu.memory_space<vmem>>
    %dma_start3A_946 = tpu.memref_squeeze %dma_start3A_945 : memref<1x512xf32, #tpu.memory_space<vmem>> -> memref<512xf32, #tpu.memory_space<vmem>>
    %dma_start3A_947 = arith.constant 56004352 : i32
    %dma_start3A_948 = tpu.memref_slice %arg2[%dma_start3A_947] : memref<64004096xf32, #tpu.memory_space<hbm>> -> memref<7999616xf32, #tpu.memory_space<hbm>>
    %dma_start3A_949 = arith.constant 0 : i32
    %dma_start3A_950 = tpu.memref_slice %dma_start3A_948[%dma_start3A_949] : memref<7999616xf32, #tpu.memory_space<hbm>> -> memref<7999616xf32, #tpu.memory_space<hbm>>
    tpu.enqueue_indirect_dma source(%dma_start3A_950 : memref<7999616xf32, #tpu.memory_space<hbm>>) target(%dma_start3A_946 : memref<512xf32, #tpu.memory_space<vmem>>) offsets(%arg6 : memref<512xi32, #tpu.memory_space<vmem>>) semaphore(%arg8 : memref<!tpu.dma_semaphore, #tpu.memory_space<semaphore_mem>>)
    %dma_start3A_951 = arith.constant 63 : i32
    %dma_start3A_952 = arith.constant 0 : i32
    %dma_start3A_953 = tpu.memref_slice %arg7[%dma_start3A_951, %dma_start3A_952] : memref<64x512xf32, #tpu.memory_space<vmem>> -> memref<1x512xf32, #tpu.memory_space<vmem>>
    %dma_start3A_954 = tpu.memref_squeeze %dma_start3A_953 : memref<1x512xf32, #tpu.memory_space<vmem>> -> memref<512xf32, #tpu.memory_space<vmem>>
    %dma_start3A_955 = arith.constant 56004480 : i32
    %dma_start3A_956 = tpu.memref_slice %arg2[%dma_start3A_955] : memref<64004096xf32, #tpu.memory_space<hbm>> -> memref<7999616xf32, #tpu.memory_space<hbm>>
    %dma_start3A_957 = arith.constant 0 : i32
    %dma_start3A_958 = tpu.memref_slice %dma_start3A_956[%dma_start3A_957] : memref<7999616xf32, #tpu.memory_space<hbm>> -> memref<7999616xf32, #tpu.memory_space<hbm>>
    tpu.enqueue_indirect_dma source(%dma_start3A_958 : memref<7999616xf32, #tpu.memory_space<hbm>>) target(%dma_start3A_954 : memref<512xf32, #tpu.memory_space<vmem>>) offsets(%arg6 : memref<512xi32, #tpu.memory_space<vmem>>) semaphore(%arg8 : memref<!tpu.dma_semaphore, #tpu.memory_space<semaphore_mem>>)
    %dma_wait3A = arith.constant 0 : i32
    %dma_wait3A_959 = tpu.memref_slice %arg2[%dma_wait3A] : memref<64004096xf32, #tpu.memory_space<hbm>> -> memref<32768xf32, #tpu.memory_space<hbm>>
    %dma_wait3A_960 = arith.constant 0 : i32
    %dma_wait3A_961 = tpu.memref_slice %arg2[%dma_wait3A_960] : memref<64004096xf32, #tpu.memory_space<hbm>> -> memref<32768xf32, #tpu.memory_space<hbm>>
    tpu.wait_dma2 semaphore(%arg8 : memref<!tpu.dma_semaphore, #tpu.memory_space<semaphore_mem>>) src(%dma_wait3A_961 : memref<32768xf32, #tpu.memory_space<hbm>>) dst(%arg7 : memref<64x512xf32, #tpu.memory_space<vmem>>)
    %mul3A_962 = arith.constant 4 : i32
    %mul3A_963 = arith.muli %add3A, %mul3A_962 : i32
    %add3A_964 = arith.constant 0 : i32
    %add3A_965 = arith.addi %mul3A_963, %add3A_964 : i32
    %dma_start3A_966 = arith.constant 0 : i32
    %dma_start3A_967 = arith.constant 0 : i32
    %dma_start3A_968 = arith.constant 0 : i32
    %dma_start3A_969 = tpu.memref_slice %arg7[%dma_start3A_967, %dma_start3A_968] : memref<64x512xf32, #tpu.memory_space<vmem>> -> memref<8x128xf32, #tpu.memory_space<vmem>>
    %dma_start3A_970 = arith.constant 0 : i32
    %dma_start3A_971 = arith.constant 0 : i32
    %dma_start3A_972 = tpu.memref_slice %arg4[%dma_start3A_966, %add3A_965, %dma_start3A_970, %dma_start3A_971] : memref<8x128x8x128xf32, #tpu.memory_space<hbm>> -> memref<1x1x8x128xf32, #tpu.memory_space<hbm>>
    %dma_start3A_973 = tpu.memref_squeeze %dma_start3A_972 : memref<1x1x8x128xf32, #tpu.memory_space<hbm>> -> memref<8x128xf32, #tpu.memory_space<hbm>>
    %dma_start3A_974 = arith.constant 0 : i32
    %dma_start3A_975 = arith.constant 0 : i32
    %dma_start3A_976 = tpu.memref_slice %arg4[%dma_start3A_966, %add3A_965, %dma_start3A_974, %dma_start3A_975] : memref<8x128x8x128xf32, #tpu.memory_space<hbm>> -> memref<1x1x8x128xf32, #tpu.memory_space<hbm>>
    %dma_start3A_977 = tpu.memref_squeeze %dma_start3A_976 : memref<1x1x8x128xf32, #tpu.memory_space<hbm>> -> memref<8x128xf32, #tpu.memory_space<hbm>>
    %dma_start3A_978 = arith.constant 0 : i32
    %dma_start3A_979 = arith.constant 0 : i32
    %dma_start3A_980 = tpu.memref_slice %arg7[%dma_start3A_978, %dma_start3A_979] : memref<64x512xf32, #tpu.memory_space<vmem>> -> memref<8x128xf32, #tpu.memory_space<vmem>>
    tpu.enqueue_dma source(%dma_start3A_980 : memref<8x128xf32, #tpu.memory_space<vmem>>) target(%dma_start3A_977 : memref<8x128xf32, #tpu.memory_space<hbm>>) target_semaphore(%arg9 : memref<!tpu.dma_semaphore, #tpu.memory_space<semaphore_mem>>)
    %mul3A_981 = arith.constant 4 : i32
    %mul3A_982 = arith.muli %add3A, %mul3A_981 : i32
    %add3A_983 = arith.constant 1 : i32
    %add3A_984 = arith.addi %mul3A_982, %add3A_983 : i32
    %dma_start3A_985 = arith.constant 0 : i32
    %dma_start3A_986 = arith.constant 0 : i32
    %dma_start3A_987 = arith.constant 128 : i32
    %dma_start3A_988 = tpu.memref_slice %arg7[%dma_start3A_986, %dma_start3A_987] : memref<64x512xf32, #tpu.memory_space<vmem>> -> memref<8x128xf32, #tpu.memory_space<vmem>>
    %dma_start3A_989 = arith.constant 0 : i32
    %dma_start3A_990 = arith.constant 0 : i32
    %dma_start3A_991 = tpu.memref_slice %arg4[%dma_start3A_985, %add3A_984, %dma_start3A_989, %dma_start3A_990] : memref<8x128x8x128xf32, #tpu.memory_space<hbm>> -> memref<1x1x8x128xf32, #tpu.memory_space<hbm>>
    %dma_start3A_992 = tpu.memref_squeeze %dma_start3A_991 : memref<1x1x8x128xf32, #tpu.memory_space<hbm>> -> memref<8x128xf32, #tpu.memory_space<hbm>>
    %dma_start3A_993 = arith.constant 0 : i32
    %dma_start3A_994 = arith.constant 0 : i32
    %dma_start3A_995 = tpu.memref_slice %arg4[%dma_start3A_985, %add3A_984, %dma_start3A_993, %dma_start3A_994] : memref<8x128x8x128xf32, #tpu.memory_space<hbm>> -> memref<1x1x8x128xf32, #tpu.memory_space<hbm>>
    %dma_start3A_996 = tpu.memref_squeeze %dma_start3A_995 : memref<1x1x8x128xf32, #tpu.memory_space<hbm>> -> memref<8x128xf32, #tpu.memory_space<hbm>>
    %dma_start3A_997 = arith.constant 0 : i32
    %dma_start3A_998 = arith.constant 128 : i32
    %dma_start3A_999 = tpu.memref_slice %arg7[%dma_start3A_997, %dma_start3A_998] : memref<64x512xf32, #tpu.memory_space<vmem>> -> memref<8x128xf32, #tpu.memory_space<vmem>>
    tpu.enqueue_dma source(%dma_start3A_999 : memref<8x128xf32, #tpu.memory_space<vmem>>) target(%dma_start3A_996 : memref<8x128xf32, #tpu.memory_space<hbm>>) target_semaphore(%arg9 : memref<!tpu.dma_semaphore, #tpu.memory_space<semaphore_mem>>)
    %mul3A_1000 = arith.constant 4 : i32
    %mul3A_1001 = arith.muli %add3A, %mul3A_1000 : i32
    %add3A_1002 = arith.constant 2 : i32
    %add3A_1003 = arith.addi %mul3A_1001, %add3A_1002 : i32
    %dma_start3A_1004 = arith.constant 0 : i32
    %dma_start3A_1005 = arith.constant 0 : i32
    %dma_start3A_1006 = arith.constant 256 : i32
    %dma_start3A_1007 = tpu.memref_slice %arg7[%dma_start3A_1005, %dma_start3A_1006] : memref<64x512xf32, #tpu.memory_space<vmem>> -> memref<8x128xf32, #tpu.memory_space<vmem>>
    %dma_start3A_1008 = arith.constant 0 : i32
    %dma_start3A_1009 = arith.constant 0 : i32
    %dma_start3A_1010 = tpu.memref_slice %arg4[%dma_start3A_1004, %add3A_1003, %dma_start3A_1008, %dma_start3A_1009] : memref<8x128x8x128xf32, #tpu.memory_space<hbm>> -> memref<1x1x8x128xf32, #tpu.memory_space<hbm>>
    %dma_start3A_1011 = tpu.memref_squeeze %dma_start3A_1010 : memref<1x1x8x128xf32, #tpu.memory_space<hbm>> -> memref<8x128xf32, #tpu.memory_space<hbm>>
    %dma_start3A_1012 = arith.constant 0 : i32
    %dma_start3A_1013 = arith.constant 0 : i32
    %dma_start3A_1014 = tpu.memref_slice %arg4[%dma_start3A_1004, %add3A_1003, %dma_start3A_1012, %dma_start3A_1013] : memref<8x128x8x128xf32, #tpu.memory_space<hbm>> -> memref<1x1x8x128xf32, #tpu.memory_space<hbm>>
    %dma_start3A_1015 = tpu.memref_squeeze %dma_start3A_1014 : memref<1x1x8x128xf32, #tpu.memory_space<hbm>> -> memref<8x128xf32, #tpu.memory_space<hbm>>
    %dma_start3A_1016 = arith.constant 0 : i32
    %dma_start3A_1017 = arith.constant 256 : i32
    %dma_start3A_1018 = tpu.memref_slice %arg7[%dma_start3A_1016, %dma_start3A_1017] : memref<64x512xf32, #tpu.memory_space<vmem>> -> memref<8x128xf32, #tpu.memory_space<vmem>>
    tpu.enqueue_dma source(%dma_start3A_1018 : memref<8x128xf32, #tpu.memory_space<vmem>>) target(%dma_start3A_1015 : memref<8x128xf32, #tpu.memory_space<hbm>>) target_semaphore(%arg9 : memref<!tpu.dma_semaphore, #tpu.memory_space<semaphore_mem>>)
    %mul3A_1019 = arith.constant 4 : i32
    %mul3A_1020 = arith.muli %add3A, %mul3A_1019 : i32
    %add3A_1021 = arith.constant 3 : i32
    %add3A_1022 = arith.addi %mul3A_1020, %add3A_1021 : i32
    %dma_start3A_1023 = arith.constant 0 : i32
    %dma_start3A_1024 = arith.constant 0 : i32
    %dma_start3A_1025 = arith.constant 384 : i32
    %dma_start3A_1026 = tpu.memref_slice %arg7[%dma_start3A_1024, %dma_start3A_1025] : memref<64x512xf32, #tpu.memory_space<vmem>> -> memref<8x128xf32, #tpu.memory_space<vmem>>
    %dma_start3A_1027 = arith.constant 0 : i32
    %dma_start3A_1028 = arith.constant 0 : i32
    %dma_start3A_1029 = tpu.memref_slice %arg4[%dma_start3A_1023, %add3A_1022, %dma_start3A_1027, %dma_start3A_1028] : memref<8x128x8x128xf32, #tpu.memory_space<hbm>> -> memref<1x1x8x128xf32, #tpu.memory_space<hbm>>
    %dma_start3A_1030 = tpu.memref_squeeze %dma_start3A_1029 : memref<1x1x8x128xf32, #tpu.memory_space<hbm>> -> memref<8x128xf32, #tpu.memory_space<hbm>>
    %dma_start3A_1031 = arith.constant 0 : i32
    %dma_start3A_1032 = arith.constant 0 : i32
    %dma_start3A_1033 = tpu.memref_slice %arg4[%dma_start3A_1023, %add3A_1022, %dma_start3A_1031, %dma_start3A_1032] : memref<8x128x8x128xf32, #tpu.memory_space<hbm>> -> memref<1x1x8x128xf32, #tpu.memory_space<hbm>>
    %dma_start3A_1034 = tpu.memref_squeeze %dma_start3A_1033 : memref<1x1x8x128xf32, #tpu.memory_space<hbm>> -> memref<8x128xf32, #tpu.memory_space<hbm>>
    %dma_start3A_1035 = arith.constant 0 : i32
    %dma_start3A_1036 = arith.constant 384 : i32
    %dma_start3A_1037 = tpu.memref_slice %arg7[%dma_start3A_1035, %dma_start3A_1036] : memref<64x512xf32, #tpu.memory_space<vmem>> -> memref<8x128xf32, #tpu.memory_space<vmem>>
    tpu.enqueue_dma source(%dma_start3A_1037 : memref<8x128xf32, #tpu.memory_space<vmem>>) target(%dma_start3A_1034 : memref<8x128xf32, #tpu.memory_space<hbm>>) target_semaphore(%arg9 : memref<!tpu.dma_semaphore, #tpu.memory_space<semaphore_mem>>)
    %mul3A_1038 = arith.constant 4 : i32
    %mul3A_1039 = arith.muli %add3A, %mul3A_1038 : i32
    %add3A_1040 = arith.constant 0 : i32
    %add3A_1041 = arith.addi %mul3A_1039, %add3A_1040 : i32
    %dma_start3A_1042 = arith.constant 1 : i32
    %dma_start3A_1043 = arith.constant 8 : i32
    %dma_start3A_1044 = arith.constant 0 : i32
    %dma_start3A_1045 = tpu.memref_slice %arg7[%dma_start3A_1043, %dma_start3A_1044] : memref<64x512xf32, #tpu.memory_space<vmem>> -> memref<8x128xf32, #tpu.memory_space<vmem>>
    %dma_start3A_1046 = arith.constant 0 : i32
    %dma_start3A_1047 = arith.constant 0 : i32
    %dma_start3A_1048 = tpu.memref_slice %arg4[%dma_start3A_1042, %add3A_1041, %dma_start3A_1046, %dma_start3A_1047] : memref<8x128x8x128xf32, #tpu.memory_space<hbm>> -> memref<1x1x8x128xf32, #tpu.memory_space<hbm>>
    %dma_start3A_1049 = tpu.memref_squeeze %dma_start3A_1048 : memref<1x1x8x128xf32, #tpu.memory_space<hbm>> -> memref<8x128xf32, #tpu.memory_space<hbm>>
    %dma_start3A_1050 = arith.constant 0 : i32
    %dma_start3A_1051 = arith.constant 0 : i32
    %dma_start3A_1052 = tpu.memref_slice %arg4[%dma_start3A_1042, %add3A_1041, %dma_start3A_1050, %dma_start3A_1051] : memref<8x128x8x128xf32, #tpu.memory_space<hbm>> -> memref<1x1x8x128xf32, #tpu.memory_space<hbm>>
    %dma_start3A_1053 = tpu.memref_squeeze %dma_start3A_1052 : memref<1x1x8x128xf32, #tpu.memory_space<hbm>> -> memref<8x128xf32, #tpu.memory_space<hbm>>
    %dma_start3A_1054 = arith.constant 8 : i32
    %dma_start3A_1055 = arith.constant 0 : i32
    %dma_start3A_1056 = tpu.memref_slice %arg7[%dma_start3A_1054, %dma_start3A_1055] : memref<64x512xf32, #tpu.memory_space<vmem>> -> memref<8x128xf32, #tpu.memory_space<vmem>>
    tpu.enqueue_dma source(%dma_start3A_1056 : memref<8x128xf32, #tpu.memory_space<vmem>>) target(%dma_start3A_1053 : memref<8x128xf32, #tpu.memory_space<hbm>>) target_semaphore(%arg9 : memref<!tpu.dma_semaphore, #tpu.memory_space<semaphore_mem>>)
    %mul3A_1057 = arith.constant 4 : i32
    %mul3A_1058 = arith.muli %add3A, %mul3A_1057 : i32
    %add3A_1059 = arith.constant 1 : i32
    %add3A_1060 = arith.addi %mul3A_1058, %add3A_1059 : i32
    %dma_start3A_1061 = arith.constant 1 : i32
    %dma_start3A_1062 = arith.constant 8 : i32
    %dma_start3A_1063 = arith.constant 128 : i32
    %dma_start3A_1064 = tpu.memref_slice %arg7[%dma_start3A_1062, %dma_start3A_1063] : memref<64x512xf32, #tpu.memory_space<vmem>> -> memref<8x128xf32, #tpu.memory_space<vmem>>
    %dma_start3A_1065 = arith.constant 0 : i32
    %dma_start3A_1066 = arith.constant 0 : i32
    %dma_start3A_1067 = tpu.memref_slice %arg4[%dma_start3A_1061, %add3A_1060, %dma_start3A_1065, %dma_start3A_1066] : memref<8x128x8x128xf32, #tpu.memory_space<hbm>> -> memref<1x1x8x128xf32, #tpu.memory_space<hbm>>
    %dma_start3A_1068 = tpu.memref_squeeze %dma_start3A_1067 : memref<1x1x8x128xf32, #tpu.memory_space<hbm>> -> memref<8x128xf32, #tpu.memory_space<hbm>>
    %dma_start3A_1069 = arith.constant 0 : i32
    %dma_start3A_1070 = arith.constant 0 : i32
    %dma_start3A_1071 = tpu.memref_slice %arg4[%dma_start3A_1061, %add3A_1060, %dma_start3A_1069, %dma_start3A_1070] : memref<8x128x8x128xf32, #tpu.memory_space<hbm>> -> memref<1x1x8x128xf32, #tpu.memory_space<hbm>>
    %dma_start3A_1072 = tpu.memref_squeeze %dma_start3A_1071 : memref<1x1x8x128xf32, #tpu.memory_space<hbm>> -> memref<8x128xf32, #tpu.memory_space<hbm>>
    %dma_start3A_1073 = arith.constant 8 : i32
    %dma_start3A_1074 = arith.constant 128 : i32
    %dma_start3A_1075 = tpu.memref_slice %arg7[%dma_start3A_1073, %dma_start3A_1074] : memref<64x512xf32, #tpu.memory_space<vmem>> -> memref<8x128xf32, #tpu.memory_space<vmem>>
    tpu.enqueue_dma source(%dma_start3A_1075 : memref<8x128xf32, #tpu.memory_space<vmem>>) target(%dma_start3A_1072 : memref<8x128xf32, #tpu.memory_space<hbm>>) target_semaphore(%arg9 : memref<!tpu.dma_semaphore, #tpu.memory_space<semaphore_mem>>)
    %mul3A_1076 = arith.constant 4 : i32
    %mul3A_1077 = arith.muli %add3A, %mul3A_1076 : i32
    %add3A_1078 = arith.constant 2 : i32
    %add3A_1079 = arith.addi %mul3A_1077, %add3A_1078 : i32
    %dma_start3A_1080 = arith.constant 1 : i32
    %dma_start3A_1081 = arith.constant 8 : i32
    %dma_start3A_1082 = arith.constant 256 : i32
    %dma_start3A_1083 = tpu.memref_slice %arg7[%dma_start3A_1081, %dma_start3A_1082] : memref<64x512xf32, #tpu.memory_space<vmem>> -> memref<8x128xf32, #tpu.memory_space<vmem>>
    %dma_start3A_1084 = arith.constant 0 : i32
    %dma_start3A_1085 = arith.constant 0 : i32
    %dma_start3A_1086 = tpu.memref_slice %arg4[%dma_start3A_1080, %add3A_1079, %dma_start3A_1084, %dma_start3A_1085] : memref<8x128x8x128xf32, #tpu.memory_space<hbm>> -> memref<1x1x8x128xf32, #tpu.memory_space<hbm>>
    %dma_start3A_1087 = tpu.memref_squeeze %dma_start3A_1086 : memref<1x1x8x128xf32, #tpu.memory_space<hbm>> -> memref<8x128xf32, #tpu.memory_space<hbm>>
    %dma_start3A_1088 = arith.constant 0 : i32
    %dma_start3A_1089 = arith.constant 0 : i32
    %dma_start3A_1090 = tpu.memref_slice %arg4[%dma_start3A_1080, %add3A_1079, %dma_start3A_1088, %dma_start3A_1089] : memref<8x128x8x128xf32, #tpu.memory_space<hbm>> -> memref<1x1x8x128xf32, #tpu.memory_space<hbm>>
    %dma_start3A_1091 = tpu.memref_squeeze %dma_start3A_1090 : memref<1x1x8x128xf32, #tpu.memory_space<hbm>> -> memref<8x128xf32, #tpu.memory_space<hbm>>
    %dma_start3A_1092 = arith.constant 8 : i32
    %dma_start3A_1093 = arith.constant 256 : i32
    %dma_start3A_1094 = tpu.memref_slice %arg7[%dma_start3A_1092, %dma_start3A_1093] : memref<64x512xf32, #tpu.memory_space<vmem>> -> memref<8x128xf32, #tpu.memory_space<vmem>>
    tpu.enqueue_dma source(%dma_start3A_1094 : memref<8x128xf32, #tpu.memory_space<vmem>>) target(%dma_start3A_1091 : memref<8x128xf32, #tpu.memory_space<hbm>>) target_semaphore(%arg9 : memref<!tpu.dma_semaphore, #tpu.memory_space<semaphore_mem>>)
    %mul3A_1095 = arith.constant 4 : i32
    %mul3A_1096 = arith.muli %add3A, %mul3A_1095 : i32
    %add3A_1097 = arith.constant 3 : i32
    %add3A_1098 = arith.addi %mul3A_1096, %add3A_1097 : i32
    %dma_start3A_1099 = arith.constant 1 : i32
    %dma_start3A_1100 = arith.constant 8 : i32
    %dma_start3A_1101 = arith.constant 384 : i32
    %dma_start3A_1102 = tpu.memref_slice %arg7[%dma_start3A_1100, %dma_start3A_1101] : memref<64x512xf32, #tpu.memory_space<vmem>> -> memref<8x128xf32, #tpu.memory_space<vmem>>
    %dma_start3A_1103 = arith.constant 0 : i32
    %dma_start3A_1104 = arith.constant 0 : i32
    %dma_start3A_1105 = tpu.memref_slice %arg4[%dma_start3A_1099, %add3A_1098, %dma_start3A_1103, %dma_start3A_1104] : memref<8x128x8x128xf32, #tpu.memory_space<hbm>> -> memref<1x1x8x128xf32, #tpu.memory_space<hbm>>
    %dma_start3A_1106 = tpu.memref_squeeze %dma_start3A_1105 : memref<1x1x8x128xf32, #tpu.memory_space<hbm>> -> memref<8x128xf32, #tpu.memory_space<hbm>>
    %dma_start3A_1107 = arith.constant 0 : i32
    %dma_start3A_1108 = arith.constant 0 : i32
    %dma_start3A_1109 = tpu.memref_slice %arg4[%dma_start3A_1099, %add3A_1098, %dma_start3A_1107, %dma_start3A_1108] : memref<8x128x8x128xf32, #tpu.memory_space<hbm>> -> memref<1x1x8x128xf32, #tpu.memory_space<hbm>>
    %dma_start3A_1110 = tpu.memref_squeeze %dma_start3A_1109 : memref<1x1x8x128xf32, #tpu.memory_space<hbm>> -> memref<8x128xf32, #tpu.memory_space<hbm>>
    %dma_start3A_1111 = arith.constant 8 : i32
    %dma_start3A_1112 = arith.constant 384 : i32
    %dma_start3A_1113 = tpu.memref_slice %arg7[%dma_start3A_1111, %dma_start3A_1112] : memref<64x512xf32, #tpu.memory_space<vmem>> -> memref<8x128xf32, #tpu.memory_space<vmem>>
    tpu.enqueue_dma source(%dma_start3A_1113 : memref<8x128xf32, #tpu.memory_space<vmem>>) target(%dma_start3A_1110 : memref<8x128xf32, #tpu.memory_space<hbm>>) target_semaphore(%arg9 : memref<!tpu.dma_semaphore, #tpu.memory_space<semaphore_mem>>)
    %mul3A_1114 = arith.constant 4 : i32
    %mul3A_1115 = arith.muli %add3A, %mul3A_1114 : i32
    %add3A_1116 = arith.constant 0 : i32
    %add3A_1117 = arith.addi %mul3A_1115, %add3A_1116 : i32
    %dma_start3A_1118 = arith.constant 2 : i32
    %dma_start3A_1119 = arith.constant 16 : i32
    %dma_start3A_1120 = arith.constant 0 : i32
    %dma_start3A_1121 = tpu.memref_slice %arg7[%dma_start3A_1119, %dma_start3A_1120] : memref<64x512xf32, #tpu.memory_space<vmem>> -> memref<8x128xf32, #tpu.memory_space<vmem>>
    %dma_start3A_1122 = arith.constant 0 : i32
    %dma_start3A_1123 = arith.constant 0 : i32
    %dma_start3A_1124 = tpu.memref_slice %arg4[%dma_start3A_1118, %add3A_1117, %dma_start3A_1122, %dma_start3A_1123] : memref<8x128x8x128xf32, #tpu.memory_space<hbm>> -> memref<1x1x8x128xf32, #tpu.memory_space<hbm>>
    %dma_start3A_1125 = tpu.memref_squeeze %dma_start3A_1124 : memref<1x1x8x128xf32, #tpu.memory_space<hbm>> -> memref<8x128xf32, #tpu.memory_space<hbm>>
    %dma_start3A_1126 = arith.constant 0 : i32
    %dma_start3A_1127 = arith.constant 0 : i32
    %dma_start3A_1128 = tpu.memref_slice %arg4[%dma_start3A_1118, %add3A_1117, %dma_start3A_1126, %dma_start3A_1127] : memref<8x128x8x128xf32, #tpu.memory_space<hbm>> -> memref<1x1x8x128xf32, #tpu.memory_space<hbm>>
    %dma_start3A_1129 = tpu.memref_squeeze %dma_start3A_1128 : memref<1x1x8x128xf32, #tpu.memory_space<hbm>> -> memref<8x128xf32, #tpu.memory_space<hbm>>
    %dma_start3A_1130 = arith.constant 16 : i32
    %dma_start3A_1131 = arith.constant 0 : i32
    %dma_start3A_1132 = tpu.memref_slice %arg7[%dma_start3A_1130, %dma_start3A_1131] : memref<64x512xf32, #tpu.memory_space<vmem>> -> memref<8x128xf32, #tpu.memory_space<vmem>>
    tpu.enqueue_dma source(%dma_start3A_1132 : memref<8x128xf32, #tpu.memory_space<vmem>>) target(%dma_start3A_1129 : memref<8x128xf32, #tpu.memory_space<hbm>>) target_semaphore(%arg9 : memref<!tpu.dma_semaphore, #tpu.memory_space<semaphore_mem>>)
    %mul3A_1133 = arith.constant 4 : i32
    %mul3A_1134 = arith.muli %add3A, %mul3A_1133 : i32
    %add3A_1135 = arith.constant 1 : i32
    %add3A_1136 = arith.addi %mul3A_1134, %add3A_1135 : i32
    %dma_start3A_1137 = arith.constant 2 : i32
    %dma_start3A_1138 = arith.constant 16 : i32
    %dma_start3A_1139 = arith.constant 128 : i32
    %dma_start3A_1140 = tpu.memref_slice %arg7[%dma_start3A_1138, %dma_start3A_1139] : memref<64x512xf32, #tpu.memory_space<vmem>> -> memref<8x128xf32, #tpu.memory_space<vmem>>
    %dma_start3A_1141 = arith.constant 0 : i32
    %dma_start3A_1142 = arith.constant 0 : i32
    %dma_start3A_1143 = tpu.memref_slice %arg4[%dma_start3A_1137, %add3A_1136, %dma_start3A_1141, %dma_start3A_1142] : memref<8x128x8x128xf32, #tpu.memory_space<hbm>> -> memref<1x1x8x128xf32, #tpu.memory_space<hbm>>
    %dma_start3A_1144 = tpu.memref_squeeze %dma_start3A_1143 : memref<1x1x8x128xf32, #tpu.memory_space<hbm>> -> memref<8x128xf32, #tpu.memory_space<hbm>>
    %dma_start3A_1145 = arith.constant 0 : i32
    %dma_start3A_1146 = arith.constant 0 : i32
    %dma_start3A_1147 = tpu.memref_slice %arg4[%dma_start3A_1137, %add3A_1136, %dma_start3A_1145, %dma_start3A_1146] : memref<8x128x8x128xf32, #tpu.memory_space<hbm>> -> memref<1x1x8x128xf32, #tpu.memory_space<hbm>>
    %dma_start3A_1148 = tpu.memref_squeeze %dma_start3A_1147 : memref<1x1x8x128xf32, #tpu.memory_space<hbm>> -> memref<8x128xf32, #tpu.memory_space<hbm>>
    %dma_start3A_1149 = arith.constant 16 : i32
    %dma_start3A_1150 = arith.constant 128 : i32
    %dma_start3A_1151 = tpu.memref_slice %arg7[%dma_start3A_1149, %dma_start3A_1150] : memref<64x512xf32, #tpu.memory_space<vmem>> -> memref<8x128xf32, #tpu.memory_space<vmem>>
    tpu.enqueue_dma source(%dma_start3A_1151 : memref<8x128xf32, #tpu.memory_space<vmem>>) target(%dma_start3A_1148 : memref<8x128xf32, #tpu.memory_space<hbm>>) target_semaphore(%arg9 : memref<!tpu.dma_semaphore, #tpu.memory_space<semaphore_mem>>)
    %mul3A_1152 = arith.constant 4 : i32
    %mul3A_1153 = arith.muli %add3A, %mul3A_1152 : i32
    %add3A_1154 = arith.constant 2 : i32
    %add3A_1155 = arith.addi %mul3A_1153, %add3A_1154 : i32
    %dma_start3A_1156 = arith.constant 2 : i32
    %dma_start3A_1157 = arith.constant 16 : i32
    %dma_start3A_1158 = arith.constant 256 : i32
    %dma_start3A_1159 = tpu.memref_slice %arg7[%dma_start3A_1157, %dma_start3A_1158] : memref<64x512xf32, #tpu.memory_space<vmem>> -> memref<8x128xf32, #tpu.memory_space<vmem>>
    %dma_start3A_1160 = arith.constant 0 : i32
    %dma_start3A_1161 = arith.constant 0 : i32
    %dma_start3A_1162 = tpu.memref_slice %arg4[%dma_start3A_1156, %add3A_1155, %dma_start3A_1160, %dma_start3A_1161] : memref<8x128x8x128xf32, #tpu.memory_space<hbm>> -> memref<1x1x8x128xf32, #tpu.memory_space<hbm>>
    %dma_start3A_1163 = tpu.memref_squeeze %dma_start3A_1162 : memref<1x1x8x128xf32, #tpu.memory_space<hbm>> -> memref<8x128xf32, #tpu.memory_space<hbm>>
    %dma_start3A_1164 = arith.constant 0 : i32
    %dma_start3A_1165 = arith.constant 0 : i32
    %dma_start3A_1166 = tpu.memref_slice %arg4[%dma_start3A_1156, %add3A_1155, %dma_start3A_1164, %dma_start3A_1165] : memref<8x128x8x128xf32, #tpu.memory_space<hbm>> -> memref<1x1x8x128xf32, #tpu.memory_space<hbm>>
    %dma_start3A_1167 = tpu.memref_squeeze %dma_start3A_1166 : memref<1x1x8x128xf32, #tpu.memory_space<hbm>> -> memref<8x128xf32, #tpu.memory_space<hbm>>
    %dma_start3A_1168 = arith.constant 16 : i32
    %dma_start3A_1169 = arith.constant 256 : i32
    %dma_start3A_1170 = tpu.memref_slice %arg7[%dma_start3A_1168, %dma_start3A_1169] : memref<64x512xf32, #tpu.memory_space<vmem>> -> memref<8x128xf32, #tpu.memory_space<vmem>>
    tpu.enqueue_dma source(%dma_start3A_1170 : memref<8x128xf32, #tpu.memory_space<vmem>>) target(%dma_start3A_1167 : memref<8x128xf32, #tpu.memory_space<hbm>>) target_semaphore(%arg9 : memref<!tpu.dma_semaphore, #tpu.memory_space<semaphore_mem>>)
    %mul3A_1171 = arith.constant 4 : i32
    %mul3A_1172 = arith.muli %add3A, %mul3A_1171 : i32
    %add3A_1173 = arith.constant 3 : i32
    %add3A_1174 = arith.addi %mul3A_1172, %add3A_1173 : i32
    %dma_start3A_1175 = arith.constant 2 : i32
    %dma_start3A_1176 = arith.constant 16 : i32
    %dma_start3A_1177 = arith.constant 384 : i32
    %dma_start3A_1178 = tpu.memref_slice %arg7[%dma_start3A_1176, %dma_start3A_1177] : memref<64x512xf32, #tpu.memory_space<vmem>> -> memref<8x128xf32, #tpu.memory_space<vmem>>
    %dma_start3A_1179 = arith.constant 0 : i32
    %dma_start3A_1180 = arith.constant 0 : i32
    %dma_start3A_1181 = tpu.memref_slice %arg4[%dma_start3A_1175, %add3A_1174, %dma_start3A_1179, %dma_start3A_1180] : memref<8x128x8x128xf32, #tpu.memory_space<hbm>> -> memref<1x1x8x128xf32, #tpu.memory_space<hbm>>
    %dma_start3A_1182 = tpu.memref_squeeze %dma_start3A_1181 : memref<1x1x8x128xf32, #tpu.memory_space<hbm>> -> memref<8x128xf32, #tpu.memory_space<hbm>>
    %dma_start3A_1183 = arith.constant 0 : i32
    %dma_start3A_1184 = arith.constant 0 : i32
    %dma_start3A_1185 = tpu.memref_slice %arg4[%dma_start3A_1175, %add3A_1174, %dma_start3A_1183, %dma_start3A_1184] : memref<8x128x8x128xf32, #tpu.memory_space<hbm>> -> memref<1x1x8x128xf32, #tpu.memory_space<hbm>>
    %dma_start3A_1186 = tpu.memref_squeeze %dma_start3A_1185 : memref<1x1x8x128xf32, #tpu.memory_space<hbm>> -> memref<8x128xf32, #tpu.memory_space<hbm>>
    %dma_start3A_1187 = arith.constant 16 : i32
    %dma_start3A_1188 = arith.constant 384 : i32
    %dma_start3A_1189 = tpu.memref_slice %arg7[%dma_start3A_1187, %dma_start3A_1188] : memref<64x512xf32, #tpu.memory_space<vmem>> -> memref<8x128xf32, #tpu.memory_space<vmem>>
    tpu.enqueue_dma source(%dma_start3A_1189 : memref<8x128xf32, #tpu.memory_space<vmem>>) target(%dma_start3A_1186 : memref<8x128xf32, #tpu.memory_space<hbm>>) target_semaphore(%arg9 : memref<!tpu.dma_semaphore, #tpu.memory_space<semaphore_mem>>)
    %mul3A_1190 = arith.constant 4 : i32
    %mul3A_1191 = arith.muli %add3A, %mul3A_1190 : i32
    %add3A_1192 = arith.constant 0 : i32
    %add3A_1193 = arith.addi %mul3A_1191, %add3A_1192 : i32
    %dma_start3A_1194 = arith.constant 3 : i32
    %dma_start3A_1195 = arith.constant 24 : i32
    %dma_start3A_1196 = arith.constant 0 : i32
    %dma_start3A_1197 = tpu.memref_slice %arg7[%dma_start3A_1195, %dma_start3A_1196] : memref<64x512xf32, #tpu.memory_space<vmem>> -> memref<8x128xf32, #tpu.memory_space<vmem>>
    %dma_start3A_1198 = arith.constant 0 : i32
    %dma_start3A_1199 = arith.constant 0 : i32
    %dma_start3A_1200 = tpu.memref_slice %arg4[%dma_start3A_1194, %add3A_1193, %dma_start3A_1198, %dma_start3A_1199] : memref<8x128x8x128xf32, #tpu.memory_space<hbm>> -> memref<1x1x8x128xf32, #tpu.memory_space<hbm>>
    %dma_start3A_1201 = tpu.memref_squeeze %dma_start3A_1200 : memref<1x1x8x128xf32, #tpu.memory_space<hbm>> -> memref<8x128xf32, #tpu.memory_space<hbm>>
    %dma_start3A_1202 = arith.constant 0 : i32
    %dma_start3A_1203 = arith.constant 0 : i32
    %dma_start3A_1204 = tpu.memref_slice %arg4[%dma_start3A_1194, %add3A_1193, %dma_start3A_1202, %dma_start3A_1203] : memref<8x128x8x128xf32, #tpu.memory_space<hbm>> -> memref<1x1x8x128xf32, #tpu.memory_space<hbm>>
    %dma_start3A_1205 = tpu.memref_squeeze %dma_start3A_1204 : memref<1x1x8x128xf32, #tpu.memory_space<hbm>> -> memref<8x128xf32, #tpu.memory_space<hbm>>
    %dma_start3A_1206 = arith.constant 24 : i32
    %dma_start3A_1207 = arith.constant 0 : i32
    %dma_start3A_1208 = tpu.memref_slice %arg7[%dma_start3A_1206, %dma_start3A_1207] : memref<64x512xf32, #tpu.memory_space<vmem>> -> memref<8x128xf32, #tpu.memory_space<vmem>>
    tpu.enqueue_dma source(%dma_start3A_1208 : memref<8x128xf32, #tpu.memory_space<vmem>>) target(%dma_start3A_1205 : memref<8x128xf32, #tpu.memory_space<hbm>>) target_semaphore(%arg9 : memref<!tpu.dma_semaphore, #tpu.memory_space<semaphore_mem>>)
    %mul3A_1209 = arith.constant 4 : i32
    %mul3A_1210 = arith.muli %add3A, %mul3A_1209 : i32
    %add3A_1211 = arith.constant 1 : i32
    %add3A_1212 = arith.addi %mul3A_1210, %add3A_1211 : i32
    %dma_start3A_1213 = arith.constant 3 : i32
    %dma_start3A_1214 = arith.constant 24 : i32
    %dma_start3A_1215 = arith.constant 128 : i32
    %dma_start3A_1216 = tpu.memref_slice %arg7[%dma_start3A_1214, %dma_start3A_1215] : memref<64x512xf32, #tpu.memory_space<vmem>> -> memref<8x128xf32, #tpu.memory_space<vmem>>
    %dma_start3A_1217 = arith.constant 0 : i32
    %dma_start3A_1218 = arith.constant 0 : i32
    %dma_start3A_1219 = tpu.memref_slice %arg4[%dma_start3A_1213, %add3A_1212, %dma_start3A_1217, %dma_start3A_1218] : memref<8x128x8x128xf32, #tpu.memory_space<hbm>> -> memref<1x1x8x128xf32, #tpu.memory_space<hbm>>
    %dma_start3A_1220 = tpu.memref_squeeze %dma_start3A_1219 : memref<1x1x8x128xf32, #tpu.memory_space<hbm>> -> memref<8x128xf32, #tpu.memory_space<hbm>>
    %dma_start3A_1221 = arith.constant 0 : i32
    %dma_start3A_1222 = arith.constant 0 : i32
    %dma_start3A_1223 = tpu.memref_slice %arg4[%dma_start3A_1213, %add3A_1212, %dma_start3A_1221, %dma_start3A_1222] : memref<8x128x8x128xf32, #tpu.memory_space<hbm>> -> memref<1x1x8x128xf32, #tpu.memory_space<hbm>>
    %dma_start3A_1224 = tpu.memref_squeeze %dma_start3A_1223 : memref<1x1x8x128xf32, #tpu.memory_space<hbm>> -> memref<8x128xf32, #tpu.memory_space<hbm>>
    %dma_start3A_1225 = arith.constant 24 : i32
    %dma_start3A_1226 = arith.constant 128 : i32
    %dma_start3A_1227 = tpu.memref_slice %arg7[%dma_start3A_1225, %dma_start3A_1226] : memref<64x512xf32, #tpu.memory_space<vmem>> -> memref<8x128xf32, #tpu.memory_space<vmem>>
    tpu.enqueue_dma source(%dma_start3A_1227 : memref<8x128xf32, #tpu.memory_space<vmem>>) target(%dma_start3A_1224 : memref<8x128xf32, #tpu.memory_space<hbm>>) target_semaphore(%arg9 : memref<!tpu.dma_semaphore, #tpu.memory_space<semaphore_mem>>)
    %mul3A_1228 = arith.constant 4 : i32
    %mul3A_1229 = arith.muli %add3A, %mul3A_1228 : i32
    %add3A_1230 = arith.constant 2 : i32
    %add3A_1231 = arith.addi %mul3A_1229, %add3A_1230 : i32
    %dma_start3A_1232 = arith.constant 3 : i32
    %dma_start3A_1233 = arith.constant 24 : i32
    %dma_start3A_1234 = arith.constant 256 : i32
    %dma_start3A_1235 = tpu.memref_slice %arg7[%dma_start3A_1233, %dma_start3A_1234] : memref<64x512xf32, #tpu.memory_space<vmem>> -> memref<8x128xf32, #tpu.memory_space<vmem>>
    %dma_start3A_1236 = arith.constant 0 : i32
    %dma_start3A_1237 = arith.constant 0 : i32
    %dma_start3A_1238 = tpu.memref_slice %arg4[%dma_start3A_1232, %add3A_1231, %dma_start3A_1236, %dma_start3A_1237] : memref<8x128x8x128xf32, #tpu.memory_space<hbm>> -> memref<1x1x8x128xf32, #tpu.memory_space<hbm>>
    %dma_start3A_1239 = tpu.memref_squeeze %dma_start3A_1238 : memref<1x1x8x128xf32, #tpu.memory_space<hbm>> -> memref<8x128xf32, #tpu.memory_space<hbm>>
    %dma_start3A_1240 = arith.constant 0 : i32
    %dma_start3A_1241 = arith.constant 0 : i32
    %dma_start3A_1242 = tpu.memref_slice %arg4[%dma_start3A_1232, %add3A_1231, %dma_start3A_1240, %dma_start3A_1241] : memref<8x128x8x128xf32, #tpu.memory_space<hbm>> -> memref<1x1x8x128xf32, #tpu.memory_space<hbm>>
    %dma_start3A_1243 = tpu.memref_squeeze %dma_start3A_1242 : memref<1x1x8x128xf32, #tpu.memory_space<hbm>> -> memref<8x128xf32, #tpu.memory_space<hbm>>
    %dma_start3A_1244 = arith.constant 24 : i32
    %dma_start3A_1245 = arith.constant 256 : i32
    %dma_start3A_1246 = tpu.memref_slice %arg7[%dma_start3A_1244, %dma_start3A_1245] : memref<64x512xf32, #tpu.memory_space<vmem>> -> memref<8x128xf32, #tpu.memory_space<vmem>>
    tpu.enqueue_dma source(%dma_start3A_1246 : memref<8x128xf32, #tpu.memory_space<vmem>>) target(%dma_start3A_1243 : memref<8x128xf32, #tpu.memory_space<hbm>>) target_semaphore(%arg9 : memref<!tpu.dma_semaphore, #tpu.memory_space<semaphore_mem>>)
    %mul3A_1247 = arith.constant 4 : i32
    %mul3A_1248 = arith.muli %add3A, %mul3A_1247 : i32
    %add3A_1249 = arith.constant 3 : i32
    %add3A_1250 = arith.addi %mul3A_1248, %add3A_1249 : i32
    %dma_start3A_1251 = arith.constant 3 : i32
    %dma_start3A_1252 = arith.constant 24 : i32
    %dma_start3A_1253 = arith.constant 384 : i32
    %dma_start3A_1254 = tpu.memref_slice %arg7[%dma_start3A_1252, %dma_start3A_1253] : memref<64x512xf32, #tpu.memory_space<vmem>> -> memref<8x128xf32, #tpu.memory_space<vmem>>
    %dma_start3A_1255 = arith.constant 0 : i32
    %dma_start3A_1256 = arith.constant 0 : i32
    %dma_start3A_1257 = tpu.memref_slice %arg4[%dma_start3A_1251, %add3A_1250, %dma_start3A_1255, %dma_start3A_1256] : memref<8x128x8x128xf32, #tpu.memory_space<hbm>> -> memref<1x1x8x128xf32, #tpu.memory_space<hbm>>
    %dma_start3A_1258 = tpu.memref_squeeze %dma_start3A_1257 : memref<1x1x8x128xf32, #tpu.memory_space<hbm>> -> memref<8x128xf32, #tpu.memory_space<hbm>>
    %dma_start3A_1259 = arith.constant 0 : i32
    %dma_start3A_1260 = arith.constant 0 : i32
    %dma_start3A_1261 = tpu.memref_slice %arg4[%dma_start3A_1251, %add3A_1250, %dma_start3A_1259, %dma_start3A_1260] : memref<8x128x8x128xf32, #tpu.memory_space<hbm>> -> memref<1x1x8x128xf32, #tpu.memory_space<hbm>>
    %dma_start3A_1262 = tpu.memref_squeeze %dma_start3A_1261 : memref<1x1x8x128xf32, #tpu.memory_space<hbm>> -> memref<8x128xf32, #tpu.memory_space<hbm>>
    %dma_start3A_1263 = arith.constant 24 : i32
    %dma_start3A_1264 = arith.constant 384 : i32
    %dma_start3A_1265 = tpu.memref_slice %arg7[%dma_start3A_1263, %dma_start3A_1264] : memref<64x512xf32, #tpu.memory_space<vmem>> -> memref<8x128xf32, #tpu.memory_space<vmem>>
    tpu.enqueue_dma source(%dma_start3A_1265 : memref<8x128xf32, #tpu.memory_space<vmem>>) target(%dma_start3A_1262 : memref<8x128xf32, #tpu.memory_space<hbm>>) target_semaphore(%arg9 : memref<!tpu.dma_semaphore, #tpu.memory_space<semaphore_mem>>)
    %mul3A_1266 = arith.constant 4 : i32
    %mul3A_1267 = arith.muli %add3A, %mul3A_1266 : i32
    %add3A_1268 = arith.constant 0 : i32
    %add3A_1269 = arith.addi %mul3A_1267, %add3A_1268 : i32
    %dma_start3A_1270 = arith.constant 4 : i32
    %dma_start3A_1271 = arith.constant 32 : i32
    %dma_start3A_1272 = arith.constant 0 : i32
    %dma_start3A_1273 = tpu.memref_slice %arg7[%dma_start3A_1271, %dma_start3A_1272] : memref<64x512xf32, #tpu.memory_space<vmem>> -> memref<8x128xf32, #tpu.memory_space<vmem>>
    %dma_start3A_1274 = arith.constant 0 : i32
    %dma_start3A_1275 = arith.constant 0 : i32
    %dma_start3A_1276 = tpu.memref_slice %arg4[%dma_start3A_1270, %add3A_1269, %dma_start3A_1274, %dma_start3A_1275] : memref<8x128x8x128xf32, #tpu.memory_space<hbm>> -> memref<1x1x8x128xf32, #tpu.memory_space<hbm>>
    %dma_start3A_1277 = tpu.memref_squeeze %dma_start3A_1276 : memref<1x1x8x128xf32, #tpu.memory_space<hbm>> -> memref<8x128xf32, #tpu.memory_space<hbm>>
    %dma_start3A_1278 = arith.constant 0 : i32
    %dma_start3A_1279 = arith.constant 0 : i32
    %dma_start3A_1280 = tpu.memref_slice %arg4[%dma_start3A_1270, %add3A_1269, %dma_start3A_1278, %dma_start3A_1279] : memref<8x128x8x128xf32, #tpu.memory_space<hbm>> -> memref<1x1x8x128xf32, #tpu.memory_space<hbm>>
    %dma_start3A_1281 = tpu.memref_squeeze %dma_start3A_1280 : memref<1x1x8x128xf32, #tpu.memory_space<hbm>> -> memref<8x128xf32, #tpu.memory_space<hbm>>
    %dma_start3A_1282 = arith.constant 32 : i32
    %dma_start3A_1283 = arith.constant 0 : i32
    %dma_start3A_1284 = tpu.memref_slice %arg7[%dma_start3A_1282, %dma_start3A_1283] : memref<64x512xf32, #tpu.memory_space<vmem>> -> memref<8x128xf32, #tpu.memory_space<vmem>>
    tpu.enqueue_dma source(%dma_start3A_1284 : memref<8x128xf32, #tpu.memory_space<vmem>>) target(%dma_start3A_1281 : memref<8x128xf32, #tpu.memory_space<hbm>>) target_semaphore(%arg9 : memref<!tpu.dma_semaphore, #tpu.memory_space<semaphore_mem>>)
    %mul3A_1285 = arith.constant 4 : i32
    %mul3A_1286 = arith.muli %add3A, %mul3A_1285 : i32
    %add3A_1287 = arith.constant 1 : i32
    %add3A_1288 = arith.addi %mul3A_1286, %add3A_1287 : i32
    %dma_start3A_1289 = arith.constant 4 : i32
    %dma_start3A_1290 = arith.constant 32 : i32
    %dma_start3A_1291 = arith.constant 128 : i32
    %dma_start3A_1292 = tpu.memref_slice %arg7[%dma_start3A_1290, %dma_start3A_1291] : memref<64x512xf32, #tpu.memory_space<vmem>> -> memref<8x128xf32, #tpu.memory_space<vmem>>
    %dma_start3A_1293 = arith.constant 0 : i32
    %dma_start3A_1294 = arith.constant 0 : i32
    %dma_start3A_1295 = tpu.memref_slice %arg4[%dma_start3A_1289, %add3A_1288, %dma_start3A_1293, %dma_start3A_1294] : memref<8x128x8x128xf32, #tpu.memory_space<hbm>> -> memref<1x1x8x128xf32, #tpu.memory_space<hbm>>
    %dma_start3A_1296 = tpu.memref_squeeze %dma_start3A_1295 : memref<1x1x8x128xf32, #tpu.memory_space<hbm>> -> memref<8x128xf32, #tpu.memory_space<hbm>>
    %dma_start3A_1297 = arith.constant 0 : i32
    %dma_start3A_1298 = arith.constant 0 : i32
    %dma_start3A_1299 = tpu.memref_slice %arg4[%dma_start3A_1289, %add3A_1288, %dma_start3A_1297, %dma_start3A_1298] : memref<8x128x8x128xf32, #tpu.memory_space<hbm>> -> memref<1x1x8x128xf32, #tpu.memory_space<hbm>>
    %dma_start3A_1300 = tpu.memref_squeeze %dma_start3A_1299 : memref<1x1x8x128xf32, #tpu.memory_space<hbm>> -> memref<8x128xf32, #tpu.memory_space<hbm>>
    %dma_start3A_1301 = arith.constant 32 : i32
    %dma_start3A_1302 = arith.constant 128 : i32
    %dma_start3A_1303 = tpu.memref_slice %arg7[%dma_start3A_1301, %dma_start3A_1302] : memref<64x512xf32, #tpu.memory_space<vmem>> -> memref<8x128xf32, #tpu.memory_space<vmem>>
    tpu.enqueue_dma source(%dma_start3A_1303 : memref<8x128xf32, #tpu.memory_space<vmem>>) target(%dma_start3A_1300 : memref<8x128xf32, #tpu.memory_space<hbm>>) target_semaphore(%arg9 : memref<!tpu.dma_semaphore, #tpu.memory_space<semaphore_mem>>)
    %mul3A_1304 = arith.constant 4 : i32
    %mul3A_1305 = arith.muli %add3A, %mul3A_1304 : i32
    %add3A_1306 = arith.constant 2 : i32
    %add3A_1307 = arith.addi %mul3A_1305, %add3A_1306 : i32
    %dma_start3A_1308 = arith.constant 4 : i32
    %dma_start3A_1309 = arith.constant 32 : i32
    %dma_start3A_1310 = arith.constant 256 : i32
    %dma_start3A_1311 = tpu.memref_slice %arg7[%dma_start3A_1309, %dma_start3A_1310] : memref<64x512xf32, #tpu.memory_space<vmem>> -> memref<8x128xf32, #tpu.memory_space<vmem>>
    %dma_start3A_1312 = arith.constant 0 : i32
    %dma_start3A_1313 = arith.constant 0 : i32
    %dma_start3A_1314 = tpu.memref_slice %arg4[%dma_start3A_1308, %add3A_1307, %dma_start3A_1312, %dma_start3A_1313] : memref<8x128x8x128xf32, #tpu.memory_space<hbm>> -> memref<1x1x8x128xf32, #tpu.memory_space<hbm>>
    %dma_start3A_1315 = tpu.memref_squeeze %dma_start3A_1314 : memref<1x1x8x128xf32, #tpu.memory_space<hbm>> -> memref<8x128xf32, #tpu.memory_space<hbm>>
    %dma_start3A_1316 = arith.constant 0 : i32
    %dma_start3A_1317 = arith.constant 0 : i32
    %dma_start3A_1318 = tpu.memref_slice %arg4[%dma_start3A_1308, %add3A_1307, %dma_start3A_1316, %dma_start3A_1317] : memref<8x128x8x128xf32, #tpu.memory_space<hbm>> -> memref<1x1x8x128xf32, #tpu.memory_space<hbm>>
    %dma_start3A_1319 = tpu.memref_squeeze %dma_start3A_1318 : memref<1x1x8x128xf32, #tpu.memory_space<hbm>> -> memref<8x128xf32, #tpu.memory_space<hbm>>
    %dma_start3A_1320 = arith.constant 32 : i32
    %dma_start3A_1321 = arith.constant 256 : i32
    %dma_start3A_1322 = tpu.memref_slice %arg7[%dma_start3A_1320, %dma_start3A_1321] : memref<64x512xf32, #tpu.memory_space<vmem>> -> memref<8x128xf32, #tpu.memory_space<vmem>>
    tpu.enqueue_dma source(%dma_start3A_1322 : memref<8x128xf32, #tpu.memory_space<vmem>>) target(%dma_start3A_1319 : memref<8x128xf32, #tpu.memory_space<hbm>>) target_semaphore(%arg9 : memref<!tpu.dma_semaphore, #tpu.memory_space<semaphore_mem>>)
    %mul3A_1323 = arith.constant 4 : i32
    %mul3A_1324 = arith.muli %add3A, %mul3A_1323 : i32
    %add3A_1325 = arith.constant 3 : i32
    %add3A_1326 = arith.addi %mul3A_1324, %add3A_1325 : i32
    %dma_start3A_1327 = arith.constant 4 : i32
    %dma_start3A_1328 = arith.constant 32 : i32
    %dma_start3A_1329 = arith.constant 384 : i32
    %dma_start3A_1330 = tpu.memref_slice %arg7[%dma_start3A_1328, %dma_start3A_1329] : memref<64x512xf32, #tpu.memory_space<vmem>> -> memref<8x128xf32, #tpu.memory_space<vmem>>
    %dma_start3A_1331 = arith.constant 0 : i32
    %dma_start3A_1332 = arith.constant 0 : i32
    %dma_start3A_1333 = tpu.memref_slice %arg4[%dma_start3A_1327, %add3A_1326, %dma_start3A_1331, %dma_start3A_1332] : memref<8x128x8x128xf32, #tpu.memory_space<hbm>> -> memref<1x1x8x128xf32, #tpu.memory_space<hbm>>
    %dma_start3A_1334 = tpu.memref_squeeze %dma_start3A_1333 : memref<1x1x8x128xf32, #tpu.memory_space<hbm>> -> memref<8x128xf32, #tpu.memory_space<hbm>>
    %dma_start3A_1335 = arith.constant 0 : i32
    %dma_start3A_1336 = arith.constant 0 : i32
    %dma_start3A_1337 = tpu.memref_slice %arg4[%dma_start3A_1327, %add3A_1326, %dma_start3A_1335, %dma_start3A_1336] : memref<8x128x8x128xf32, #tpu.memory_space<hbm>> -> memref<1x1x8x128xf32, #tpu.memory_space<hbm>>
    %dma_start3A_1338 = tpu.memref_squeeze %dma_start3A_1337 : memref<1x1x8x128xf32, #tpu.memory_space<hbm>> -> memref<8x128xf32, #tpu.memory_space<hbm>>
    %dma_start3A_1339 = arith.constant 32 : i32
    %dma_start3A_1340 = arith.constant 384 : i32
    %dma_start3A_1341 = tpu.memref_slice %arg7[%dma_start3A_1339, %dma_start3A_1340] : memref<64x512xf32, #tpu.memory_space<vmem>> -> memref<8x128xf32, #tpu.memory_space<vmem>>
    tpu.enqueue_dma source(%dma_start3A_1341 : memref<8x128xf32, #tpu.memory_space<vmem>>) target(%dma_start3A_1338 : memref<8x128xf32, #tpu.memory_space<hbm>>) target_semaphore(%arg9 : memref<!tpu.dma_semaphore, #tpu.memory_space<semaphore_mem>>)
    %mul3A_1342 = arith.constant 4 : i32
    %mul3A_1343 = arith.muli %add3A, %mul3A_1342 : i32
    %add3A_1344 = arith.constant 0 : i32
    %add3A_1345 = arith.addi %mul3A_1343, %add3A_1344 : i32
    %dma_start3A_1346 = arith.constant 5 : i32
    %dma_start3A_1347 = arith.constant 40 : i32
    %dma_start3A_1348 = arith.constant 0 : i32
    %dma_start3A_1349 = tpu.memref_slice %arg7[%dma_start3A_1347, %dma_start3A_1348] : memref<64x512xf32, #tpu.memory_space<vmem>> -> memref<8x128xf32, #tpu.memory_space<vmem>>
    %dma_start3A_1350 = arith.constant 0 : i32
    %dma_start3A_1351 = arith.constant 0 : i32
    %dma_start3A_1352 = tpu.memref_slice %arg4[%dma_start3A_1346, %add3A_1345, %dma_start3A_1350, %dma_start3A_1351] : memref<8x128x8x128xf32, #tpu.memory_space<hbm>> -> memref<1x1x8x128xf32, #tpu.memory_space<hbm>>
    %dma_start3A_1353 = tpu.memref_squeeze %dma_start3A_1352 : memref<1x1x8x128xf32, #tpu.memory_space<hbm>> -> memref<8x128xf32, #tpu.memory_space<hbm>>
    %dma_start3A_1354 = arith.constant 0 : i32
    %dma_start3A_1355 = arith.constant 0 : i32
    %dma_start3A_1356 = tpu.memref_slice %arg4[%dma_start3A_1346, %add3A_1345, %dma_start3A_1354, %dma_start3A_1355] : memref<8x128x8x128xf32, #tpu.memory_space<hbm>> -> memref<1x1x8x128xf32, #tpu.memory_space<hbm>>
    %dma_start3A_1357 = tpu.memref_squeeze %dma_start3A_1356 : memref<1x1x8x128xf32, #tpu.memory_space<hbm>> -> memref<8x128xf32, #tpu.memory_space<hbm>>
    %dma_start3A_1358 = arith.constant 40 : i32
    %dma_start3A_1359 = arith.constant 0 : i32
    %dma_start3A_1360 = tpu.memref_slice %arg7[%dma_start3A_1358, %dma_start3A_1359] : memref<64x512xf32, #tpu.memory_space<vmem>> -> memref<8x128xf32, #tpu.memory_space<vmem>>
    tpu.enqueue_dma source(%dma_start3A_1360 : memref<8x128xf32, #tpu.memory_space<vmem>>) target(%dma_start3A_1357 : memref<8x128xf32, #tpu.memory_space<hbm>>) target_semaphore(%arg9 : memref<!tpu.dma_semaphore, #tpu.memory_space<semaphore_mem>>)
    %mul3A_1361 = arith.constant 4 : i32
    %mul3A_1362 = arith.muli %add3A, %mul3A_1361 : i32
    %add3A_1363 = arith.constant 1 : i32
    %add3A_1364 = arith.addi %mul3A_1362, %add3A_1363 : i32
    %dma_start3A_1365 = arith.constant 5 : i32
    %dma_start3A_1366 = arith.constant 40 : i32
    %dma_start3A_1367 = arith.constant 128 : i32
    %dma_start3A_1368 = tpu.memref_slice %arg7[%dma_start3A_1366, %dma_start3A_1367] : memref<64x512xf32, #tpu.memory_space<vmem>> -> memref<8x128xf32, #tpu.memory_space<vmem>>
    %dma_start3A_1369 = arith.constant 0 : i32
    %dma_start3A_1370 = arith.constant 0 : i32
    %dma_start3A_1371 = tpu.memref_slice %arg4[%dma_start3A_1365, %add3A_1364, %dma_start3A_1369, %dma_start3A_1370] : memref<8x128x8x128xf32, #tpu.memory_space<hbm>> -> memref<1x1x8x128xf32, #tpu.memory_space<hbm>>
    %dma_start3A_1372 = tpu.memref_squeeze %dma_start3A_1371 : memref<1x1x8x128xf32, #tpu.memory_space<hbm>> -> memref<8x128xf32, #tpu.memory_space<hbm>>
    %dma_start3A_1373 = arith.constant 0 : i32
    %dma_start3A_1374 = arith.constant 0 : i32
    %dma_start3A_1375 = tpu.memref_slice %arg4[%dma_start3A_1365, %add3A_1364, %dma_start3A_1373, %dma_start3A_1374] : memref<8x128x8x128xf32, #tpu.memory_space<hbm>> -> memref<1x1x8x128xf32, #tpu.memory_space<hbm>>
    %dma_start3A_1376 = tpu.memref_squeeze %dma_start3A_1375 : memref<1x1x8x128xf32, #tpu.memory_space<hbm>> -> memref<8x128xf32, #tpu.memory_space<hbm>>
    %dma_start3A_1377 = arith.constant 40 : i32
    %dma_start3A_1378 = arith.constant 128 : i32
    %dma_start3A_1379 = tpu.memref_slice %arg7[%dma_start3A_1377, %dma_start3A_1378] : memref<64x512xf32, #tpu.memory_space<vmem>> -> memref<8x128xf32, #tpu.memory_space<vmem>>
    tpu.enqueue_dma source(%dma_start3A_1379 : memref<8x128xf32, #tpu.memory_space<vmem>>) target(%dma_start3A_1376 : memref<8x128xf32, #tpu.memory_space<hbm>>) target_semaphore(%arg9 : memref<!tpu.dma_semaphore, #tpu.memory_space<semaphore_mem>>)
    %mul3A_1380 = arith.constant 4 : i32
    %mul3A_1381 = arith.muli %add3A, %mul3A_1380 : i32
    %add3A_1382 = arith.constant 2 : i32
    %add3A_1383 = arith.addi %mul3A_1381, %add3A_1382 : i32
    %dma_start3A_1384 = arith.constant 5 : i32
    %dma_start3A_1385 = arith.constant 40 : i32
    %dma_start3A_1386 = arith.constant 256 : i32
    %dma_start3A_1387 = tpu.memref_slice %arg7[%dma_start3A_1385, %dma_start3A_1386] : memref<64x512xf32, #tpu.memory_space<vmem>> -> memref<8x128xf32, #tpu.memory_space<vmem>>
    %dma_start3A_1388 = arith.constant 0 : i32
    %dma_start3A_1389 = arith.constant 0 : i32
    %dma_start3A_1390 = tpu.memref_slice %arg4[%dma_start3A_1384, %add3A_1383, %dma_start3A_1388, %dma_start3A_1389] : memref<8x128x8x128xf32, #tpu.memory_space<hbm>> -> memref<1x1x8x128xf32, #tpu.memory_space<hbm>>
    %dma_start3A_1391 = tpu.memref_squeeze %dma_start3A_1390 : memref<1x1x8x128xf32, #tpu.memory_space<hbm>> -> memref<8x128xf32, #tpu.memory_space<hbm>>
    %dma_start3A_1392 = arith.constant 0 : i32
    %dma_start3A_1393 = arith.constant 0 : i32
    %dma_start3A_1394 = tpu.memref_slice %arg4[%dma_start3A_1384, %add3A_1383, %dma_start3A_1392, %dma_start3A_1393] : memref<8x128x8x128xf32, #tpu.memory_space<hbm>> -> memref<1x1x8x128xf32, #tpu.memory_space<hbm>>
    %dma_start3A_1395 = tpu.memref_squeeze %dma_start3A_1394 : memref<1x1x8x128xf32, #tpu.memory_space<hbm>> -> memref<8x128xf32, #tpu.memory_space<hbm>>
    %dma_start3A_1396 = arith.constant 40 : i32
    %dma_start3A_1397 = arith.constant 256 : i32
    %dma_start3A_1398 = tpu.memref_slice %arg7[%dma_start3A_1396, %dma_start3A_1397] : memref<64x512xf32, #tpu.memory_space<vmem>> -> memref<8x128xf32, #tpu.memory_space<vmem>>
    tpu.enqueue_dma source(%dma_start3A_1398 : memref<8x128xf32, #tpu.memory_space<vmem>>) target(%dma_start3A_1395 : memref<8x128xf32, #tpu.memory_space<hbm>>) target_semaphore(%arg9 : memref<!tpu.dma_semaphore, #tpu.memory_space<semaphore_mem>>)
    %mul3A_1399 = arith.constant 4 : i32
    %mul3A_1400 = arith.muli %add3A, %mul3A_1399 : i32
    %add3A_1401 = arith.constant 3 : i32
    %add3A_1402 = arith.addi %mul3A_1400, %add3A_1401 : i32
    %dma_start3A_1403 = arith.constant 5 : i32
    %dma_start3A_1404 = arith.constant 40 : i32
    %dma_start3A_1405 = arith.constant 384 : i32
    %dma_start3A_1406 = tpu.memref_slice %arg7[%dma_start3A_1404, %dma_start3A_1405] : memref<64x512xf32, #tpu.memory_space<vmem>> -> memref<8x128xf32, #tpu.memory_space<vmem>>
    %dma_start3A_1407 = arith.constant 0 : i32
    %dma_start3A_1408 = arith.constant 0 : i32
    %dma_start3A_1409 = tpu.memref_slice %arg4[%dma_start3A_1403, %add3A_1402, %dma_start3A_1407, %dma_start3A_1408] : memref<8x128x8x128xf32, #tpu.memory_space<hbm>> -> memref<1x1x8x128xf32, #tpu.memory_space<hbm>>
    %dma_start3A_1410 = tpu.memref_squeeze %dma_start3A_1409 : memref<1x1x8x128xf32, #tpu.memory_space<hbm>> -> memref<8x128xf32, #tpu.memory_space<hbm>>
    %dma_start3A_1411 = arith.constant 0 : i32
    %dma_start3A_1412 = arith.constant 0 : i32
    %dma_start3A_1413 = tpu.memref_slice %arg4[%dma_start3A_1403, %add3A_1402, %dma_start3A_1411, %dma_start3A_1412] : memref<8x128x8x128xf32, #tpu.memory_space<hbm>> -> memref<1x1x8x128xf32, #tpu.memory_space<hbm>>
    %dma_start3A_1414 = tpu.memref_squeeze %dma_start3A_1413 : memref<1x1x8x128xf32, #tpu.memory_space<hbm>> -> memref<8x128xf32, #tpu.memory_space<hbm>>
    %dma_start3A_1415 = arith.constant 40 : i32
    %dma_start3A_1416 = arith.constant 384 : i32
    %dma_start3A_1417 = tpu.memref_slice %arg7[%dma_start3A_1415, %dma_start3A_1416] : memref<64x512xf32, #tpu.memory_space<vmem>> -> memref<8x128xf32, #tpu.memory_space<vmem>>
    tpu.enqueue_dma source(%dma_start3A_1417 : memref<8x128xf32, #tpu.memory_space<vmem>>) target(%dma_start3A_1414 : memref<8x128xf32, #tpu.memory_space<hbm>>) target_semaphore(%arg9 : memref<!tpu.dma_semaphore, #tpu.memory_space<semaphore_mem>>)
    %mul3A_1418 = arith.constant 4 : i32
    %mul3A_1419 = arith.muli %add3A, %mul3A_1418 : i32
    %add3A_1420 = arith.constant 0 : i32
    %add3A_1421 = arith.addi %mul3A_1419, %add3A_1420 : i32
    %dma_start3A_1422 = arith.constant 6 : i32
    %dma_start3A_1423 = arith.constant 48 : i32
    %dma_start3A_1424 = arith.constant 0 : i32
    %dma_start3A_1425 = tpu.memref_slice %arg7[%dma_start3A_1423, %dma_start3A_1424] : memref<64x512xf32, #tpu.memory_space<vmem>> -> memref<8x128xf32, #tpu.memory_space<vmem>>
    %dma_start3A_1426 = arith.constant 0 : i32
    %dma_start3A_1427 = arith.constant 0 : i32
    %dma_start3A_1428 = tpu.memref_slice %arg4[%dma_start3A_1422, %add3A_1421, %dma_start3A_1426, %dma_start3A_1427] : memref<8x128x8x128xf32, #tpu.memory_space<hbm>> -> memref<1x1x8x128xf32, #tpu.memory_space<hbm>>
    %dma_start3A_1429 = tpu.memref_squeeze %dma_start3A_1428 : memref<1x1x8x128xf32, #tpu.memory_space<hbm>> -> memref<8x128xf32, #tpu.memory_space<hbm>>
    %dma_start3A_1430 = arith.constant 0 : i32
    %dma_start3A_1431 = arith.constant 0 : i32
    %dma_start3A_1432 = tpu.memref_slice %arg4[%dma_start3A_1422, %add3A_1421, %dma_start3A_1430, %dma_start3A_1431] : memref<8x128x8x128xf32, #tpu.memory_space<hbm>> -> memref<1x1x8x128xf32, #tpu.memory_space<hbm>>
    %dma_start3A_1433 = tpu.memref_squeeze %dma_start3A_1432 : memref<1x1x8x128xf32, #tpu.memory_space<hbm>> -> memref<8x128xf32, #tpu.memory_space<hbm>>
    %dma_start3A_1434 = arith.constant 48 : i32
    %dma_start3A_1435 = arith.constant 0 : i32
    %dma_start3A_1436 = tpu.memref_slice %arg7[%dma_start3A_1434, %dma_start3A_1435] : memref<64x512xf32, #tpu.memory_space<vmem>> -> memref<8x128xf32, #tpu.memory_space<vmem>>
    tpu.enqueue_dma source(%dma_start3A_1436 : memref<8x128xf32, #tpu.memory_space<vmem>>) target(%dma_start3A_1433 : memref<8x128xf32, #tpu.memory_space<hbm>>) target_semaphore(%arg9 : memref<!tpu.dma_semaphore, #tpu.memory_space<semaphore_mem>>)
    %mul3A_1437 = arith.constant 4 : i32
    %mul3A_1438 = arith.muli %add3A, %mul3A_1437 : i32
    %add3A_1439 = arith.constant 1 : i32
    %add3A_1440 = arith.addi %mul3A_1438, %add3A_1439 : i32
    %dma_start3A_1441 = arith.constant 6 : i32
    %dma_start3A_1442 = arith.constant 48 : i32
    %dma_start3A_1443 = arith.constant 128 : i32
    %dma_start3A_1444 = tpu.memref_slice %arg7[%dma_start3A_1442, %dma_start3A_1443] : memref<64x512xf32, #tpu.memory_space<vmem>> -> memref<8x128xf32, #tpu.memory_space<vmem>>
    %dma_start3A_1445 = arith.constant 0 : i32
    %dma_start3A_1446 = arith.constant 0 : i32
    %dma_start3A_1447 = tpu.memref_slice %arg4[%dma_start3A_1441, %add3A_1440, %dma_start3A_1445, %dma_start3A_1446] : memref<8x128x8x128xf32, #tpu.memory_space<hbm>> -> memref<1x1x8x128xf32, #tpu.memory_space<hbm>>
    %dma_start3A_1448 = tpu.memref_squeeze %dma_start3A_1447 : memref<1x1x8x128xf32, #tpu.memory_space<hbm>> -> memref<8x128xf32, #tpu.memory_space<hbm>>
    %dma_start3A_1449 = arith.constant 0 : i32
    %dma_start3A_1450 = arith.constant 0 : i32
    %dma_start3A_1451 = tpu.memref_slice %arg4[%dma_start3A_1441, %add3A_1440, %dma_start3A_1449, %dma_start3A_1450] : memref<8x128x8x128xf32, #tpu.memory_space<hbm>> -> memref<1x1x8x128xf32, #tpu.memory_space<hbm>>
    %dma_start3A_1452 = tpu.memref_squeeze %dma_start3A_1451 : memref<1x1x8x128xf32, #tpu.memory_space<hbm>> -> memref<8x128xf32, #tpu.memory_space<hbm>>
    %dma_start3A_1453 = arith.constant 48 : i32
    %dma_start3A_1454 = arith.constant 128 : i32
    %dma_start3A_1455 = tpu.memref_slice %arg7[%dma_start3A_1453, %dma_start3A_1454] : memref<64x512xf32, #tpu.memory_space<vmem>> -> memref<8x128xf32, #tpu.memory_space<vmem>>
    tpu.enqueue_dma source(%dma_start3A_1455 : memref<8x128xf32, #tpu.memory_space<vmem>>) target(%dma_start3A_1452 : memref<8x128xf32, #tpu.memory_space<hbm>>) target_semaphore(%arg9 : memref<!tpu.dma_semaphore, #tpu.memory_space<semaphore_mem>>)
    %mul3A_1456 = arith.constant 4 : i32
    %mul3A_1457 = arith.muli %add3A, %mul3A_1456 : i32
    %add3A_1458 = arith.constant 2 : i32
    %add3A_1459 = arith.addi %mul3A_1457, %add3A_1458 : i32
    %dma_start3A_1460 = arith.constant 6 : i32
    %dma_start3A_1461 = arith.constant 48 : i32
    %dma_start3A_1462 = arith.constant 256 : i32
    %dma_start3A_1463 = tpu.memref_slice %arg7[%dma_start3A_1461, %dma_start3A_1462] : memref<64x512xf32, #tpu.memory_space<vmem>> -> memref<8x128xf32, #tpu.memory_space<vmem>>
    %dma_start3A_1464 = arith.constant 0 : i32
    %dma_start3A_1465 = arith.constant 0 : i32
    %dma_start3A_1466 = tpu.memref_slice %arg4[%dma_start3A_1460, %add3A_1459, %dma_start3A_1464, %dma_start3A_1465] : memref<8x128x8x128xf32, #tpu.memory_space<hbm>> -> memref<1x1x8x128xf32, #tpu.memory_space<hbm>>
    %dma_start3A_1467 = tpu.memref_squeeze %dma_start3A_1466 : memref<1x1x8x128xf32, #tpu.memory_space<hbm>> -> memref<8x128xf32, #tpu.memory_space<hbm>>
    %dma_start3A_1468 = arith.constant 0 : i32
    %dma_start3A_1469 = arith.constant 0 : i32
    %dma_start3A_1470 = tpu.memref_slice %arg4[%dma_start3A_1460, %add3A_1459, %dma_start3A_1468, %dma_start3A_1469] : memref<8x128x8x128xf32, #tpu.memory_space<hbm>> -> memref<1x1x8x128xf32, #tpu.memory_space<hbm>>
    %dma_start3A_1471 = tpu.memref_squeeze %dma_start3A_1470 : memref<1x1x8x128xf32, #tpu.memory_space<hbm>> -> memref<8x128xf32, #tpu.memory_space<hbm>>
    %dma_start3A_1472 = arith.constant 48 : i32
    %dma_start3A_1473 = arith.constant 256 : i32
    %dma_start3A_1474 = tpu.memref_slice %arg7[%dma_start3A_1472, %dma_start3A_1473] : memref<64x512xf32, #tpu.memory_space<vmem>> -> memref<8x128xf32, #tpu.memory_space<vmem>>
    tpu.enqueue_dma source(%dma_start3A_1474 : memref<8x128xf32, #tpu.memory_space<vmem>>) target(%dma_start3A_1471 : memref<8x128xf32, #tpu.memory_space<hbm>>) target_semaphore(%arg9 : memref<!tpu.dma_semaphore, #tpu.memory_space<semaphore_mem>>)
    %mul3A_1475 = arith.constant 4 : i32
    %mul3A_1476 = arith.muli %add3A, %mul3A_1475 : i32
    %add3A_1477 = arith.constant 3 : i32
    %add3A_1478 = arith.addi %mul3A_1476, %add3A_1477 : i32
    %dma_start3A_1479 = arith.constant 6 : i32
    %dma_start3A_1480 = arith.constant 48 : i32
    %dma_start3A_1481 = arith.constant 384 : i32
    %dma_start3A_1482 = tpu.memref_slice %arg7[%dma_start3A_1480, %dma_start3A_1481] : memref<64x512xf32, #tpu.memory_space<vmem>> -> memref<8x128xf32, #tpu.memory_space<vmem>>
    %dma_start3A_1483 = arith.constant 0 : i32
    %dma_start3A_1484 = arith.constant 0 : i32
    %dma_start3A_1485 = tpu.memref_slice %arg4[%dma_start3A_1479, %add3A_1478, %dma_start3A_1483, %dma_start3A_1484] : memref<8x128x8x128xf32, #tpu.memory_space<hbm>> -> memref<1x1x8x128xf32, #tpu.memory_space<hbm>>
    %dma_start3A_1486 = tpu.memref_squeeze %dma_start3A_1485 : memref<1x1x8x128xf32, #tpu.memory_space<hbm>> -> memref<8x128xf32, #tpu.memory_space<hbm>>
    %dma_start3A_1487 = arith.constant 0 : i32
    %dma_start3A_1488 = arith.constant 0 : i32
    %dma_start3A_1489 = tpu.memref_slice %arg4[%dma_start3A_1479, %add3A_1478, %dma_start3A_1487, %dma_start3A_1488] : memref<8x128x8x128xf32, #tpu.memory_space<hbm>> -> memref<1x1x8x128xf32, #tpu.memory_space<hbm>>
    %dma_start3A_1490 = tpu.memref_squeeze %dma_start3A_1489 : memref<1x1x8x128xf32, #tpu.memory_space<hbm>> -> memref<8x128xf32, #tpu.memory_space<hbm>>
    %dma_start3A_1491 = arith.constant 48 : i32
    %dma_start3A_1492 = arith.constant 384 : i32
    %dma_start3A_1493 = tpu.memref_slice %arg7[%dma_start3A_1491, %dma_start3A_1492] : memref<64x512xf32, #tpu.memory_space<vmem>> -> memref<8x128xf32, #tpu.memory_space<vmem>>
    tpu.enqueue_dma source(%dma_start3A_1493 : memref<8x128xf32, #tpu.memory_space<vmem>>) target(%dma_start3A_1490 : memref<8x128xf32, #tpu.memory_space<hbm>>) target_semaphore(%arg9 : memref<!tpu.dma_semaphore, #tpu.memory_space<semaphore_mem>>)
    %mul3A_1494 = arith.constant 4 : i32
    %mul3A_1495 = arith.muli %add3A, %mul3A_1494 : i32
    %add3A_1496 = arith.constant 0 : i32
    %add3A_1497 = arith.addi %mul3A_1495, %add3A_1496 : i32
    %dma_start3A_1498 = arith.constant 7 : i32
    %dma_start3A_1499 = arith.constant 56 : i32
    %dma_start3A_1500 = arith.constant 0 : i32
    %dma_start3A_1501 = tpu.memref_slice %arg7[%dma_start3A_1499, %dma_start3A_1500] : memref<64x512xf32, #tpu.memory_space<vmem>> -> memref<8x128xf32, #tpu.memory_space<vmem>>
    %dma_start3A_1502 = arith.constant 0 : i32
    %dma_start3A_1503 = arith.constant 0 : i32
    %dma_start3A_1504 = tpu.memref_slice %arg4[%dma_start3A_1498, %add3A_1497, %dma_start3A_1502, %dma_start3A_1503] : memref<8x128x8x128xf32, #tpu.memory_space<hbm>> -> memref<1x1x8x128xf32, #tpu.memory_space<hbm>>
    %dma_start3A_1505 = tpu.memref_squeeze %dma_start3A_1504 : memref<1x1x8x128xf32, #tpu.memory_space<hbm>> -> memref<8x128xf32, #tpu.memory_space<hbm>>
    %dma_start3A_1506 = arith.constant 0 : i32
    %dma_start3A_1507 = arith.constant 0 : i32
    %dma_start3A_1508 = tpu.memref_slice %arg4[%dma_start3A_1498, %add3A_1497, %dma_start3A_1506, %dma_start3A_1507] : memref<8x128x8x128xf32, #tpu.memory_space<hbm>> -> memref<1x1x8x128xf32, #tpu.memory_space<hbm>>
    %dma_start3A_1509 = tpu.memref_squeeze %dma_start3A_1508 : memref<1x1x8x128xf32, #tpu.memory_space<hbm>> -> memref<8x128xf32, #tpu.memory_space<hbm>>
    %dma_start3A_1510 = arith.constant 56 : i32
    %dma_start3A_1511 = arith.constant 0 : i32
    %dma_start3A_1512 = tpu.memref_slice %arg7[%dma_start3A_1510, %dma_start3A_1511] : memref<64x512xf32, #tpu.memory_space<vmem>> -> memref<8x128xf32, #tpu.memory_space<vmem>>
    tpu.enqueue_dma source(%dma_start3A_1512 : memref<8x128xf32, #tpu.memory_space<vmem>>) target(%dma_start3A_1509 : memref<8x128xf32, #tpu.memory_space<hbm>>) target_semaphore(%arg9 : memref<!tpu.dma_semaphore, #tpu.memory_space<semaphore_mem>>)
    %mul3A_1513 = arith.constant 4 : i32
    %mul3A_1514 = arith.muli %add3A, %mul3A_1513 : i32
    %add3A_1515 = arith.constant 1 : i32
    %add3A_1516 = arith.addi %mul3A_1514, %add3A_1515 : i32
    %dma_start3A_1517 = arith.constant 7 : i32
    %dma_start3A_1518 = arith.constant 56 : i32
    %dma_start3A_1519 = arith.constant 128 : i32
    %dma_start3A_1520 = tpu.memref_slice %arg7[%dma_start3A_1518, %dma_start3A_1519] : memref<64x512xf32, #tpu.memory_space<vmem>> -> memref<8x128xf32, #tpu.memory_space<vmem>>
    %dma_start3A_1521 = arith.constant 0 : i32
    %dma_start3A_1522 = arith.constant 0 : i32
    %dma_start3A_1523 = tpu.memref_slice %arg4[%dma_start3A_1517, %add3A_1516, %dma_start3A_1521, %dma_start3A_1522] : memref<8x128x8x128xf32, #tpu.memory_space<hbm>> -> memref<1x1x8x128xf32, #tpu.memory_space<hbm>>
    %dma_start3A_1524 = tpu.memref_squeeze %dma_start3A_1523 : memref<1x1x8x128xf32, #tpu.memory_space<hbm>> -> memref<8x128xf32, #tpu.memory_space<hbm>>
    %dma_start3A_1525 = arith.constant 0 : i32
    %dma_start3A_1526 = arith.constant 0 : i32
    %dma_start3A_1527 = tpu.memref_slice %arg4[%dma_start3A_1517, %add3A_1516, %dma_start3A_1525, %dma_start3A_1526] : memref<8x128x8x128xf32, #tpu.memory_space<hbm>> -> memref<1x1x8x128xf32, #tpu.memory_space<hbm>>
    %dma_start3A_1528 = tpu.memref_squeeze %dma_start3A_1527 : memref<1x1x8x128xf32, #tpu.memory_space<hbm>> -> memref<8x128xf32, #tpu.memory_space<hbm>>
    %dma_start3A_1529 = arith.constant 56 : i32
    %dma_start3A_1530 = arith.constant 128 : i32
    %dma_start3A_1531 = tpu.memref_slice %arg7[%dma_start3A_1529, %dma_start3A_1530] : memref<64x512xf32, #tpu.memory_space<vmem>> -> memref<8x128xf32, #tpu.memory_space<vmem>>
    tpu.enqueue_dma source(%dma_start3A_1531 : memref<8x128xf32, #tpu.memory_space<vmem>>) target(%dma_start3A_1528 : memref<8x128xf32, #tpu.memory_space<hbm>>) target_semaphore(%arg9 : memref<!tpu.dma_semaphore, #tpu.memory_space<semaphore_mem>>)
    %mul3A_1532 = arith.constant 4 : i32
    %mul3A_1533 = arith.muli %add3A, %mul3A_1532 : i32
    %add3A_1534 = arith.constant 2 : i32
    %add3A_1535 = arith.addi %mul3A_1533, %add3A_1534 : i32
    %dma_start3A_1536 = arith.constant 7 : i32
    %dma_start3A_1537 = arith.constant 56 : i32
    %dma_start3A_1538 = arith.constant 256 : i32
    %dma_start3A_1539 = tpu.memref_slice %arg7[%dma_start3A_1537, %dma_start3A_1538] : memref<64x512xf32, #tpu.memory_space<vmem>> -> memref<8x128xf32, #tpu.memory_space<vmem>>
    %dma_start3A_1540 = arith.constant 0 : i32
    %dma_start3A_1541 = arith.constant 0 : i32
    %dma_start3A_1542 = tpu.memref_slice %arg4[%dma_start3A_1536, %add3A_1535, %dma_start3A_1540, %dma_start3A_1541] : memref<8x128x8x128xf32, #tpu.memory_space<hbm>> -> memref<1x1x8x128xf32, #tpu.memory_space<hbm>>
    %dma_start3A_1543 = tpu.memref_squeeze %dma_start3A_1542 : memref<1x1x8x128xf32, #tpu.memory_space<hbm>> -> memref<8x128xf32, #tpu.memory_space<hbm>>
    %dma_start3A_1544 = arith.constant 0 : i32
    %dma_start3A_1545 = arith.constant 0 : i32
    %dma_start3A_1546 = tpu.memref_slice %arg4[%dma_start3A_1536, %add3A_1535, %dma_start3A_1544, %dma_start3A_1545] : memref<8x128x8x128xf32, #tpu.memory_space<hbm>> -> memref<1x1x8x128xf32, #tpu.memory_space<hbm>>
    %dma_start3A_1547 = tpu.memref_squeeze %dma_start3A_1546 : memref<1x1x8x128xf32, #tpu.memory_space<hbm>> -> memref<8x128xf32, #tpu.memory_space<hbm>>
    %dma_start3A_1548 = arith.constant 56 : i32
    %dma_start3A_1549 = arith.constant 256 : i32
    %dma_start3A_1550 = tpu.memref_slice %arg7[%dma_start3A_1548, %dma_start3A_1549] : memref<64x512xf32, #tpu.memory_space<vmem>> -> memref<8x128xf32, #tpu.memory_space<vmem>>
    tpu.enqueue_dma source(%dma_start3A_1550 : memref<8x128xf32, #tpu.memory_space<vmem>>) target(%dma_start3A_1547 : memref<8x128xf32, #tpu.memory_space<hbm>>) target_semaphore(%arg9 : memref<!tpu.dma_semaphore, #tpu.memory_space<semaphore_mem>>)
    %mul3A_1551 = arith.constant 4 : i32
    %mul3A_1552 = arith.muli %add3A, %mul3A_1551 : i32
    %add3A_1553 = arith.constant 3 : i32
    %add3A_1554 = arith.addi %mul3A_1552, %add3A_1553 : i32
    %dma_start3A_1555 = arith.constant 7 : i32
    %dma_start3A_1556 = arith.constant 56 : i32
    %dma_start3A_1557 = arith.constant 384 : i32
    %dma_start3A_1558 = tpu.memref_slice %arg7[%dma_start3A_1556, %dma_start3A_1557] : memref<64x512xf32, #tpu.memory_space<vmem>> -> memref<8x128xf32, #tpu.memory_space<vmem>>
    %dma_start3A_1559 = arith.constant 0 : i32
    %dma_start3A_1560 = arith.constant 0 : i32
    %dma_start3A_1561 = tpu.memref_slice %arg4[%dma_start3A_1555, %add3A_1554, %dma_start3A_1559, %dma_start3A_1560] : memref<8x128x8x128xf32, #tpu.memory_space<hbm>> -> memref<1x1x8x128xf32, #tpu.memory_space<hbm>>
    %dma_start3A_1562 = tpu.memref_squeeze %dma_start3A_1561 : memref<1x1x8x128xf32, #tpu.memory_space<hbm>> -> memref<8x128xf32, #tpu.memory_space<hbm>>
    %dma_start3A_1563 = arith.constant 0 : i32
    %dma_start3A_1564 = arith.constant 0 : i32
    %dma_start3A_1565 = tpu.memref_slice %arg4[%dma_start3A_1555, %add3A_1554, %dma_start3A_1563, %dma_start3A_1564] : memref<8x128x8x128xf32, #tpu.memory_space<hbm>> -> memref<1x1x8x128xf32, #tpu.memory_space<hbm>>
    %dma_start3A_1566 = tpu.memref_squeeze %dma_start3A_1565 : memref<1x1x8x128xf32, #tpu.memory_space<hbm>> -> memref<8x128xf32, #tpu.memory_space<hbm>>
    %dma_start3A_1567 = arith.constant 56 : i32
    %dma_start3A_1568 = arith.constant 384 : i32
    %dma_start3A_1569 = tpu.memref_slice %arg7[%dma_start3A_1567, %dma_start3A_1568] : memref<64x512xf32, #tpu.memory_space<vmem>> -> memref<8x128xf32, #tpu.memory_space<vmem>>
    tpu.enqueue_dma source(%dma_start3A_1569 : memref<8x128xf32, #tpu.memory_space<vmem>>) target(%dma_start3A_1566 : memref<8x128xf32, #tpu.memory_space<hbm>>) target_semaphore(%arg9 : memref<!tpu.dma_semaphore, #tpu.memory_space<semaphore_mem>>)
    %dma_wait3A_1570 = arith.constant 0 : i32
    %dma_wait3A_1571 = tpu.memref_slice %arg2[%dma_wait3A_1570] : memref<64004096xf32, #tpu.memory_space<hbm>> -> memref<32768xf32, #tpu.memory_space<hbm>>
    %dma_wait3A_1572 = arith.constant 0 : i32
    %dma_wait3A_1573 = tpu.memref_slice %arg2[%dma_wait3A_1572] : memref<64004096xf32, #tpu.memory_space<hbm>> -> memref<32768xf32, #tpu.memory_space<hbm>>
    tpu.wait_dma2 semaphore(%arg9 : memref<!tpu.dma_semaphore, #tpu.memory_space<semaphore_mem>>) src(%dma_wait3A_1573 : memref<32768xf32, #tpu.memory_space<hbm>>) dst(%arg7 : memref<64x512xf32, #tpu.memory_space<vmem>>)
    return
  }
}

</mosaic_0001>

<sc_bundles>
// kernel: kernel.3.cloned.1.call-start
scs
__scs_entry_jumppad:
0x0: {  	(pc) =	sbr.rel $0x88, $3  }
0x1: {  	(tag) =	ssettag $0x0;
	lr =	simm.s32 $0x1  }
0x2: {  	[smem:$0x3F9F] =	sst lr;
	_ =	strace $0xD0000000  }
0x3: {  	_ = 	snop  }
0x4: {  	_ = 	snop  }
0x5: {  	_ = 	snop  }
0x6: {  	_ = 	snop  }
0x7: {  	_ = 	snop  }
__scs_overlays_trampoline_lowered:
0x8: {  	[smem:$0x3FAE] =	sst s0  }
0x9: {  	[smem:$0x3FAF] =	sst s1  }
0xa: {  	[smem:$0x3FB0] =	sst s2  }
0xb: {  	[smem:$0x3FB1] =	sst s3  }
0xc: {  	[smem:$0x3FB2] =	sst s4  }
0xd: {  	[smem:$0x3FB3] =	sst s5  }
0xe: {  	[smem:$0x3FB4] =	sst s6  }
0xf: {  	[smem:$0x3FB5] =	sst s7  }
0x10: {  	[smem:$0x3FB6] =	sst s8  }
0x11: {  	[smem:$0x3FB7] =	sst s9;
	s0 =	simm.s32 @!p0 $0x0  }
0x12: {  	s1 =	sld [smem:$0x3F9D];
	s0 =	simm.s32 @p0 $0x1  }
0x13: {  	[smem:$0x3FB8] =	sst s0;
	s0 =	simm.s32 @!p1 $0x0  }
0x14: {  	s2 =	sld [smem:$0x3F9C];
	s0 =	simm.s32 @p1 $0x1  }
0x15: {  	[smem:$0x3FB9] =	sst s0;
	s0 =	simm.s32 @!p2 $0x0  }
0x16: {  	s3 =	sld [smem:$0x3FDB];
	s0 =	simm.s32 @p2 $0x1  }
0x17: {  	s4 =	simm.s32 $0x1BF5;
	[smem:$0x3FBB] =	sst s0  }
0x18: {  	s0 =	sld [smem:$0x3F9E];
	_ =	swait.ge [sflag:s4], $0x0  }
0x19: {  	s7 =	sld [smem:$0x3F9F]  }
0x1a: {  	s8 =	sadd.s32 $0xFFFFE003, lr  }
0x1b: {  	s9 =	sadd.s32 $0xFFFFFEF7, lr;
	s5 =	simm.s32 $0xFFFFFFFF;
	p2 =	slt.u32 s8, $0xFFFFF086  }
0x1c: {  	p1 =	slt.u32 s9, $0xF7A;
	s5 =	simm.s32 @!p2 $0x0  }
0x1d: {  	s5 =	simm.s32 @p1 $0x1;
	p0 =	seq.s32 s7, s2  }
0x1e: {  	s7 =	smul.u32 @!p0 $0xF7A, s2;
	p2 =	seq.s32 @!p0 s5, $0x0  }
0x1f: {  	s9 =	smul.u32 $0xF7A, s1;
	s8 =	simm.s32 @!p0 $0x1BF5;
	p2 =	por !p2, p0  }
0x20: {  	[sflag:s8] =	ssyncset.s32 @!p0 $0xFFFFF086;
	s6 =	sadd.s32 @!p0 s3, s7;
	s7 =	simm.s32 @!p0 $0x108  }
0x21: {  	s3 =	sadd.s32 s3, s9;
	s6 =	sadd.s32 @!p0 $0x88, s6;
	s7 =	simm.s32 @p2 $0x1082  }
0x22: {  	[simem:s7], [sflag:s8] =	dma.local @!p0 [hbm:s6], $0xF7A  }
0x23: {  	s9 =	sor.u32 $0xD0000000, s2;
	s6 =	simm.s32 $0x108;
	_ =	swait.ge @!p0 [sflag:s8], $0x0  }
0x24: {  	s3 =	sadd.s32 $0x88, s3;
	s6 =	simm.s32 @!p1 $0x1082;
	[sflag:s4] =	ssyncset.s32 $0xFFFFF086  }
0x25: {  	[simem:s6], [sflag:s4] =	dma.local [hbm:s3], $0xF7A  }
0x26: {  	[smem:$0x3F9F] =	sst s1;
	(tag) =	ssettag s2;
	_ =	strace s9  }
0x27: {  	s1 =	sld [smem:$0x3FAF]  }
0x28: {  	s2 =	sld [smem:$0x3FB0]  }
0x29: {  	s4 =	sld [smem:$0x3FB2]  }
0x2a: {  	p0 =	seq.s32 s5, $0x0;
	s5 =	sld [smem:$0x3FB3]  }
0x2b: {  	s6 =	sld [smem:$0x3FB4]  }
0x2c: {  	s7 =	sld [smem:$0x3FB5]  }
0x2d: {  	s3 =	simm.s32 $0x108;
	s8 =	sld [smem:$0x3FB6]  }
0x2e: {  	s3 =	simm.s32 @!p0 $0x1082;
	s9 =	sld [smem:$0x3FB7]  }
0x2f: {  	lr =	sadd.s32 s0, s3;
	s0 =	sld [smem:$0x3FAE]  }
0x30: {  	s3 =	sld [smem:$0x3FB1]  }
0x31: {  	[smem:$0x3FBA] =	sst s10  }
0x32: {  	s10 =	sld [smem:$0x3FB8];
	_ =	sdelay $0x3  }
0x33: {  	p0 =	seq.s32 s10, $0x1;
	s10 =	sld [smem:$0x3FBA];
	_ =	sdelay $0x3  }
0x34: {  	[smem:$0x3FBA] =	sst s10  }
0x35: {  	s10 =	sld [smem:$0x3FB9];
	_ =	sdelay $0x3  }
0x36: {  	p1 =	seq.s32 s10, $0x1;
	s10 =	sld [smem:$0x3FBA];
	_ =	sdelay $0x3  }
0x37: {  	[smem:$0x3FBA] =	sst s10  }
0x38: {  	s10 =	sld [smem:$0x3FBB]  }
0x39: {  	_ = 	snop;
	(pc) =	sbr.ind lr, $3  }
0x3a: {  	_ = 	snop  }
0x3b: {  	_ = 	snop  }
0x3c: {  	p2 =	seq.s32 s10, $0x1;
	s10 =	sld [smem:$0x3FBA]  }
0x3d: {  	_ =	shalt  }
0x3e: {  	_ =	shalt  }
0x3f: {  	_ =	shalt  }
0x40: {  	_ =	shalt  }
0x41: {  	_ =	shalt  }
0x42: {  	_ =	shalt  }
0x43: {  	_ =	shalt  }
0x44: {  	_ =	shalt  }
0x45: {  	_ =	shalt  }
0x46: {  	_ =	shalt  }
0x47: {  	_ =	shalt  }
0x48: {  	_ =	shalt  }
0x49: {  	_ =	shalt  }
0x4a: {  	_ =	shalt  }
0x4b: {  	_ =	shalt  }
0x4c: {  	_ =	shalt  }
0x4d: {  	_ =	shalt  }
0x4e: {  	_ =	shalt  }
0x4f: {  	_ =	shalt  }
0x50: {  	_ =	shalt  }
0x51: {  	_ =	shalt  }
0x52: {  	_ =	shalt  }
0x53: {  	_ =	shalt  }
0x54: {  	_ =	shalt  }
0x55: {  	_ =	shalt  }
0x56: {  	_ =	shalt  }
0x57: {  	_ =	shalt  }
0x58: {  	_ =	shalt  }
0x59: {  	_ =	shalt  }
0x5a: {  	_ =	shalt  }
0x5b: {  	_ =	shalt  }
0x5c: {  	_ =	shalt  }
0x5d: {  	_ =	shalt  }
0x5e: {  	_ =	shalt  }
0x5f: {  	_ =	shalt  }
0x60: {  	_ =	shalt  }
0x61: {  	_ =	shalt  }
0x62: {  	_ =	shalt  }
0x63: {  	_ =	shalt  }
0x64: {  	_ =	shalt  }
0x65: {  	_ =	shalt  }
0x66: {  	_ =	shalt  }
0x67: {  	_ =	shalt  }
0x68: {  	_ =	shalt  }
0x69: {  	_ =	shalt  }
0x6a: {  	_ =	shalt  }
0x6b: {  	_ =	shalt  }
0x6c: {  	_ =	shalt  }
0x6d: {  	_ =	shalt  }
0x6e: {  	_ =	shalt  }
0x6f: {  	_ =	shalt  }
0x70: {  	_ =	shalt  }
0x71: {  	_ =	shalt  }
0x72: {  	_ =	shalt  }
0x73: {  	_ =	shalt  }
0x74: {  	_ =	shalt  }
0x75: {  	_ =	shalt  }
0x76: {  	_ =	shalt  }
0x77: {  	_ =	shalt  }
0x78: {  	_ =	shalt  }
0x79: {  	_ =	shalt  }
0x7a: {  	_ =	shalt  }
0x7b: {  	_ =	shalt  }
0x7c: {  	_ =	shalt  }
0x7d: {  	_ =	shalt  }
0x7e: {  	_ =	shalt  }
0x7f: {  	_ =	shalt  }
0x80: {  	_ =	shalt  }
0x81: {  	_ =	shalt  }
0x82: {  	_ =	shalt  }
0x83: {  	_ =	shalt  }
0x84: {  	_ =	shalt  }
0x85: {  	_ =	shalt  }
0x86: {  	_ =	shalt  }
0x87: {  	_ =	shalt  }
.Lfunc_end0:
.L_simem_size_0:
called_computation_lowered:
.L_overlay_start_0:
0x88: {  	s2 =	sld [smem:$0x3FD9]  }
0x89: {  	s3 =	sld [smem:$0x3FFE];
	_ =	sdelay $0x1  }
0x8a: {  	s1 =	srdreg.scid  }
0x8b: {  	s0 =	sand.u32 $0x1, s1  }
0x8c: {  	s17 =	sshll.u32 s0, $0xA;
	s2 =	sadd.s32 s3, s2  }
0x8d: {  	s2 =	sadd.s32 s2, s17  }
0x8e: {  	[smem:$0x3FC6] =	sst s2  }
0x8f: {  	_ = 	snop  }
0x90: {  	s2 =	sld [smem:$0x3FC9]  }
0x91: {  	s18 =	sld [smem:$0x3FD0];
	(tm) =	ssettm $0x1  }
0x92: {  	s4 =	sld [smem:$0x3FFB];
	_ =	sdelay $0x3  }
0x93: {  	_ =	strace s4  }
0x94: {  	s4 =	sld [smem:$0x3FFC];
	_ =	sdelay $0x3  }
0x95: {  	_ =	strace s4  }
0x96: {  	s4 =	sld [smem:$0x3FFD];
	_ =	sdelay $0x3  }
0x97: {  	_ =	strace s4  }
0x98: {  	_ =	strace $0x8FFFFFFF  }
0x99: {  	s19 =	sld [smem:$0x3FDB];
	_ =	sdelay $0x1  }
0x9a: {  	s5 =	simm.s32 $_scs_section_size  }
0x9b: {  	s6 =	simm.s32 $_size__tile_overlayer_lowered;
	s7 =	simm.s32 $_tile_overlayer_lowered  }
0x9c: {  	s22 =	simm.s32 $0x1BFF;
	s21 =	sshll.u32 s7, $0x1;
	s4 =	sadd.s32 s5, s19  }
0x9d: {  	s8 =	simm.s32 $0x0;
	s20 =	sshll.u32 s6, $0x1;
	s6 =	sadd.s32 s21, s4  }
0x9e: {  	[timem:s8], [sflag:s22] =	dma.local [hbm:s6], s20  }
0x9f: {  	_ =	swait.ge [sflag:s22], s20  }
0xa0: {  	s5 =	ssub.s32 $0x0, s20;
	[sflag:s22] =	ssyncset.done $0x0  }
0xa1: {  	[sflag:s22] =	ssyncadd.s32 s5;
	_ =	sdelay $0x1  }
0xa2: {  	s23 =	simm.s32 $0x1B8B  }
0xa3: {  	_ =	swait.ge [sflag:s23], $0x1  }
0xa4: {  	[sflag:s23] =	ssyncset.done $0x0  }
0xa5: {  	s25 =	simm.s32 $0x1B8E;
	s24 =	sld [smem:$0x3FFE];
	[sflag:s23] =	ssyncadd.s32 $0xFFFFFFFF  }
0xa6: {  	s26 =	simm.s32 $execute0_lowered;
	[smem:$0x3FD2] =	sst s25  }
0xa7: {  	s6 =	sshll.u32 s26, $0x1;
	_ =	strace $0x80000046;
	[dreg:$0x1] =	wrdreg $0xFFFFFFFF  }
0xa8: {  	s28 =	simm.s32 $_size_execute0_lowered;
	s4 =	sadd.s32 s4, s6;
	[dreg:$0x0] =	wrdreg $0x0  }
0xa9: {  	s6 =	sshll.u32 s28, $0x1;
	[dreg:$0x2] =	wrdreg s4  }
0xaa: {  	[dreg:$0x3] =	wrdreg s6  }
0xab: {  	[dreg:$0x4] =	wrdreg $0xC0  }
0xac: {  	_ =	task [dreg:s8], $0x5FFFF  }
0xad: {  	[dreg:$0x1] =	wrdreg $0xFFFFFFFF  }
0xae: {  	[dreg:$0x0] =	wrdreg $0x60  }
0xaf: {  	[dreg:$0x2] =	wrdreg s24  }
0xb0: {  	[dreg:$0x3] =	wrdreg s2  }
0xb1: {  	[dreg:$0x4] =	wrdreg s18  }
0xb2: {  	[dreg:$0x5] =	wrdreg $0x9  }
0xb3: {  	_ =	task.clear_ibuf [dreg:s8], $0x6FFFF;
	_ =	strace $0x90000046  }
0xb4: {  	s29 =	simm.s32 $0x9;
	_ =	strace $0x80000048  }
0xb5: {  	_ =	swait.ge [sflag:s29], $0x1  }
0xb6: {  	[sflag:s29] =	ssyncadd.s32 $0xFFFFFFFF  }
0xb7: {  	_ =	strace $0x90000048  }
0xb8: {  	_ =	sfence  }
0xb9: {  	s30 =	sld [smem:$0x0];
	_ =	sdelay $0x2  }
0xba: {  	s31 =	sshll.u32 s1, $0xD;
	s1 =	sshrl.u32 s1, $0x2  }
0xbb: {  	s3 =	sand.u32 $0x4000, s31;
	s1 =	sadd.s32 s1, s30  }
0xbc: {  	s0 =	sor.u32 s3, s0;
	s1 =	sshll.u32 s1, $0x11  }
0xbd: {  	s0 =	sor.u32 s1, s0  }
0xbe: {  	s0 =	sadd.s32 $0x8F2B, s0  }
0xbf: {  	[sflag:s0] =	ssyncadd.remote.s32 $0x1  }
0xc0: {  	_ =	sfence.sel $0xFFFF  }
0xc1: {  	[dreg:$0x0] =	wrdreg $0xFFFFFFFF;
	(pc) =	sbr.abs _section_cstart, $3  }
0xc2: {  	[dreg:$0x1] =	wrdreg $0xFFFFFFFF  }
0xc3: {  	_ =	task.clear_ibuf [dreg:s8], $0x2FFFF;
	_ =	strace $0x9FFFFFFF  }
0xc4: {  	(tm) =	ssettm $0x7FFFFFFF  }
0xc5: {  	_ =	shalt  }
tec
execute0_lowered:
.L_overlay_start_1:
0x0: {  	(tag) =	ssettag $0x1  }
0x1: {  	s4 =	rddreg [dreg:$0x0]  }
0x2: {  	s5 =	rddreg [dreg:$0x1]  }
0x3: {  	s0 =	rddreg [dreg:$0x2];
	s2 =	simm.s32 $0x0  }
0x4: {  	[smem:$0x7FF] =	sst s2;
	s21 =	sadd.s32 $0x400, s4  }
0x5: {  	s22 =	sadd.s32 $0x410, s4;
	_ =	strace $0x80000047;
	[dreg:$0x4] =	wrdreg s21  }
0x6: {  	s23 =	sadd.s32 $0x420, s4;
	[dreg:$0x6] =	wrdreg s22  }
0x7: {  	s24 =	sadd.s32 $0x430, s4;
	[dreg:$0x7] =	wrdreg s23  }
0x8: {  	s25 =	sadd.s32 $0x440, s4;
	[dreg:$0x8] =	wrdreg s24  }
0x9: {  	s6 =	stileid.u32;
	s26 =	sadd.s32 $0x450, s4;
	[dreg:$0x9] =	wrdreg s25  }
0xa: {  	s20 =	sshll.u32 s6, $0x1;
	s6 =	sadd.s32 $0x460, s4;
	[dreg:$0xa] =	wrdreg s26  }
0xb: {  	s8 =	sadd.s32 $0xF4680, s4;
	[dreg:$0xb] =	wrdreg s6  }
0xc: {  	s9 =	sadd.s32 $0xF4690, s4;
	[dreg:$0xd] =	wrdreg s8  }
0xd: {  	s10 =	sadd.s32 $0xF46A0, s4;
	[dreg:$0xe] =	wrdreg s9  }
0xe: {  	s11 =	sadd.s32 $0xF46B0, s4;
	[dreg:$0xf] =	wrdreg s10  }
0xf: {  	s12 =	sadd.s32 $0xF46C0, s4;
	[dreg:$0x10] =	wrdreg s11  }
0x10: {  	s13 =	sadd.s32 $0xF46D0, s4;
	[dreg:$0x11] =	wrdreg s12  }
0x11: {  	s14 =	sadd.s32 $0xF46E0, s4;
	[dreg:$0x12] =	wrdreg s13  }
0x12: {  	s15 =	sadd.s32 $0xF46F0, s4;
	[dreg:$0x13] =	wrdreg s14  }
0x13: {  	s16 =	sadd.s32 $0x1E8900, s4;
	[dreg:$0x14] =	wrdreg s15  }
0x14: {  	s17 =	sadd.s32 $0x1E8910, s4;
	[dreg:$0x15] =	wrdreg s16  }
0x15: {  	s1 =	srdreg.scid;
	s18 =	sadd.s32 $0x1E8920, s4;
	[dreg:$0x16] =	wrdreg s17  }
0x16: {  	s3 =	sand.u32 $0x1, s1;
	s19 =	sadd.s32 $0x1E8930, s4;
	[dreg:$0x17] =	wrdreg s18  }
0x17: {  	s1 =	sor.u32 s3, s20;
	[dreg:$0x18] =	wrdreg s19;
	s20 =	sadd.s32 $0x1E8940, s4  }
0x18: {  	s21 =	sadd.s32 $0x1E8950, s4;
	[dreg:$0x19] =	wrdreg s20  }
0x19: {  	s22 =	sadd.s32 $0x1E8960, s4;
	[dreg:$0x1a] =	wrdreg s21  }
0x1a: {  	s23 =	sadd.s32 $0x1E8970, s4;
	[dreg:$0x1b] =	wrdreg s22  }
0x1b: {  	s24 =	sadd.s32 $0x2DCB80, s4;
	[dreg:$0x1c] =	wrdreg s23  }
0x1c: {  	s25 =	sadd.s32 $0x2DCB90, s4;
	[dreg:$0x1d] =	wrdreg s24  }
0x1d: {  	s26 =	sadd.s32 $0x2DCBA0, s4;
	[dreg:$0x1e] =	wrdreg s25  }
0x1e: {  	s6 =	sadd.s32 $0x2DCBB0, s4;
	[dreg:$0x1f] =	wrdreg s26  }
0x1f: {  	s8 =	sadd.s32 $0x2DCBD0, s4;
	[smem:$0x70B] =	sst s6  }
0x20: {  	s9 =	sadd.s32 $0x2DCBE0, s4;
	[smem:$0x70D] =	sst s8  }
0x21: {  	s10 =	sadd.s32 $0x2DCBF0, s4;
	[smem:$0x70E] =	sst s9  }
0x22: {  	s11 =	sadd.s32 $0x3D0E00, s4;
	[smem:$0x70F] =	sst s10  }
0x23: {  	s12 =	sadd.s32 $0x3D0E10, s4;
	[smem:$0x710] =	sst s11  }
0x24: {  	s13 =	sadd.s32 $0x3D0E20, s4;
	[smem:$0x711] =	sst s12  }
0x25: {  	s14 =	sadd.s32 $0x3D0E30, s4;
	[smem:$0x712] =	sst s13  }
0x26: {  	s15 =	sadd.s32 $0x3D0E40, s4;
	[smem:$0x713] =	sst s14  }
0x27: {  	s16 =	sadd.s32 $0x3D0E50, s4;
	[smem:$0x714] =	sst s15  }
0x28: {  	s17 =	sadd.s32 $0x3D0E60, s4;
	[smem:$0x715] =	sst s16  }
0x29: {  	s18 =	sadd.s32 $0x3D0E70, s4;
	[smem:$0x716] =	sst s17  }
0x2a: {  	s19 =	sadd.s32 $0x4C5080, s4;
	[smem:$0x717] =	sst s18  }
0x2b: {  	[smem:$0x718] =	sst s19;
	s20 =	sadd.s32 $0x4C5090, s4  }
0x2c: {  	s21 =	sadd.s32 $0x4C50A0, s4;
	[smem:$0x719] =	sst s20  }
0x2d: {  	s22 =	sadd.s32 $0x4C50B0, s4;
	[smem:$0x71A] =	sst s21  }
0x2e: {  	s23 =	sadd.s32 $0x4C50C0, s4;
	[smem:$0x71B] =	sst s22  }
0x2f: {  	s24 =	sadd.s32 $0x4C50D0, s4;
	[smem:$0x71C] =	sst s23  }
0x30: {  	s25 =	sadd.s32 $0x4C50E0, s4;
	[smem:$0x71D] =	sst s24  }
0x31: {  	s26 =	sadd.s32 $0x4C50F0, s4;
	[smem:$0x71E] =	sst s25  }
0x32: {  	s6 =	sadd.s32 $0x5B9300, s4;
	[smem:$0x71F] =	sst s26  }
0x33: {  	s8 =	sadd.s32 $0x5B9320, s4;
	[smem:$0x720] =	sst s6  }
0x34: {  	s9 =	sadd.s32 $0x5B9330, s4;
	[smem:$0x722] =	sst s8  }
0x35: {  	s10 =	sadd.s32 $0x5B9340, s4;
	[smem:$0x723] =	sst s9  }
0x36: {  	s11 =	sadd.s32 $0x5B9350, s4;
	[smem:$0x724] =	sst s10  }
0x37: {  	s12 =	sadd.s32 $0x5B9360, s4;
	[smem:$0x725] =	sst s11  }
0x38: {  	s13 =	sadd.s32 $0x5B9370, s4;
	[smem:$0x726] =	sst s12  }
0x39: {  	s14 =	sadd.s32 $0x6AD580, s4;
	[smem:$0x727] =	sst s13  }
0x3a: {  	s15 =	sadd.s32 $0x6AD590, s4;
	[smem:$0x728] =	sst s14  }
0x3b: {  	s16 =	sadd.s32 $0x6AD5A0, s4;
	[smem:$0x729] =	sst s15  }
0x3c: {  	s17 =	sadd.s32 $0x6AD5B0, s4;
	[smem:$0x72A] =	sst s16  }
0x3d: {  	s18 =	sadd.s32 $0x6AD5C0, s4;
	[smem:$0x72B] =	sst s17  }
0x3e: {  	s7 =	sshll.u32 s1, $0x6;
	s19 =	sadd.s32 $0x6AD5D0, s4;
	[smem:$0x72C] =	sst s18  }
0x3f: {  	s5 =	sadd.s32 s5, s7;
	[smem:$0x72D] =	sst s19  }
0x40: {  	s7 =	sadd.s32 $0x470, s4;
	[dreg:$0x5] =	wrdreg s5  }
0x41: {  	s20 =	sadd.s32 $0x6AD5E0, s4;
	[dreg:$0xc] =	wrdreg s7  }
0x42: {  	s21 =	simm.s32 $0x480;
	[smem:$0x72E] =	sst s20  }
0x43: {  	s22 =	simm.s32 $0x680;
	[smem:$0x730] =	sst s21  }
0x44: {  	s23 =	simm.s32 $0x880;
	[smem:$0x731] =	sst s22  }
0x45: {  	s24 =	simm.s32 $0xA80;
	[smem:$0x732] =	sst s23  }
0x46: {  	s25 =	simm.s32 $0xC80;
	[smem:$0x733] =	sst s24  }
0x47: {  	s26 =	simm.s32 $0xE80;
	[smem:$0x734] =	sst s25  }
0x48: {  	s6 =	simm.s32 $0x1280;
	[smem:$0x735] =	sst s26  }
0x49: {  	s8 =	simm.s32 $0x700;
	[smem:$0x737] =	sst s6  }
0x4a: {  	s9 =	simm.s32 $0x900;
	[smem:$0x739] =	sst s8  }
0x4b: {  	s10 =	simm.s32 $0xB00;
	[smem:$0x73A] =	sst s9  }
0x4c: {  	s11 =	simm.s32 $0xD00;
	[smem:$0x73B] =	sst s10  }
0x4d: {  	s12 =	simm.s32 $0xF00;
	[smem:$0x73C] =	sst s11  }
0x4e: {  	s13 =	simm.s32 $0x1100;
	[smem:$0x73D] =	sst s12  }
0x4f: {  	s14 =	simm.s32 $0x1300;
	[smem:$0x73E] =	sst s13  }
0x50: {  	s15 =	simm.s32 $0x580;
	[smem:$0x73F] =	sst s14  }
0x51: {  	s16 =	simm.s32 $0x780;
	[smem:$0x740] =	sst s15  }
0x52: {  	s17 =	simm.s32 $0x980;
	[smem:$0x741] =	sst s16  }
0x53: {  	s18 =	simm.s32 $0xB80;
	[smem:$0x742] =	sst s17  }
0x54: {  	s19 =	simm.s32 $0xD80;
	[smem:$0x743] =	sst s18  }
0x55: {  	s7 =	sadd.s32 $0x2DCBC0, s4;
	[smem:$0x744] =	sst s19  }
0x56: {  	s5 =	simm.s32 $0x1080;
	[smem:$0x70C] =	sst s7  }
0x57: {  	s20 =	simm.s32 $0xF80;
	[smem:$0x736] =	sst s5  }
0x58: {  	s21 =	simm.s32 $0x1180;
	[smem:$0x745] =	sst s20  }
0x59: {  	s22 =	simm.s32 $0x1380;
	[smem:$0x746] =	sst s21  }
0x5a: {  	s23 =	simm.s32 $0x1480;
	[smem:$0x747] =	sst s22  }
0x5b: {  	s24 =	simm.s32 $0x1680;
	[smem:$0x748] =	sst s23  }
0x5c: {  	s25 =	simm.s32 $0x1880;
	[smem:$0x749] =	sst s24  }
0x5d: {  	s26 =	simm.s32 $0x1A80;
	[smem:$0x74A] =	sst s25  }
0x5e: {  	s6 =	simm.s32 $0x1E80;
	[smem:$0x74B] =	sst s26  }
0x5f: {  	s8 =	simm.s32 $0x2280;
	[smem:$0x74D] =	sst s6  }
0x60: {  	s9 =	simm.s32 $0x1500;
	[smem:$0x74F] =	sst s8  }
0x61: {  	s10 =	simm.s32 $0x1700;
	[smem:$0x750] =	sst s9  }
0x62: {  	s11 =	simm.s32 $0x1900;
	[smem:$0x751] =	sst s10  }
0x63: {  	s12 =	simm.s32 $0x1B00;
	[smem:$0x752] =	sst s11  }
0x64: {  	s13 =	simm.s32 $0x1D00;
	[smem:$0x753] =	sst s12  }
0x65: {  	s14 =	simm.s32 $0x1F00;
	[smem:$0x754] =	sst s13  }
0x66: {  	s15 =	simm.s32 $0x2100;
	[smem:$0x755] =	sst s14  }
0x67: {  	s16 =	simm.s32 $0x2300;
	[smem:$0x756] =	sst s15  }
0x68: {  	s17 =	simm.s32 $0x1580;
	[smem:$0x757] =	sst s16  }
0x69: {  	s18 =	simm.s32 $0x1780;
	[smem:$0x758] =	sst s17  }
0x6a: {  	s19 =	simm.s32 $0x1980;
	[smem:$0x759] =	sst s18  }
0x6b: {  	s7 =	sadd.s32 $0x5B9310, s4;
	[smem:$0x75A] =	sst s19  }
0x6c: {  	s4 =	sadd.s32 $0x6AD5F0, s4;
	[smem:$0x721] =	sst s7  }
0x6d: {  	s5 =	simm.s32 $0x1C80;
	[smem:$0x72F] =	sst s4  }
0x6e: {  	s20 =	simm.s32 $0x1B80;
	[smem:$0x74C] =	sst s5  }
0x6f: {  	s21 =	simm.s32 $0x1D80;
	[smem:$0x75B] =	sst s20  }
0x70: {  	s22 =	simm.s32 $0x1F80;
	[smem:$0x75C] =	sst s21  }
0x71: {  	s23 =	simm.s32 $0x2180;
	[smem:$0x75D] =	sst s22  }
0x72: {  	s24 =	simm.s32 $0x2380;
	[smem:$0x75E] =	sst s23  }
0x73: {  	s25 =	simm.s32 $0x2480;
	[smem:$0x75F] =	sst s24  }
0x74: {  	s26 =	simm.s32 $0x2680;
	[smem:$0x760] =	sst s25  }
0x75: {  	s6 =	simm.s32 $0x2A80;
	[smem:$0x761] =	sst s26  }
0x76: {  	s8 =	simm.s32 $0x2E80;
	[smem:$0x763] =	sst s6  }
0x77: {  	s9 =	simm.s32 $0x3080;
	[smem:$0x765] =	sst s8  }
0x78: {  	s10 =	simm.s32 $0x3280;
	[smem:$0x766] =	sst s9  }
0x79: {  	s11 =	simm.s32 $0x2500;
	[smem:$0x767] =	sst s10  }
0x7a: {  	s12 =	simm.s32 $0x2700;
	[smem:$0x768] =	sst s11  }
0x7b: {  	s13 =	simm.s32 $0x2900;
	[smem:$0x769] =	sst s12  }
0x7c: {  	s14 =	simm.s32 $0x2B00;
	[smem:$0x76A] =	sst s13  }
0x7d: {  	s15 =	simm.s32 $0x2D00;
	[smem:$0x76B] =	sst s14  }
0x7e: {  	s16 =	simm.s32 $0x2F00;
	[smem:$0x76C] =	sst s15  }
0x7f: {  	s17 =	simm.s32 $0x3100;
	[smem:$0x76D] =	sst s16  }
0x80: {  	s18 =	simm.s32 $0x3300;
	[smem:$0x76E] =	sst s17  }
0x81: {  	s19 =	simm.s32 $0x2580;
	[smem:$0x76F] =	sst s18  }
0x82: {  	s7 =	simm.s32 $0x500;
	[smem:$0x770] =	sst s19  }
0x83: {  	s5 =	simm.s32 $0x2880;
	[smem:$0x738] =	sst s7  }
0x84: {  	s20 =	simm.s32 $0x2780;
	[smem:$0x762] =	sst s5  }
0x85: {  	s21 =	simm.s32 $0x2980;
	[smem:$0x771] =	sst s20  }
0x86: {  	s22 =	simm.s32 $0x2B80;
	[smem:$0x772] =	sst s21  }
0x87: {  	s23 =	simm.s32 $0x2D80;
	[smem:$0x773] =	sst s22  }
0x88: {  	s24 =	simm.s32 $0x2F80;
	[smem:$0x774] =	sst s23  }
0x89: {  	s25 =	simm.s32 $0x3180;
	[smem:$0x775] =	sst s24  }
0x8a: {  	s26 =	simm.s32 $0x3380;
	[smem:$0x776] =	sst s25  }
0x8b: {  	s6 =	simm.s32 $0x3680;
	[smem:$0x777] =	sst s26  }
0x8c: {  	s8 =	simm.s32 $0x3A80;
	[smem:$0x779] =	sst s6  }
0x8d: {  	s9 =	simm.s32 $0x3C80;
	[smem:$0x77B] =	sst s8  }
0x8e: {  	s10 =	simm.s32 $0x3E80;
	[smem:$0x77C] =	sst s9  }
0x8f: {  	s11 =	simm.s32 $0x4080;
	[smem:$0x77D] =	sst s10  }
0x90: {  	s12 =	simm.s32 $0x4280;
	[smem:$0x77E] =	sst s11  }
0x91: {  	s13 =	simm.s32 $0x3500;
	[smem:$0x77F] =	sst s12  }
0x92: {  	s14 =	simm.s32 $0x3700;
	[smem:$0x780] =	sst s13  }
0x93: {  	s15 =	simm.s32 $0x3900;
	[smem:$0x781] =	sst s14  }
0x94: {  	s16 =	simm.s32 $0x3B00;
	[smem:$0x782] =	sst s15  }
0x95: {  	s17 =	simm.s32 $0x3D00;
	[smem:$0x783] =	sst s16  }
0x96: {  	s18 =	simm.s32 $0x3F00;
	[smem:$0x784] =	sst s17  }
0x97: {  	s19 =	simm.s32 $0x4100;
	[smem:$0x785] =	sst s18  }
0x98: {  	s7 =	simm.s32 $0x2080;
	[smem:$0x786] =	sst s19  }
0x99: {  	s5 =	simm.s32 $0x3480;
	[smem:$0x74E] =	sst s7  }
0x9a: {  	s20 =	simm.s32 $0x4300;
	[smem:$0x778] =	sst s5  }
0x9b: {  	s21 =	simm.s32 $0x3580;
	[smem:$0x787] =	sst s20  }
0x9c: {  	s22 =	simm.s32 $0x3780;
	[smem:$0x788] =	sst s21  }
0x9d: {  	s23 =	simm.s32 $0x3980;
	[smem:$0x789] =	sst s22  }
0x9e: {  	s24 =	simm.s32 $0x3B80;
	[smem:$0x78A] =	sst s23  }
0x9f: {  	s25 =	simm.s32 $0x3D80;
	[smem:$0x78B] =	sst s24  }
0xa0: {  	s26 =	simm.s32 $0x3F80;
	[smem:$0x78C] =	sst s25  }
0xa1: {  	s6 =	simm.s32 $0x4380;
	[smem:$0x78D] =	sst s26  }
0xa2: {  	s8 =	simm.s32 $0x4680;
	[smem:$0x78F] =	sst s6  }
0xa3: {  	s9 =	simm.s32 $0x4880;
	[smem:$0x791] =	sst s8  }
0xa4: {  	s10 =	simm.s32 $0x4A80;
	[smem:$0x792] =	sst s9  }
0xa5: {  	s11 =	simm.s32 $0x4C80;
	[smem:$0x793] =	sst s10  }
0xa6: {  	s12 =	simm.s32 $0x4E80;
	[smem:$0x794] =	sst s11  }
0xa7: {  	s13 =	simm.s32 $0x5080;
	[smem:$0x795] =	sst s12  }
0xa8: {  	s14 =	simm.s32 $0x5280;
	[smem:$0x796] =	sst s13  }
0xa9: {  	s15 =	simm.s32 $0x4500;
	[smem:$0x797] =	sst s14  }
0xaa: {  	s16 =	simm.s32 $0x4700;
	[smem:$0x798] =	sst s15  }
0xab: {  	s17 =	simm.s32 $0x4900;
	[smem:$0x799] =	sst s16  }
0xac: {  	s18 =	simm.s32 $0x4B00;
	[smem:$0x79A] =	sst s17  }
0xad: {  	s19 =	simm.s32 $0x4D00;
	[smem:$0x79B] =	sst s18  }
0xae: {  	s7 =	simm.s32 $0x2C80;
	[smem:$0x79C] =	sst s19  }
0xaf: {  	s5 =	simm.s32 $0x4180;
	[smem:$0x764] =	sst s7  }
0xb0: {  	s20 =	simm.s32 $0x4F00;
	[smem:$0x78E] =	sst s5  }
0xb1: {  	s21 =	simm.s32 $0x5100;
	[smem:$0x79D] =	sst s20  }
0xb2: {  	s22 =	simm.s32 $0x5300;
	[smem:$0x79E] =	sst s21  }
0xb3: {  	s23 =	simm.s32 $0x4580;
	[smem:$0x79F] =	sst s22  }
0xb4: {  	s24 =	simm.s32 $0x4780;
	[smem:$0x7A0] =	sst s23  }
0xb5: {  	s25 =	simm.s32 $0x4980;
	[smem:$0x7A1] =	sst s24  }
0xb6: {  	s26 =	simm.s32 $0x4B80;
	[smem:$0x7A2] =	sst s25  }
0xb7: {  	s6 =	simm.s32 $0x4F80;
	[smem:$0x7A3] =	sst s26  }
0xb8: {  	s8 =	simm.s32 $0x5380;
	[smem:$0x7A5] =	sst s6  }
0xb9: {  	s9 =	simm.s32 $0x5480;
	[smem:$0x7A7] =	sst s8  }
0xba: {  	s10 =	simm.s32 $0x5680;
	[smem:$0x7A8] =	sst s9  }
0xbb: {  	s11 =	simm.s32 $0x5880;
	[smem:$0x7A9] =	sst s10  }
0xbc: {  	s12 =	simm.s32 $0x5A80;
	[smem:$0x7AA] =	sst s11  }
0xbd: {  	s13 =	simm.s32 $0x5C80;
	[smem:$0x7AB] =	sst s12  }
0xbe: {  	s14 =	simm.s32 $0x5E80;
	[smem:$0x7AC] =	sst s13  }
0xbf: {  	s15 =	simm.s32 $0x6080;
	[smem:$0x7AD] =	sst s14  }
0xc0: {  	s16 =	simm.s32 $0x6280;
	[smem:$0x7AE] =	sst s15  }
0xc1: {  	s17 =	simm.s32 $0x5500;
	[smem:$0x7AF] =	sst s16  }
0xc2: {  	s18 =	simm.s32 $0x5700;
	[smem:$0x7B0] =	sst s17  }
0xc3: {  	s19 =	simm.s32 $0x5900;
	[smem:$0x7B1] =	sst s18  }
0xc4: {  	s7 =	simm.s32 $0x3880;
	[smem:$0x7B2] =	sst s19  }
0xc5: {  	s5 =	simm.s32 $0x4D80;
	[smem:$0x77A] =	sst s7  }
0xc6: {  	s20 =	simm.s32 $0x5B00;
	[smem:$0x7A4] =	sst s5  }
0xc7: {  	s21 =	simm.s32 $0x5D00;
	[smem:$0x7B3] =	sst s20  }
0xc8: {  	s22 =	simm.s32 $0x5F00;
	[smem:$0x7B4] =	sst s21  }
0xc9: {  	s23 =	simm.s32 $0x6100;
	[smem:$0x7B5] =	sst s22  }
0xca: {  	s24 =	simm.s32 $0x6300;
	[smem:$0x7B6] =	sst s23  }
0xcb: {  	s25 =	simm.s32 $0x5580;
	[smem:$0x7B7] =	sst s24  }
0xcc: {  	s26 =	simm.s32 $0x5780;
	[smem:$0x7B8] =	sst s25  }
0xcd: {  	s6 =	simm.s32 $0x5B80;
	[smem:$0x7B9] =	sst s26  }
0xce: {  	s8 =	simm.s32 $0x5F80;
	[smem:$0x7BB] =	sst s6  }
0xcf: {  	s9 =	simm.s32 $0x6180;
	[smem:$0x7BD] =	sst s8  }
0xd0: {  	s10 =	simm.s32 $0x6380;
	[smem:$0x7BE] =	sst s9  }
0xd1: {  	s11 =	simm.s32 $0x6480;
	[smem:$0x7BF] =	sst s10  }
0xd2: {  	s12 =	simm.s32 $0x6680;
	[smem:$0x7C0] =	sst s11  }
0xd3: {  	s13 =	simm.s32 $0x6880;
	[smem:$0x7C1] =	sst s12  }
0xd4: {  	s14 =	simm.s32 $0x6A80;
	[smem:$0x7C2] =	sst s13  }
0xd5: {  	s15 =	simm.s32 $0x6C80;
	[smem:$0x7C3] =	sst s14  }
0xd6: {  	s16 =	simm.s32 $0x6E80;
	[smem:$0x7C4] =	sst s15  }
0xd7: {  	s17 =	simm.s32 $0x7080;
	[smem:$0x7C5] =	sst s16  }
0xd8: {  	s18 =	simm.s32 $0x7280;
	[smem:$0x7C6] =	sst s17  }
0xd9: {  	s19 =	simm.s32 $0x6500;
	[smem:$0x7C7] =	sst s18  }
0xda: {  	s7 =	simm.s32 $0x4480;
	[smem:$0x7C8] =	sst s19  }
0xdb: {  	s5 =	simm.s32 $0x5980;
	[smem:$0x790] =	sst s7  }
0xdc: {  	s20 =	simm.s32 $0x6700;
	[smem:$0x7BA] =	sst s5  }
0xdd: {  	s21 =	simm.s32 $0x6900;
	[smem:$0x7C9] =	sst s20  }
0xde: {  	s22 =	simm.s32 $0x6B00;
	[smem:$0x7CA] =	sst s21  }
0xdf: {  	s23 =	simm.s32 $0x6D00;
	[smem:$0x7CB] =	sst s22  }
0xe0: {  	s24 =	simm.s32 $0x6F00;
	[smem:$0x7CC] =	sst s23  }
0xe1: {  	s25 =	simm.s32 $0x7100;
	[smem:$0x7CD] =	sst s24  }
0xe2: {  	s26 =	simm.s32 $0x7300;
	[smem:$0x7CE] =	sst s25  }
0xe3: {  	s6 =	simm.s32 $0x6780;
	[smem:$0x7CF] =	sst s26  }
0xe4: {  	s8 =	simm.s32 $0x6B80;
	[smem:$0x7D1] =	sst s6  }
0xe5: {  	s9 =	simm.s32 $0x6D80;
	[smem:$0x7D3] =	sst s8  }
0xe6: {  	s10 =	simm.s32 $0x6F80;
	[smem:$0x7D4] =	sst s9  }
0xe7: {  	s11 =	simm.s32 $0x7180;
	[smem:$0x7D5] =	sst s10  }
0xe8: {  	s12 =	simm.s32 $0x7380;
	[smem:$0x7D6] =	sst s11  }
0xe9: {  	s14 =	simm.s32 $0x7480;
	[smem:$0x7D7] =	sst s12  }
0xea: {  	s15 =	simm.s32 $0x7680;
	[smem:$0x7D8] =	sst s14  }
0xeb: {  	s16 =	simm.s32 $0x7A80;
	[smem:$0x7D9] =	sst s15  }
0xec: {  	s17 =	simm.s32 $0x7E80;
	[smem:$0x7DA] =	sst s16  }
0xed: {  	s18 =	simm.s32 $0x8280;
	[smem:$0x7DC] =	sst s17  }
0xee: {  	s7 =	simm.s32 $0x5180;
	[smem:$0x7DE] =	sst s18  }
0xef: {  	s5 =	simm.s32 $0x6580;
	[smem:$0x7A6] =	sst s7  }
0xf0: {  	s20 =	simm.s32 $0x7700;
	[smem:$0x7D0] =	sst s5  }
0xf1: {  	s22 =	simm.s32 $0x7B00;
	[smem:$0x7E0] =	sst s20  }
0xf2: {  	s24 =	simm.s32 $0x7F00;
	[smem:$0x7E2] =	sst s22  }
0xf3: {  	s26 =	simm.s32 $0x8300;
	[smem:$0x7E4] =	sst s24  }
0xf4: {  	s6 =	simm.s32 $0x7780;
	[smem:$0x7E6] =	sst s26  }
0xf5: {  	s8 =	simm.s32 $0x7B80;
	[smem:$0x7E8] =	sst s6  }
0xf6: {  	s10 =	simm.s32 $0x7F80;
	[smem:$0x7EA] =	sst s8  }
0xf7: {  	s3 =	ssub.s32 $0x2, s3;
	s12 =	simm.s32 $0x7D80;
	[smem:$0x7EC] =	sst s10  }
0xf8: {  	s1 =	sshll.u32 s1, $0x9;
	s14 =	simm.s32 $0x7980;
	[smem:$0x7EE] =	sst s12  }
0xf9: {  	s13 =	sshrl.u32 s3, $0x1;
	s16 =	simm.s32 $0x7580;
	[smem:$0x7F0] =	sst s14  }
0xfa: {  	s4 =	ssub.s32 s3, s13;
	s18 =	simm.s32 $0x8100;
	[smem:$0x7F2] =	sst s16  }
0xfb: {  	s3 =	sadd.s32 s0, s1;
	s7 =	simm.s32 $0x5D80;
	[smem:$0x7F4] =	sst s18  }
0xfc: {  	s1 =	sadd.s32 $0x80, s3;
	s19 =	sadd.s32 $0x100, s3;
	[smem:$0x7BC] =	sst s7  }
0xfd: {  	s21 =	sadd.s32 $0x180, s3;
	s23 =	sadd.s32 $0x4000, s3;
	[smem:$0x7DB] =	sst s1  }
0xfe: {  	s25 =	sadd.s32 $0x4080, s3;
	s5 =	sadd.s32 $0x4100, s3;
	[smem:$0x7DD] =	sst s19  }
0xff: {  	s9 =	sadd.s32 $0x8000, s3;
	s11 =	sadd.s32 $0x8080, s3;
	[smem:$0x7DF] =	sst s21  }
0x100: {  	s13 =	sadd.s32 $0x8100, s3;
	s15 =	sadd.s32 $0x8180, s3;
	[smem:$0x7E1] =	sst s23  }
0x101: {  	s17 =	sadd.s32 $0xC000, s3;
	s20 =	simm.s32 $0x7D00;
	[smem:$0x7E3] =	sst s25  }
0x102: {  	s22 =	simm.s32 $0x7900;
	s18 =	sadd.s32 $0xC180, s3;
	[smem:$0x7E5] =	sst s5  }
0x103: {  	s24 =	simm.s32 $0x8080;
	s26 =	simm.s32 $0x7880;
	[smem:$0x7E9] =	sst s9  }
0x104: {  	s28 =	sadd.s32 $0x14180, s3;
	s29 =	sadd.s32 $0x18000, s3;
	[smem:$0x7EB] =	sst s11  }
0x105: {  	s30 =	sadd.s32 $0x18080, s3;
	s31 =	sadd.s32 $0x18100, s3;
	[smem:$0x7ED] =	sst s13  }
0x106: {  	s0 =	sadd.s32 $0x18180, s3;
	s6 =	simm.s32 $0x200;
	[smem:$0x7EF] =	sst s15  }
0x107: {  	s8 =	simm.s32 $0x8180;
	s12 =	simm.s32 $0xA00;
	[smem:$0x7F1] =	sst s17  }
0x108: {  	s14 =	simm.s32 $0xE00;
	s16 =	simm.s32 $0x1200;
	[smem:$0x7F6] =	sst s20  }
0x109: {  	s7 =	simm.s32 $0x6980;
	s19 =	sadd.s32 $0xC080, s3;
	[smem:$0x7F7] =	sst s22  }
0x10a: {  	s21 =	sadd.s32 $0xC100, s3;
	s23 =	simm.s32 $0x7500;
	[smem:$0x7F9] =	sst s24  }
0x10b: {  	s20 =	sadd.s32 $0x10080, s3;
	s25 =	simm.s32 $0x7C80;
	[smem:$0x7FB] =	sst s26  }
0x10c: {  	s22 =	sadd.s32 $0x10180, s3;
	s24 =	sadd.s32 $0x14080, s3;
	[smem:$0x7FC] =	sst s8  }
0x10d: {  	s26 =	sadd.s32 $0x14100, s3;
	s1 =	sadd.s32 $0x1C000, s3;
	[smem:$0x7D2] =	sst s7  }
0x10e: {  	s5 =	sadd.s32 $0x1C180, s3;
	s9 =	simm.s32 $0x8380;
	[smem:$0x7F3] =	sst s19  }
0x10f: {  	s11 =	simm.s32 $0x800;
	s13 =	simm.s32 $0xC00;
	[smem:$0x7F5] =	sst s21  }
0x110: {  	s15 =	simm.s32 $0x1000;
	s7 =	sadd.s32 $0x4180, s3;
	[smem:$0x7F8] =	sst s23  }
0x111: {  	s19 =	sadd.s32 $0x10000, s3;
	s21 =	sadd.s32 $0x10100, s3;
	[smem:$0x7FA] =	sst s25  }
0x112: {  	s23 =	sadd.s32 $0x14000, s3;
	s25 =	sadd.s32 $0x1C080, s3;
	[smem:$0x7FD] =	sst s9  }
0x113: {  	[smem:$0x7E7] =	sst s7;
	s7 =	smax.u32 s4, $0x1;
	s4 =	sadd.s32 $0x1C100, s3  }
.LBB2_1:
0x114: {  	[smem:$0x70A] =	sst s7  }
0x115: {  	s8 =	rddreg [dreg:$0x5];
	s9 =	simm.s32 $0x3  }
0x116: {  	[tilespmem:s2], [sflag:$0x3] =	stream.linear.gather [hbm4b:s8+s2], $0x200, $0x38;
	[tilespmem:$0x8400] =	vst v63  }
0x117: {  	_ =	swait.ge [sflag:s9], $0x200  }
0x118: {  	[sflag:s9] =	ssyncset.done $0x0  }
0x119: {  	[sflag:s9] =	ssyncadd.s32 $0xFFFFFE00  }
0x11a: {  	v0 =	vld [tilespmem:$0x0]  }
0x11b: {  	v1 =	vld [tilespmem:$0x10]  }
0x11c: {  	v2 =	vld [tilespmem:$0x20]  }
0x11d: {  	v3 =	vld [tilespmem:$0x30]  }
0x11e: {  	v4 =	vld [tilespmem:$0x40]  }
0x11f: {  	v6 =	vld [tilespmem:$0x50];
	v5 =	vshrl.u32 v0, $0x7  }
0x120: {  	v8 =	vld [tilespmem:$0x60];
	v7 =	vshrl.u32 v1, $0x7;
	v5 =	vmul.u32 $0x380, v5  }
0x121: {  	v10 =	vld [tilespmem:$0x70];
	v9 =	vshrl.u32 v2, $0x7;
	v7 =	vmul.u32 $0x380, v7  }
0x122: {  	v11 =	vld [tilespmem:$0x80];
	v56 =	vshrl.u32 v3, $0x7;
	v55 =	vmul.u32 $0x380, v9;
	v0 =	vadd.s32 v0, v5  }
0x123: {  	v60 =	vld [tilespmem:$0x90];
	v59 =	vshrl.u32 v4, $0x7;
	v58 =	vmul.u32 $0x380, v56;
	v57 =	vadd.s32 v1, v7;
	[tilespmem:$0x200] =	vst v0  }
0x124: {  	v12 =	vld [tilespmem:$0xA0];
	v63 =	vshrl.u32 v6, $0x7;
	v62 =	vmul.u32 $0x380, v59;
	v61 =	vadd.s32 v2, v55;
	[tilespmem:$0x210] =	vst v57  }
0x125: {  	v16 =	vld [tilespmem:$0xB0];
	v15 =	vshrl.u32 v8, $0x7;
	v14 =	vmul.u32 $0x380, v63;
	v13 =	vadd.s32 v3, v58;
	[tilespmem:$0x220] =	vst v61  }
0x126: {  	v20 =	vld [tilespmem:$0xC0];
	v19 =	vshrl.u32 v10, $0x7;
	v18 =	vmul.u32 $0x380, v15;
	v17 =	vadd.s32 v4, v62;
	[tilespmem:$0x230] =	vst v13  }
0x127: {  	v24 =	vld [tilespmem:$0xD0];
	v23 =	vshrl.u32 v11, $0x7;
	v22 =	vmul.u32 $0x380, v19;
	v21 =	vadd.s32 v6, v14;
	[tilespmem:$0x240] =	vst v17  }
0x128: {  	v28 =	vld [tilespmem:$0xE0];
	v27 =	vshrl.u32 v60, $0x7;
	v26 =	vmul.u32 $0x380, v23;
	v25 =	vadd.s32 v8, v18;
	[tilespmem:$0x250] =	vst v21  }
0x129: {  	v32 =	vld [tilespmem:$0xF0];
	v31 =	vshrl.u32 v12, $0x7;
	v30 =	vmul.u32 $0x380, v27;
	v29 =	vadd.s32 v10, v22;
	[tilespmem:$0x260] =	vst v25  }
0x12a: {  	v40 =	vld [tilespmem:$0x110];
	v35 =	vshrl.u32 v16, $0x7;
	v34 =	vmul.u32 $0x380, v31;
	v33 =	vadd.s32 v11, v26;
	[tilespmem:$0x270] =	vst v29  }
0x12b: {  	v44 =	vld [tilespmem:$0x120];
	v39 =	vshrl.u32 v20, $0x7;
	v38 =	vmul.u32 $0x380, v35;
	v37 =	vadd.s32 v60, v30;
	[tilespmem:$0x280] =	vst v33  }
0x12c: {  	v48 =	vld [tilespmem:$0x130];
	v43 =	vshrl.u32 v24, $0x7;
	v42 =	vmul.u32 $0x380, v39;
	v41 =	vadd.s32 v12, v34;
	[tilespmem:$0x290] =	vst v37  }
0x12d: {  	v52 =	vld [tilespmem:$0x140];
	v47 =	vshrl.u32 v28, $0x7;
	v46 =	vmul.u32 $0x380, v43;
	v45 =	vadd.s32 v16, v38;
	[tilespmem:$0x2A0] =	vst v41  }
0x12e: {  	v36 =	vld [tilespmem:$0x100];
	v51 =	vshrl.u32 v32, $0x7;
	v50 =	vmul.u32 $0x380, v47;
	v49 =	vadd.s32 v20, v42;
	[tilespmem:$0x2B0] =	vst v45  }
0x12f: {  	v54 =	vmul.u32 $0x380, v51;
	v56 =	vld [tilespmem:$0x150];
	v59 =	vshrl.u32 v40, $0x7;
	v53 =	vadd.s32 v24, v46;
	[tilespmem:$0x2C0] =	vst v49  }
0x130: {  	v63 =	vshrl.u32 v44, $0x7;
	v60 =	vld [tilespmem:$0x160];
	v62 =	vmul.u32 $0x380, v59;
	[tilespmem:$0x2D0] =	vst v53;
	v57 =	vadd.s32 v28, v50  }
0x131: {  	v15 =	vshrl.u32 v48, $0x7;
	v12 =	vld [tilespmem:$0x170];
	v14 =	vmul.u32 $0x380, v63;
	v61 =	vadd.s32 v32, v54;
	[tilespmem:$0x2E0] =	vst v57  }
0x132: {  	v19 =	vshrl.u32 v52, $0x7;
	v16 =	vld [tilespmem:$0x180];
	v18 =	vmul.u32 $0x380, v15;
	[tilespmem:$0x2F0] =	vst v61;
	v17 =	vadd.s32 v40, v62  }
0x133: {  	v55 =	vshrl.u32 v36, $0x7;
	v20 =	vld [tilespmem:$0x190];
	v22 =	vmul.u32 $0x380, v19;
	v21 =	vadd.s32 v44, v14;
	[tilespmem:$0x310] =	vst v17  }
0x134: {  	v24 =	vld [tilespmem:$0x1A0];
	v58 =	vmul.u32 $0x380, v55;
	v25 =	vadd.s32 v48, v18;
	v23 =	vshrl.u32 v56, $0x7;
	[tilespmem:$0x320] =	vst v21  }
0x135: {  	v28 =	vld [tilespmem:$0x1B0];
	v29 =	vadd.s32 v52, v22;
	[tilespmem:$0x330] =	vst v25;
	v26 =	vmul.u32 $0x380, v23;
	v27 =	vshrl.u32 v60, $0x7  }
0x136: {  	v32 =	vld [tilespmem:$0x1C0];
	v13 =	vadd.s32 v36, v58;
	[tilespmem:$0x340] =	vst v29;
	v31 =	vshrl.u32 v12, $0x7;
	v30 =	vmul.u32 $0x380, v27  }
0x137: {  	v40 =	vld [tilespmem:$0x1E0];
	[tilespmem:$0x300] =	vst v13;
	v35 =	vshrl.u32 v16, $0x7;
	v33 =	vadd.s32 v56, v26;
	v34 =	vmul.u32 $0x380, v31  }
0x138: {  	v44 =	vld [tilespmem:$0x1F0];
	v39 =	vshrl.u32 v20, $0x7;
	v38 =	vmul.u32 $0x380, v35;
	[tilespmem:$0x350] =	vst v33;
	v37 =	vadd.s32 v60, v30  }
0x139: {  	v36 =	vld [tilespmem:$0x1D0];
	v43 =	vshrl.u32 v24, $0x7;
	v42 =	vmul.u32 $0x380, v39;
	v41 =	vadd.s32 v12, v34;
	[tilespmem:$0x360] =	vst v37  }
0x13a: {  	v46 =	vmul.u32 $0x380, v43;
	v47 =	vshrl.u32 v28, $0x7;
	v45 =	vadd.s32 v16, v38;
	[tilespmem:$0x370] =	vst v41  }
0x13b: {  	v50 =	vshrl.u32 v32, $0x7;
	v49 =	vmul.u32 $0x380, v47;
	v48 =	vadd.s32 v20, v42;
	[tilespmem:$0x380] =	vst v45  }
0x13c: {  	v52 =	vmul.u32 $0x380, v50;
	v56 =	vshrl.u32 v40, $0x7;
	v51 =	vadd.s32 v24, v46;
	[tilespmem:$0x390] =	vst v48  }
0x13d: {  	v59 =	vshrl.u32 v44, $0x7;
	v58 =	vmul.u32 $0x380, v56;
	[tilespmem:$0x3A0] =	vst v51;
	v54 =	vadd.s32 v28, v49  }
0x13e: {  	v53 =	vshrl.u32 v36, $0x7;
	v61 =	vmul.u32 $0x380, v59;
	v57 =	vadd.s32 v32, v52;
	[tilespmem:$0x3B0] =	vst v54  }
0x13f: {  	v55 =	vmul.u32 $0x380, v53;
	[tilespmem:$0x3C0] =	vst v57;
	v62 =	vadd.s32 v40, v58  }
0x140: {  	v63 =	vadd.s32 v44, v61;
	[tilespmem:$0x3E0] =	vst v62  }
0x141: {  	s10 =	rddreg [dreg:$0x4];
	v60 =	vadd.s32 v36, v55;
	[tilespmem:$0x3F0] =	vst v63  }
0x142: {  	s8 =	rddreg [dreg:$0x6];
	s9 =	simm.s32 $0x400;
	[tilespmem:$0x3D0] =	vst v60  }
0x143: {  	[tilespmem:s9], [sflag:$0x1] =	stream.indirect.gather [hbm4b:s10+s6], $0x1, s6, s6, $0xb8;
	[tilespmem:$0x8400] =	vst v63  }
0x144: {  	s7 =	rddreg [dreg:$0x7];
	s10 =	simm.s32 $0x600  }
0x145: {  	[tilespmem:s10], [sflag:$0x1] =	stream.indirect.gather [hbm4b:s8+s6], $0x1, s6, s6, $0xb8;
	[tilespmem:$0x8400] =	vst v63  }
0x146: {  	s17 =	rddreg [dreg:$0x8]  }
0x147: {  	[tilespmem:s11], [sflag:$0x1] =	stream.indirect.gather [hbm4b:s7+s6], $0x1, s6, s6, $0xb8;
	[tilespmem:$0x8400] =	vst v63  }
0x148: {  	s8 =	rddreg [dreg:$0xe]  }
0x149: {  	[tilespmem:s12], [sflag:$0x1] =	stream.indirect.gather [hbm4b:s17+s6], $0x1, s6, s6, $0xb8;
	[tilespmem:$0x8400] =	vst v63  }
0x14a: {  	s7 =	rddreg [dreg:$0x9]  }
0x14b: {  	[tilespmem:s13], [sflag:$0x1] =	stream.indirect.gather [hbm4b:s7+s6], $0x1, s6, s6, $0xb8;
	[tilespmem:$0x8400] =	vst v63  }
0x14c: {  	s17 =	rddreg [dreg:$0xa]  }
0x14d: {  	[tilespmem:s14], [sflag:$0x1] =	stream.indirect.gather [hbm4b:s17+s6], $0x1, s6, s6, $0xb8;
	[tilespmem:$0x8400] =	vst v63  }
0x14e: {  	s7 =	rddreg [dreg:$0xb]  }
0x14f: {  	[tilespmem:s15], [sflag:$0x1] =	stream.indirect.gather [hbm4b:s7+s6], $0x1, s6, s6, $0xb8;
	[tilespmem:$0x8400] =	vst v63  }
0x150: {  	s17 =	rddreg [dreg:$0xc]  }
0x151: {  	[tilespmem:s16], [sflag:$0x1] =	stream.indirect.gather [hbm4b:s17+s6], $0x1, s6, s6, $0xb8;
	[tilespmem:$0x8400] =	vst v63  }
0x152: {  	s7 =	rddreg [dreg:$0xd];
	s17 =	simm.s32 $0x1400  }
0x153: {  	[tilespmem:s17], [sflag:$0x1] =	stream.indirect.gather [hbm4b:s7+s6], $0x1, s6, s6, $0xb8;
	[tilespmem:$0x8400] =	vst v63  }
0x154: {  	s7 =	rddreg [dreg:$0xf];
	s17 =	simm.s32 $0x1600  }
0x155: {  	[tilespmem:s17], [sflag:$0x1] =	stream.indirect.gather [hbm4b:s8+s6], $0x1, s6, s6, $0xb8;
	[tilespmem:$0x8400] =	vst v63  }
0x156: {  	s8 =	rddreg [dreg:$0x10];
	s17 =	simm.s32 $0x1800  }
0x157: {  	[tilespmem:s17], [sflag:$0x1] =	stream.indirect.gather [hbm4b:s7+s6], $0x1, s6, s6, $0xb8;
	[tilespmem:$0x8400] =	vst v63  }
0x158: {  	s7 =	rddreg [dreg:$0x11];
	s17 =	simm.s32 $0x1A00  }
0x159: {  	[tilespmem:s17], [sflag:$0x1] =	stream.indirect.gather [hbm4b:s8+s6], $0x1, s6, s6, $0xb8;
	[tilespmem:$0x8400] =	vst v63  }
0x15a: {  	s8 =	rddreg [dreg:$0x12];
	s17 =	simm.s32 $0x1C00  }
0x15b: {  	[tilespmem:s17], [sflag:$0x1] =	stream.indirect.gather [hbm4b:s7+s6], $0x1, s6, s6, $0xb8;
	[tilespmem:$0x8400] =	vst v63  }
0x15c: {  	s7 =	rddreg [dreg:$0x13];
	s17 =	simm.s32 $0x1E00  }
0x15d: {  	[tilespmem:s17], [sflag:$0x1] =	stream.indirect.gather [hbm4b:s8+s6], $0x1, s6, s6, $0xb8;
	[tilespmem:$0x8400] =	vst v63  }
0x15e: {  	s8 =	rddreg [dreg:$0x14];
	s17 =	simm.s32 $0x2000  }
0x15f: {  	[tilespmem:s17], [sflag:$0x1] =	stream.indirect.gather [hbm4b:s7+s6], $0x1, s6, s6, $0xb8;
	[tilespmem:$0x8400] =	vst v63  }
0x160: {  	s7 =	rddreg [dreg:$0x15];
	s17 =	simm.s32 $0x2200  }
0x161: {  	[tilespmem:s17], [sflag:$0x1] =	stream.indirect.gather [hbm4b:s8+s6], $0x1, s6, s6, $0xb8;
	[tilespmem:$0x8400] =	vst v63  }
0x162: {  	s8 =	rddreg [dreg:$0x16];
	s17 =	simm.s32 $0x2400  }
0x163: {  	[tilespmem:s17], [sflag:$0x1] =	stream.indirect.gather [hbm4b:s7+s6], $0x1, s6, s6, $0xb8;
	[tilespmem:$0x8400] =	vst v63  }
0x164: {  	s7 =	rddreg [dreg:$0x17];
	s17 =	simm.s32 $0x2600  }
0x165: {  	[tilespmem:s17], [sflag:$0x1] =	stream.indirect.gather [hbm4b:s8+s6], $0x1, s6, s6, $0xb8;
	[tilespmem:$0x8400] =	vst v63  }
0x166: {  	s8 =	rddreg [dreg:$0x18];
	s17 =	simm.s32 $0x2800  }
0x167: {  	[tilespmem:s17], [sflag:$0x1] =	stream.indirect.gather [hbm4b:s7+s6], $0x1, s6, s6, $0xb8;
	[tilespmem:$0x8400] =	vst v63  }
0x168: {  	s7 =	rddreg [dreg:$0x19];
	s17 =	simm.s32 $0x2A00  }
0x169: {  	[tilespmem:s17], [sflag:$0x1] =	stream.indirect.gather [hbm4b:s8+s6], $0x1, s6, s6, $0xb8;
	[tilespmem:$0x8400] =	vst v63  }
0x16a: {  	s8 =	rddreg [dreg:$0x1a];
	s17 =	simm.s32 $0x2C00  }
0x16b: {  	[tilespmem:s17], [sflag:$0x1] =	stream.indirect.gather [hbm4b:s7+s6], $0x1, s6, s6, $0xb8;
	[tilespmem:$0x8400] =	vst v63  }
0x16c: {  	s7 =	rddreg [dreg:$0x1b];
	s17 =	simm.s32 $0x2E00  }
0x16d: {  	[tilespmem:s17], [sflag:$0x1] =	stream.indirect.gather [hbm4b:s8+s6], $0x1, s6, s6, $0xb8;
	[tilespmem:$0x8400] =	vst v63  }
0x16e: {  	s8 =	rddreg [dreg:$0x1c];
	s17 =	simm.s32 $0x3000  }
0x16f: {  	[tilespmem:s17], [sflag:$0x1] =	stream.indirect.gather [hbm4b:s7+s6], $0x1, s6, s6, $0xb8;
	[tilespmem:$0x8400] =	vst v63  }
0x170: {  	s7 =	rddreg [dreg:$0x1d];
	s17 =	simm.s32 $0x3200  }
0x171: {  	[tilespmem:s17], [sflag:$0x1] =	stream.indirect.gather [hbm4b:s8+s6], $0x1, s6, s6, $0xb8;
	[tilespmem:$0x8400] =	vst v63  }
0x172: {  	s8 =	rddreg [dreg:$0x1e];
	s17 =	simm.s32 $0x3400  }
0x173: {  	[tilespmem:s17], [sflag:$0x1] =	stream.indirect.gather [hbm4b:s7+s6], $0x1, s6, s6, $0xb8;
	[tilespmem:$0x8400] =	vst v63  }
0x174: {  	s7 =	rddreg [dreg:$0x1f];
	s17 =	simm.s32 $0x3600  }
0x175: {  	[tilespmem:s17], [sflag:$0x1] =	stream.indirect.gather [hbm4b:s8+s6], $0x1, s6, s6, $0xb8;
	[tilespmem:$0x8400] =	vst v63  }
0x176: {  	s8 =	sld [smem:$0x70B];
	s17 =	simm.s32 $0x3800  }
0x177: {  	[tilespmem:s17], [sflag:$0x1] =	stream.indirect.gather [hbm4b:s7+s6], $0x1, s6, s6, $0xb8;
	[tilespmem:$0x8400] =	vst v63  }
0x178: {  	s7 =	sld [smem:$0x70C];
	s17 =	simm.s32 $0x3A00  }
0x179: {  	[tilespmem:s17], [sflag:$0x1] =	stream.indirect.gather [hbm4b:s8+s6], $0x1, s6, s6, $0xb8;
	[tilespmem:$0x8400] =	vst v63  }
0x17a: {  	s8 =	sld [smem:$0x70D];
	s17 =	simm.s32 $0x3C00  }
0x17b: {  	[tilespmem:s17], [sflag:$0x1] =	stream.indirect.gather [hbm4b:s7+s6], $0x1, s6, s6, $0xb8;
	[tilespmem:$0x8400] =	vst v63  }
0x17c: {  	s7 =	sld [smem:$0x70E];
	s17 =	simm.s32 $0x3E00  }
0x17d: {  	[tilespmem:s17], [sflag:$0x1] =	stream.indirect.gather [hbm4b:s8+s6], $0x1, s6, s6, $0xb8;
	[tilespmem:$0x8400] =	vst v63  }
0x17e: {  	s8 =	sld [smem:$0x70F];
	s17 =	simm.s32 $0x4000  }
0x17f: {  	[tilespmem:s17], [sflag:$0x1] =	stream.indirect.gather [hbm4b:s7+s6], $0x1, s6, s6, $0xb8;
	[tilespmem:$0x8400] =	vst v63  }
0x180: {  	s7 =	sld [smem:$0x710];
	s17 =	simm.s32 $0x4200  }
0x181: {  	[tilespmem:s17], [sflag:$0x1] =	stream.indirect.gather [hbm4b:s8+s6], $0x1, s6, s6, $0xb8;
	[tilespmem:$0x8400] =	vst v63  }
0x182: {  	s8 =	sld [smem:$0x711];
	s17 =	simm.s32 $0x4400  }
0x183: {  	[tilespmem:s17], [sflag:$0x1] =	stream.indirect.gather [hbm4b:s7+s6], $0x1, s6, s6, $0xb8;
	[tilespmem:$0x8400] =	vst v63  }
0x184: {  	s7 =	sld [smem:$0x712];
	s17 =	simm.s32 $0x4600  }
0x185: {  	[tilespmem:s17], [sflag:$0x1] =	stream.indirect.gather [hbm4b:s8+s6], $0x1, s6, s6, $0xb8;
	[tilespmem:$0x8400] =	vst v63  }
0x186: {  	s8 =	sld [smem:$0x713];
	s17 =	simm.s32 $0x4800  }
0x187: {  	[tilespmem:s17], [sflag:$0x1] =	stream.indirect.gather [hbm4b:s7+s6], $0x1, s6, s6, $0xb8;
	[tilespmem:$0x8400] =	vst v63  }
0x188: {  	s7 =	sld [smem:$0x714];
	s17 =	simm.s32 $0x4A00  }
0x189: {  	[tilespmem:s17], [sflag:$0x1] =	stream.indirect.gather [hbm4b:s8+s6], $0x1, s6, s6, $0xb8;
	[tilespmem:$0x8400] =	vst v63  }
0x18a: {  	s8 =	sld [smem:$0x715];
	s17 =	simm.s32 $0x4C00  }
0x18b: {  	[tilespmem:s17], [sflag:$0x1] =	stream.indirect.gather [hbm4b:s7+s6], $0x1, s6, s6, $0xb8;
	[tilespmem:$0x8400] =	vst v63  }
0x18c: {  	s7 =	sld [smem:$0x716];
	s17 =	simm.s32 $0x4E00  }
0x18d: {  	[tilespmem:s17], [sflag:$0x1] =	stream.indirect.gather [hbm4b:s8+s6], $0x1, s6, s6, $0xb8;
	[tilespmem:$0x8400] =	vst v63  }
0x18e: {  	s8 =	sld [smem:$0x717];
	s17 =	simm.s32 $0x5000  }
0x18f: {  	[tilespmem:s17], [sflag:$0x1] =	stream.indirect.gather [hbm4b:s7+s6], $0x1, s6, s6, $0xb8;
	[tilespmem:$0x8400] =	vst v63  }
0x190: {  	s17 =	simm.s32 $0x5200;
	s7 =	sld [smem:$0x718]  }
0x191: {  	[tilespmem:s17], [sflag:$0x1] =	stream.indirect.gather [hbm4b:s8+s6], $0x1, s6, s6, $0xb8;
	[tilespmem:$0x8400] =	vst v63  }
0x192: {  	s8 =	sld [smem:$0x719];
	s17 =	simm.s32 $0x5400  }
0x193: {  	[tilespmem:s17], [sflag:$0x1] =	stream.indirect.gather [hbm4b:s7+s6], $0x1, s6, s6, $0xb8;
	[tilespmem:$0x8400] =	vst v63  }
0x194: {  	s7 =	sld [smem:$0x71A];
	s17 =	simm.s32 $0x5600  }
0x195: {  	[tilespmem:s17], [sflag:$0x1] =	stream.indirect.gather [hbm4b:s8+s6], $0x1, s6, s6, $0xb8;
	[tilespmem:$0x8400] =	vst v63  }
0x196: {  	s8 =	sld [smem:$0x71B];
	s17 =	simm.s32 $0x5800  }
0x197: {  	[tilespmem:s17], [sflag:$0x1] =	stream.indirect.gather [hbm4b:s7+s6], $0x1, s6, s6, $0xb8;
	[tilespmem:$0x8400] =	vst v63  }
0x198: {  	s7 =	sld [smem:$0x71C];
	s17 =	simm.s32 $0x5A00  }
0x199: {  	[tilespmem:s17], [sflag:$0x1] =	stream.indirect.gather [hbm4b:s8+s6], $0x1, s6, s6, $0xb8;
	[tilespmem:$0x8400] =	vst v63  }
0x19a: {  	s8 =	sld [smem:$0x71D];
	s17 =	simm.s32 $0x5C00  }
0x19b: {  	[tilespmem:s17], [sflag:$0x1] =	stream.indirect.gather [hbm4b:s7+s6], $0x1, s6, s6, $0xb8;
	[tilespmem:$0x8400] =	vst v63  }
0x19c: {  	s7 =	sld [smem:$0x71E];
	s17 =	simm.s32 $0x5E00  }
0x19d: {  	[tilespmem:s17], [sflag:$0x1] =	stream.indirect.gather [hbm4b:s8+s6], $0x1, s6, s6, $0xb8;
	[tilespmem:$0x8400] =	vst v63  }
0x19e: {  	s8 =	sld [smem:$0x71F];
	s17 =	simm.s32 $0x6000  }
0x19f: {  	[tilespmem:s17], [sflag:$0x1] =	stream.indirect.gather [hbm4b:s7+s6], $0x1, s6, s6, $0xb8;
	[tilespmem:$0x8400] =	vst v63  }
0x1a0: {  	s17 =	simm.s32 $0x6200;
	s7 =	sld [smem:$0x720]  }
0x1a1: {  	[tilespmem:s17], [sflag:$0x1] =	stream.indirect.gather [hbm4b:s8+s6], $0x1, s6, s6, $0xb8;
	[tilespmem:$0x8400] =	vst v63  }
0x1a2: {  	s17 =	simm.s32 $0x6400;
	s8 =	sld [smem:$0x721]  }
0x1a3: {  	[tilespmem:s17], [sflag:$0x1] =	stream.indirect.gather [hbm4b:s7+s6], $0x1, s6, s6, $0xb8;
	[tilespmem:$0x8400] =	vst v63  }
0x1a4: {  	s7 =	sld [smem:$0x722];
	s17 =	simm.s32 $0x6600  }
0x1a5: {  	[tilespmem:s17], [sflag:$0x1] =	stream.indirect.gather [hbm4b:s8+s6], $0x1, s6, s6, $0xb8;
	[tilespmem:$0x8400] =	vst v63  }
0x1a6: {  	s8 =	sld [smem:$0x723];
	s17 =	simm.s32 $0x6800  }
0x1a7: {  	[tilespmem:s17], [sflag:$0x1] =	stream.indirect.gather [hbm4b:s7+s6], $0x1, s6, s6, $0xb8;
	[tilespmem:$0x8400] =	vst v63  }
0x1a8: {  	s7 =	sld [smem:$0x724];
	s17 =	simm.s32 $0x6A00  }
0x1a9: {  	[tilespmem:s17], [sflag:$0x1] =	stream.indirect.gather [hbm4b:s8+s6], $0x1, s6, s6, $0xb8;
	[tilespmem:$0x8400] =	vst v63  }
0x1aa: {  	s8 =	sld [smem:$0x725];
	s17 =	simm.s32 $0x6C00  }
0x1ab: {  	[tilespmem:s17], [sflag:$0x1] =	stream.indirect.gather [hbm4b:s7+s6], $0x1, s6, s6, $0xb8;
	[tilespmem:$0x8400] =	vst v63  }
0x1ac: {  	s7 =	sld [smem:$0x726];
	s17 =	simm.s32 $0x6E00  }
0x1ad: {  	[tilespmem:s17], [sflag:$0x1] =	stream.indirect.gather [hbm4b:s8+s6], $0x1, s6, s6, $0xb8;
	[tilespmem:$0x8400] =	vst v63  }
0x1ae: {  	s8 =	sld [smem:$0x727];
	s17 =	simm.s32 $0x7000  }
0x1af: {  	[tilespmem:s17], [sflag:$0x1] =	stream.indirect.gather [hbm4b:s7+s6], $0x1, s6, s6, $0xb8;
	[tilespmem:$0x8400] =	vst v63  }
0x1b0: {  	s7 =	sld [smem:$0x728];
	s17 =	simm.s32 $0x7200  }
0x1b1: {  	[tilespmem:s17], [sflag:$0x1] =	stream.indirect.gather [hbm4b:s8+s6], $0x1, s6, s6, $0xb8;
	[tilespmem:$0x8400] =	vst v63  }
0x1b2: {  	s8 =	sld [smem:$0x729];
	s17 =	simm.s32 $0x7400  }
0x1b3: {  	[tilespmem:s17], [sflag:$0x1] =	stream.indirect.gather [hbm4b:s7+s6], $0x1, s6, s6, $0xb8;
	[tilespmem:$0x8400] =	vst v63  }
0x1b4: {  	s7 =	sld [smem:$0x72A];
	s17 =	simm.s32 $0x7600  }
0x1b5: {  	[tilespmem:s17], [sflag:$0x1] =	stream.indirect.gather [hbm4b:s8+s6], $0x1, s6, s6, $0xb8;
	[tilespmem:$0x8400] =	vst v63  }
0x1b6: {  	s8 =	sld [smem:$0x72B];
	s17 =	simm.s32 $0x7800  }
0x1b7: {  	[tilespmem:s17], [sflag:$0x1] =	stream.indirect.gather [hbm4b:s7+s6], $0x1, s6, s6, $0xb8;
	[tilespmem:$0x8400] =	vst v63  }
0x1b8: {  	s7 =	sld [smem:$0x72C];
	s17 =	simm.s32 $0x7A00  }
0x1b9: {  	[tilespmem:s17], [sflag:$0x1] =	stream.indirect.gather [hbm4b:s8+s6], $0x1, s6, s6, $0xb8;
	[tilespmem:$0x8400] =	vst v63  }
0x1ba: {  	s8 =	sld [smem:$0x72D];
	s17 =	simm.s32 $0x7C00  }
0x1bb: {  	[tilespmem:s17], [sflag:$0x1] =	stream.indirect.gather [hbm4b:s7+s6], $0x1, s6, s6, $0xb8;
	[tilespmem:$0x8400] =	vst v63  }
0x1bc: {  	s7 =	sld [smem:$0x72E];
	s17 =	simm.s32 $0x7E00  }
0x1bd: {  	[tilespmem:s17], [sflag:$0x1] =	stream.indirect.gather [hbm4b:s8+s6], $0x1, s6, s6, $0xb8;
	[tilespmem:$0x8400] =	vst v63  }
0x1be: {  	s8 =	sld [smem:$0x72F];
	s17 =	simm.s32 $0x8000  }
0x1bf: {  	[tilespmem:s17], [sflag:$0x1] =	stream.indirect.gather [hbm4b:s7+s6], $0x1, s6, s6, $0xb8;
	[tilespmem:$0x8400] =	vst v63  }
0x1c0: {  	s7 =	simm.s32 $0x8200  }
0x1c1: {  	[tilespmem:s7], [sflag:$0x1] =	stream.indirect.gather [hbm4b:s8+s6], $0x1, s6, s6, $0xb8;
	[tilespmem:$0x8400] =	vst v63  }
0x1c2: {  	s8 =	simm.s32 $0x1  }
0x1c3: {  	_ =	swait.ge [sflag:s8], $0x8000  }
0x1c4: {  	[sflag:s8] =	ssyncset.done $0x0  }
0x1c5: {  	[sflag:s8] =	ssyncadd.s32 $0xFFFF8000  }
0x1c6: {  	[hbm4b:s3+s2] =	stream.linear.scatter [tilespmem:s9], [sflag:$0x2], $0x80, $0x38;
	[tilespmem:$0x8400] =	vst v63  }
0x1c7: {  	s8 =	sadd.s32 $0x10, s3  }
0x1c8: {  	[hbm4b:s8+s2] =	stream.linear.scatter [tilespmem:s10], [sflag:$0x2], $0x80, $0x38;
	[tilespmem:$0x8400] =	vst v63  }
0x1c9: {  	s9 =	sadd.s32 $0x20, s3  }
0x1ca: {  	[hbm4b:s9+s2] =	stream.linear.scatter [tilespmem:s11], [sflag:$0x2], $0x80, $0x38;
	[tilespmem:$0x8400] =	vst v63  }
0x1cb: {  	s10 =	sadd.s32 $0x30, s3  }
0x1cc: {  	[hbm4b:s10+s2] =	stream.linear.scatter [tilespmem:s12], [sflag:$0x2], $0x80, $0x38;
	[tilespmem:$0x8400] =	vst v63  }
0x1cd: {  	s8 =	sadd.s32 $0x40, s3  }
0x1ce: {  	[hbm4b:s8+s2] =	stream.linear.scatter [tilespmem:s13], [sflag:$0x2], $0x80, $0x38;
	[tilespmem:$0x8400] =	vst v63  }
0x1cf: {  	s9 =	sadd.s32 $0x50, s3  }
0x1d0: {  	[hbm4b:s9+s2] =	stream.linear.scatter [tilespmem:s14], [sflag:$0x2], $0x80, $0x38;
	[tilespmem:$0x8400] =	vst v63  }
0x1d1: {  	s10 =	sadd.s32 $0x60, s3;
	s9 =	sld [smem:$0x730]  }
0x1d2: {  	[hbm4b:s10+s2] =	stream.linear.scatter [tilespmem:s15], [sflag:$0x2], $0x80, $0x38;
	[tilespmem:$0x8400] =	vst v63  }
0x1d3: {  	s8 =	sadd.s32 $0x70, s3;
	s10 =	sld [smem:$0x7DB]  }
0x1d4: {  	[hbm4b:s8+s2] =	stream.linear.scatter [tilespmem:s16], [sflag:$0x2], $0x80, $0x38;
	[tilespmem:$0x8400] =	vst v63  }
0x1d5: {  	s7 =	sld [smem:$0x731]  }
0x1d6: {  	[hbm4b:s10+s2] =	stream.linear.scatter [tilespmem:s9], [sflag:$0x2], $0x80, $0x38;
	[tilespmem:$0x8400] =	vst v63  }
0x1d7: {  	s8 =	sadd.s32 $0x10, s10;
	s9 =	sld [smem:$0x732]  }
0x1d8: {  	[hbm4b:s8+s2] =	stream.linear.scatter [tilespmem:s7], [sflag:$0x2], $0x80, $0x38;
	[tilespmem:$0x8400] =	vst v63  }
0x1d9: {  	s7 =	sadd.s32 $0x20, s10;
	s8 =	sld [smem:$0x733]  }
0x1da: {  	[hbm4b:s7+s2] =	stream.linear.scatter [tilespmem:s9], [sflag:$0x2], $0x80, $0x38;
	[tilespmem:$0x8400] =	vst v63  }
0x1db: {  	s7 =	sadd.s32 $0x30, s10;
	s9 =	sld [smem:$0x734]  }
0x1dc: {  	[hbm4b:s7+s2] =	stream.linear.scatter [tilespmem:s8], [sflag:$0x2], $0x80, $0x38;
	[tilespmem:$0x8400] =	vst v63  }
0x1dd: {  	s7 =	sadd.s32 $0x40, s10;
	s8 =	sld [smem:$0x735]  }
0x1de: {  	[hbm4b:s7+s2] =	stream.linear.scatter [tilespmem:s9], [sflag:$0x2], $0x80, $0x38;
	[tilespmem:$0x8400] =	vst v63  }
0x1df: {  	s7 =	sadd.s32 $0x50, s10;
	s9 =	sld [smem:$0x736]  }
0x1e0: {  	[hbm4b:s7+s2] =	stream.linear.scatter [tilespmem:s8], [sflag:$0x2], $0x80, $0x38;
	[tilespmem:$0x8400] =	vst v63  }
0x1e1: {  	s7 =	sadd.s32 $0x60, s10;
	s8 =	sld [smem:$0x737]  }
0x1e2: {  	[hbm4b:s7+s2] =	stream.linear.scatter [tilespmem:s9], [sflag:$0x2], $0x80, $0x38;
	[tilespmem:$0x8400] =	vst v63  }
0x1e3: {  	s10 =	sadd.s32 $0x70, s10;
	s9 =	sld [smem:$0x738]  }
0x1e4: {  	[hbm4b:s10+s2] =	stream.linear.scatter [tilespmem:s8], [sflag:$0x2], $0x80, $0x38;
	[tilespmem:$0x8400] =	vst v63  }
0x1e5: {  	s10 =	sld [smem:$0x7DD];
	_ =	sdelay $0x1  }
0x1e6: {  	s7 =	sld [smem:$0x739]  }
0x1e7: {  	[hbm4b:s10+s2] =	stream.linear.scatter [tilespmem:s9], [sflag:$0x2], $0x80, $0x38;
	[tilespmem:$0x8400] =	vst v63  }
0x1e8: {  	s8 =	sadd.s32 $0x10, s10;
	s9 =	sld [smem:$0x73A]  }
0x1e9: {  	[hbm4b:s8+s2] =	stream.linear.scatter [tilespmem:s7], [sflag:$0x2], $0x80, $0x38;
	[tilespmem:$0x8400] =	vst v63  }
0x1ea: {  	s7 =	sadd.s32 $0x20, s10;
	s8 =	sld [smem:$0x73B]  }
0x1eb: {  	[hbm4b:s7+s2] =	stream.linear.scatter [tilespmem:s9], [sflag:$0x2], $0x80, $0x38;
	[tilespmem:$0x8400] =	vst v63  }
0x1ec: {  	s7 =	sadd.s32 $0x30, s10;
	s9 =	sld [smem:$0x73C]  }
0x1ed: {  	[hbm4b:s7+s2] =	stream.linear.scatter [tilespmem:s8], [sflag:$0x2], $0x80, $0x38;
	[tilespmem:$0x8400] =	vst v63  }
0x1ee: {  	s7 =	sadd.s32 $0x40, s10;
	s8 =	sld [smem:$0x73D]  }
0x1ef: {  	[hbm4b:s7+s2] =	stream.linear.scatter [tilespmem:s9], [sflag:$0x2], $0x80, $0x38;
	[tilespmem:$0x8400] =	vst v63  }
0x1f0: {  	s7 =	sadd.s32 $0x50, s10;
	s9 =	sld [smem:$0x73E]  }
0x1f1: {  	[hbm4b:s7+s2] =	stream.linear.scatter [tilespmem:s8], [sflag:$0x2], $0x80, $0x38;
	[tilespmem:$0x8400] =	vst v63  }
0x1f2: {  	s7 =	sadd.s32 $0x60, s10;
	s8 =	sld [smem:$0x73F]  }
0x1f3: {  	[hbm4b:s7+s2] =	stream.linear.scatter [tilespmem:s9], [sflag:$0x2], $0x80, $0x38;
	[tilespmem:$0x8400] =	vst v63  }
0x1f4: {  	s10 =	sadd.s32 $0x70, s10;
	s9 =	sld [smem:$0x740]  }
0x1f5: {  	[hbm4b:s10+s2] =	stream.linear.scatter [tilespmem:s8], [sflag:$0x2], $0x80, $0x38;
	[tilespmem:$0x8400] =	vst v63  }
0x1f6: {  	s10 =	sld [smem:$0x7DF];
	_ =	sdelay $0x1  }
0x1f7: {  	s7 =	sld [smem:$0x741]  }
0x1f8: {  	[hbm4b:s10+s2] =	stream.linear.scatter [tilespmem:s9], [sflag:$0x2], $0x80, $0x38;
	[tilespmem:$0x8400] =	vst v63  }
0x1f9: {  	s8 =	sadd.s32 $0x10, s10;
	s9 =	sld [smem:$0x742]  }
0x1fa: {  	[hbm4b:s8+s2] =	stream.linear.scatter [tilespmem:s7], [sflag:$0x2], $0x80, $0x38;
	[tilespmem:$0x8400] =	vst v63  }
0x1fb: {  	s7 =	sadd.s32 $0x20, s10;
	s8 =	sld [smem:$0x743]  }
0x1fc: {  	[hbm4b:s7+s2] =	stream.linear.scatter [tilespmem:s9], [sflag:$0x2], $0x80, $0x38;
	[tilespmem:$0x8400] =	vst v63  }
0x1fd: {  	s7 =	sadd.s32 $0x30, s10;
	s9 =	sld [smem:$0x744]  }
0x1fe: {  	[hbm4b:s7+s2] =	stream.linear.scatter [tilespmem:s8], [sflag:$0x2], $0x80, $0x38;
	[tilespmem:$0x8400] =	vst v63  }
0x1ff: {  	s7 =	sadd.s32 $0x40, s10;
	s8 =	sld [smem:$0x745]  }
0x200: {  	[hbm4b:s7+s2] =	stream.linear.scatter [tilespmem:s9], [sflag:$0x2], $0x80, $0x38;
	[tilespmem:$0x8400] =	vst v63  }
0x201: {  	s7 =	sadd.s32 $0x50, s10;
	s9 =	sld [smem:$0x746]  }
0x202: {  	[hbm4b:s7+s2] =	stream.linear.scatter [tilespmem:s8], [sflag:$0x2], $0x80, $0x38;
	[tilespmem:$0x8400] =	vst v63  }
0x203: {  	s7 =	sadd.s32 $0x60, s10;
	s8 =	sld [smem:$0x747]  }
0x204: {  	[hbm4b:s7+s2] =	stream.linear.scatter [tilespmem:s9], [sflag:$0x2], $0x80, $0x38;
	[tilespmem:$0x8400] =	vst v63  }
0x205: {  	s9 =	sadd.s32 $0x70, s10  }
0x206: {  	[hbm4b:s9+s2] =	stream.linear.scatter [tilespmem:s8], [sflag:$0x2], $0x80, $0x38;
	[tilespmem:$0x8400] =	vst v63  }
0x207: {  	s8 =	sld [smem:$0x7E1];
	_ =	sdelay $0x1  }
0x208: {  	s10 =	simm.s32 $0x1400  }
0x209: {  	[hbm4b:s8+s2] =	stream.linear.scatter [tilespmem:s10], [sflag:$0x2], $0x80, $0x38;
	[tilespmem:$0x8400] =	vst v63  }
0x20a: {  	s9 =	sadd.s32 $0x10, s8;
	s10 =	simm.s32 $0x1600  }
0x20b: {  	[hbm4b:s9+s2] =	stream.linear.scatter [tilespmem:s10], [sflag:$0x2], $0x80, $0x38;
	[tilespmem:$0x8400] =	vst v63  }
0x20c: {  	s9 =	sadd.s32 $0x20, s8;
	s10 =	simm.s32 $0x1800  }
0x20d: {  	[hbm4b:s9+s2] =	stream.linear.scatter [tilespmem:s10], [sflag:$0x2], $0x80, $0x38;
	[tilespmem:$0x8400] =	vst v63  }
0x20e: {  	s9 =	sadd.s32 $0x30, s8;
	s10 =	simm.s32 $0x1A00  }
0x20f: {  	[hbm4b:s9+s2] =	stream.linear.scatter [tilespmem:s10], [sflag:$0x2], $0x80, $0x38;
	[tilespmem:$0x8400] =	vst v63  }
0x210: {  	s9 =	sadd.s32 $0x40, s8;
	s10 =	simm.s32 $0x1C00  }
0x211: {  	[hbm4b:s9+s2] =	stream.linear.scatter [tilespmem:s10], [sflag:$0x2], $0x80, $0x38;
	[tilespmem:$0x8400] =	vst v63  }
0x212: {  	s9 =	sadd.s32 $0x50, s8;
	s10 =	simm.s32 $0x1E00  }
0x213: {  	[hbm4b:s9+s2] =	stream.linear.scatter [tilespmem:s10], [sflag:$0x2], $0x80, $0x38;
	[tilespmem:$0x8400] =	vst v63  }
0x214: {  	s9 =	sadd.s32 $0x60, s8;
	s10 =	simm.s32 $0x2000  }
0x215: {  	[hbm4b:s9+s2] =	stream.linear.scatter [tilespmem:s10], [sflag:$0x2], $0x80, $0x38;
	[tilespmem:$0x8400] =	vst v63  }
0x216: {  	s9 =	sadd.s32 $0x70, s8;
	s8 =	sld [smem:$0x748];
	s10 =	simm.s32 $0x2200  }
0x217: {  	[hbm4b:s9+s2] =	stream.linear.scatter [tilespmem:s10], [sflag:$0x2], $0x80, $0x38;
	[tilespmem:$0x8400] =	vst v63  }
0x218: {  	s10 =	sld [smem:$0x7E3];
	_ =	sdelay $0x1  }
0x219: {  	s7 =	sld [smem:$0x749]  }
0x21a: {  	[hbm4b:s10+s2] =	stream.linear.scatter [tilespmem:s8], [sflag:$0x2], $0x80, $0x38;
	[tilespmem:$0x8400] =	vst v63  }
0x21b: {  	s9 =	sld [smem:$0x74A];
	s8 =	sadd.s32 $0x10, s10  }
0x21c: {  	[hbm4b:s8+s2] =	stream.linear.scatter [tilespmem:s7], [sflag:$0x2], $0x80, $0x38;
	[tilespmem:$0x8400] =	vst v63  }
0x21d: {  	s7 =	sadd.s32 $0x20, s10;
	s8 =	sld [smem:$0x74B]  }
0x21e: {  	[hbm4b:s7+s2] =	stream.linear.scatter [tilespmem:s9], [sflag:$0x2], $0x80, $0x38;
	[tilespmem:$0x8400] =	vst v63  }
0x21f: {  	s7 =	sadd.s32 $0x30, s10;
	s9 =	sld [smem:$0x74C]  }
0x220: {  	[hbm4b:s7+s2] =	stream.linear.scatter [tilespmem:s8], [sflag:$0x2], $0x80, $0x38;
	[tilespmem:$0x8400] =	vst v63  }
0x221: {  	s7 =	sadd.s32 $0x40, s10;
	s8 =	sld [smem:$0x74D]  }
0x222: {  	[hbm4b:s7+s2] =	stream.linear.scatter [tilespmem:s9], [sflag:$0x2], $0x80, $0x38;
	[tilespmem:$0x8400] =	vst v63  }
0x223: {  	s7 =	sadd.s32 $0x50, s10;
	s9 =	sld [smem:$0x74E]  }
0x224: {  	[hbm4b:s7+s2] =	stream.linear.scatter [tilespmem:s8], [sflag:$0x2], $0x80, $0x38;
	[tilespmem:$0x8400] =	vst v63  }
0x225: {  	s7 =	sadd.s32 $0x60, s10;
	s8 =	sld [smem:$0x74F]  }
0x226: {  	[hbm4b:s7+s2] =	stream.linear.scatter [tilespmem:s9], [sflag:$0x2], $0x80, $0x38;
	[tilespmem:$0x8400] =	vst v63  }
0x227: {  	s10 =	sadd.s32 $0x70, s10;
	s9 =	sld [smem:$0x750]  }
0x228: {  	[hbm4b:s10+s2] =	stream.linear.scatter [tilespmem:s8], [sflag:$0x2], $0x80, $0x38;
	[tilespmem:$0x8400] =	vst v63  }
0x229: {  	s10 =	sld [smem:$0x7E5];
	_ =	sdelay $0x1  }
0x22a: {  	s7 =	sld [smem:$0x751]  }
0x22b: {  	[hbm4b:s10+s2] =	stream.linear.scatter [tilespmem:s9], [sflag:$0x2], $0x80, $0x38;
	[tilespmem:$0x8400] =	vst v63  }
0x22c: {  	s8 =	sadd.s32 $0x10, s10;
	s9 =	sld [smem:$0x752]  }
0x22d: {  	[hbm4b:s8+s2] =	stream.linear.scatter [tilespmem:s7], [sflag:$0x2], $0x80, $0x38;
	[tilespmem:$0x8400] =	vst v63  }
0x22e: {  	s7 =	sadd.s32 $0x20, s10;
	s8 =	sld [smem:$0x753]  }
0x22f: {  	[hbm4b:s7+s2] =	stream.linear.scatter [tilespmem:s9], [sflag:$0x2], $0x80, $0x38;
	[tilespmem:$0x8400] =	vst v63  }
0x230: {  	s7 =	sadd.s32 $0x30, s10;
	s9 =	sld [smem:$0x754]  }
0x231: {  	[hbm4b:s7+s2] =	stream.linear.scatter [tilespmem:s8], [sflag:$0x2], $0x80, $0x38;
	[tilespmem:$0x8400] =	vst v63  }
0x232: {  	s7 =	sadd.s32 $0x40, s10;
	s8 =	sld [smem:$0x755]  }
0x233: {  	[hbm4b:s7+s2] =	stream.linear.scatter [tilespmem:s9], [sflag:$0x2], $0x80, $0x38;
	[tilespmem:$0x8400] =	vst v63  }
0x234: {  	s7 =	sadd.s32 $0x50, s10;
	s9 =	sld [smem:$0x756]  }
0x235: {  	[hbm4b:s7+s2] =	stream.linear.scatter [tilespmem:s8], [sflag:$0x2], $0x80, $0x38;
	[tilespmem:$0x8400] =	vst v63  }
0x236: {  	s7 =	sadd.s32 $0x60, s10;
	s8 =	sld [smem:$0x757]  }
0x237: {  	[hbm4b:s7+s2] =	stream.linear.scatter [tilespmem:s9], [sflag:$0x2], $0x80, $0x38;
	[tilespmem:$0x8400] =	vst v63  }
0x238: {  	s10 =	sadd.s32 $0x70, s10;
	s9 =	sld [smem:$0x758]  }
0x239: {  	[hbm4b:s10+s2] =	stream.linear.scatter [tilespmem:s8], [sflag:$0x2], $0x80, $0x38;
	[tilespmem:$0x8400] =	vst v63  }
0x23a: {  	s10 =	sld [smem:$0x7E7];
	_ =	sdelay $0x1  }
0x23b: {  	s7 =	sld [smem:$0x759]  }
0x23c: {  	[hbm4b:s10+s2] =	stream.linear.scatter [tilespmem:s9], [sflag:$0x2], $0x80, $0x38;
	[tilespmem:$0x8400] =	vst v63  }
0x23d: {  	s8 =	sadd.s32 $0x10, s10;
	s9 =	sld [smem:$0x75A]  }
0x23e: {  	[hbm4b:s8+s2] =	stream.linear.scatter [tilespmem:s7], [sflag:$0x2], $0x80, $0x38;
	[tilespmem:$0x8400] =	vst v63  }
0x23f: {  	s7 =	sadd.s32 $0x20, s10;
	s8 =	sld [smem:$0x75B]  }
0x240: {  	[hbm4b:s7+s2] =	stream.linear.scatter [tilespmem:s9], [sflag:$0x2], $0x80, $0x38;
	[tilespmem:$0x8400] =	vst v63  }
0x241: {  	s7 =	sadd.s32 $0x30, s10;
	s9 =	sld [smem:$0x75C]  }
0x242: {  	[hbm4b:s7+s2] =	stream.linear.scatter [tilespmem:s8], [sflag:$0x2], $0x80, $0x38;
	[tilespmem:$0x8400] =	vst v63  }
0x243: {  	s7 =	sadd.s32 $0x40, s10;
	s8 =	sld [smem:$0x75D]  }
0x244: {  	[hbm4b:s7+s2] =	stream.linear.scatter [tilespmem:s9], [sflag:$0x2], $0x80, $0x38;
	[tilespmem:$0x8400] =	vst v63  }
0x245: {  	s7 =	sadd.s32 $0x50, s10;
	s9 =	sld [smem:$0x75E]  }
0x246: {  	[hbm4b:s7+s2] =	stream.linear.scatter [tilespmem:s8], [sflag:$0x2], $0x80, $0x38;
	[tilespmem:$0x8400] =	vst v63  }
0x247: {  	s7 =	sadd.s32 $0x60, s10;
	s8 =	sld [smem:$0x75F]  }
0x248: {  	[hbm4b:s7+s2] =	stream.linear.scatter [tilespmem:s9], [sflag:$0x2], $0x80, $0x38;
	[tilespmem:$0x8400] =	vst v63  }
0x249: {  	s9 =	sadd.s32 $0x70, s10  }
0x24a: {  	[hbm4b:s9+s2] =	stream.linear.scatter [tilespmem:s8], [sflag:$0x2], $0x80, $0x38;
	[tilespmem:$0x8400] =	vst v63  }
0x24b: {  	s8 =	sld [smem:$0x7E9];
	_ =	sdelay $0x1  }
0x24c: {  	s10 =	simm.s32 $0x2400  }
0x24d: {  	[hbm4b:s8+s2] =	stream.linear.scatter [tilespmem:s10], [sflag:$0x2], $0x80, $0x38;
	[tilespmem:$0x8400] =	vst v63  }
0x24e: {  	s9 =	sadd.s32 $0x10, s8;
	s10 =	simm.s32 $0x2600  }
0x24f: {  	[hbm4b:s9+s2] =	stream.linear.scatter [tilespmem:s10], [sflag:$0x2], $0x80, $0x38;
	[tilespmem:$0x8400] =	vst v63  }
0x250: {  	s9 =	sadd.s32 $0x20, s8;
	s10 =	simm.s32 $0x2800  }
0x251: {  	[hbm4b:s9+s2] =	stream.linear.scatter [tilespmem:s10], [sflag:$0x2], $0x80, $0x38;
	[tilespmem:$0x8400] =	vst v63  }
0x252: {  	s9 =	sadd.s32 $0x30, s8;
	s10 =	simm.s32 $0x2A00  }
0x253: {  	[hbm4b:s9+s2] =	stream.linear.scatter [tilespmem:s10], [sflag:$0x2], $0x80, $0x38;
	[tilespmem:$0x8400] =	vst v63  }
0x254: {  	s9 =	sadd.s32 $0x40, s8;
	s10 =	simm.s32 $0x2C00  }
0x255: {  	[hbm4b:s9+s2] =	stream.linear.scatter [tilespmem:s10], [sflag:$0x2], $0x80, $0x38;
	[tilespmem:$0x8400] =	vst v63  }
0x256: {  	s9 =	sadd.s32 $0x50, s8;
	s10 =	simm.s32 $0x2E00  }
0x257: {  	[hbm4b:s9+s2] =	stream.linear.scatter [tilespmem:s10], [sflag:$0x2], $0x80, $0x38;
	[tilespmem:$0x8400] =	vst v63  }
0x258: {  	s9 =	sadd.s32 $0x60, s8;
	s10 =	simm.s32 $0x3000  }
0x259: {  	[hbm4b:s9+s2] =	stream.linear.scatter [tilespmem:s10], [sflag:$0x2], $0x80, $0x38;
	[tilespmem:$0x8400] =	vst v63  }
0x25a: {  	s9 =	sadd.s32 $0x70, s8;
	s8 =	sld [smem:$0x760];
	s10 =	simm.s32 $0x3200  }
0x25b: {  	[hbm4b:s9+s2] =	stream.linear.scatter [tilespmem:s10], [sflag:$0x2], $0x80, $0x38;
	[tilespmem:$0x8400] =	vst v63  }
0x25c: {  	s10 =	sld [smem:$0x7EB];
	_ =	sdelay $0x1  }
0x25d: {  	s7 =	sld [smem:$0x761]  }
0x25e: {  	[hbm4b:s10+s2] =	stream.linear.scatter [tilespmem:s8], [sflag:$0x2], $0x80, $0x38;
	[tilespmem:$0x8400] =	vst v63  }
0x25f: {  	s9 =	sld [smem:$0x762];
	s8 =	sadd.s32 $0x10, s10  }
0x260: {  	[hbm4b:s8+s2] =	stream.linear.scatter [tilespmem:s7], [sflag:$0x2], $0x80, $0x38;
	[tilespmem:$0x8400] =	vst v63  }
0x261: {  	s7 =	sadd.s32 $0x20, s10;
	s8 =	sld [smem:$0x763]  }
0x262: {  	[hbm4b:s7+s2] =	stream.linear.scatter [tilespmem:s9], [sflag:$0x2], $0x80, $0x38;
	[tilespmem:$0x8400] =	vst v63  }
0x263: {  	s7 =	sadd.s32 $0x30, s10;
	s9 =	sld [smem:$0x764]  }
0x264: {  	[hbm4b:s7+s2] =	stream.linear.scatter [tilespmem:s8], [sflag:$0x2], $0x80, $0x38;
	[tilespmem:$0x8400] =	vst v63  }
0x265: {  	s7 =	sadd.s32 $0x40, s10;
	s8 =	sld [smem:$0x765]  }
0x266: {  	[hbm4b:s7+s2] =	stream.linear.scatter [tilespmem:s9], [sflag:$0x2], $0x80, $0x38;
	[tilespmem:$0x8400] =	vst v63  }
0x267: {  	s7 =	sadd.s32 $0x50, s10;
	s9 =	sld [smem:$0x766]  }
0x268: {  	[hbm4b:s7+s2] =	stream.linear.scatter [tilespmem:s8], [sflag:$0x2], $0x80, $0x38;
	[tilespmem:$0x8400] =	vst v63  }
0x269: {  	s7 =	sadd.s32 $0x60, s10;
	s8 =	sld [smem:$0x767]  }
0x26a: {  	[hbm4b:s7+s2] =	stream.linear.scatter [tilespmem:s9], [sflag:$0x2], $0x80, $0x38;
	[tilespmem:$0x8400] =	vst v63  }
0x26b: {  	s10 =	sadd.s32 $0x70, s10;
	s9 =	sld [smem:$0x768]  }
0x26c: {  	[hbm4b:s10+s2] =	stream.linear.scatter [tilespmem:s8], [sflag:$0x2], $0x80, $0x38;
	[tilespmem:$0x8400] =	vst v63  }
0x26d: {  	s10 =	sld [smem:$0x7ED];
	_ =	sdelay $0x1  }
0x26e: {  	s7 =	sld [smem:$0x769]  }
0x26f: {  	[hbm4b:s10+s2] =	stream.linear.scatter [tilespmem:s9], [sflag:$0x2], $0x80, $0x38;
	[tilespmem:$0x8400] =	vst v63  }
0x270: {  	s8 =	sadd.s32 $0x10, s10;
	s9 =	sld [smem:$0x76A]  }
0x271: {  	[hbm4b:s8+s2] =	stream.linear.scatter [tilespmem:s7], [sflag:$0x2], $0x80, $0x38;
	[tilespmem:$0x8400] =	vst v63  }
0x272: {  	s7 =	sadd.s32 $0x20, s10;
	s8 =	sld [smem:$0x76B]  }
0x273: {  	[hbm4b:s7+s2] =	stream.linear.scatter [tilespmem:s9], [sflag:$0x2], $0x80, $0x38;
	[tilespmem:$0x8400] =	vst v63  }
0x274: {  	s7 =	sadd.s32 $0x30, s10;
	s9 =	sld [smem:$0x76C]  }
0x275: {  	[hbm4b:s7+s2] =	stream.linear.scatter [tilespmem:s8], [sflag:$0x2], $0x80, $0x38;
	[tilespmem:$0x8400] =	vst v63  }
0x276: {  	s7 =	sadd.s32 $0x40, s10;
	s8 =	sld [smem:$0x76D]  }
0x277: {  	[hbm4b:s7+s2] =	stream.linear.scatter [tilespmem:s9], [sflag:$0x2], $0x80, $0x38;
	[tilespmem:$0x8400] =	vst v63  }
0x278: {  	s7 =	sadd.s32 $0x50, s10;
	s9 =	sld [smem:$0x76E]  }
0x279: {  	[hbm4b:s7+s2] =	stream.linear.scatter [tilespmem:s8], [sflag:$0x2], $0x80, $0x38;
	[tilespmem:$0x8400] =	vst v63  }
0x27a: {  	s7 =	sadd.s32 $0x60, s10;
	s8 =	sld [smem:$0x76F]  }
0x27b: {  	[hbm4b:s7+s2] =	stream.linear.scatter [tilespmem:s9], [sflag:$0x2], $0x80, $0x38;
	[tilespmem:$0x8400] =	vst v63  }
0x27c: {  	s10 =	sadd.s32 $0x70, s10;
	s9 =	sld [smem:$0x770]  }
0x27d: {  	[hbm4b:s10+s2] =	stream.linear.scatter [tilespmem:s8], [sflag:$0x2], $0x80, $0x38;
	[tilespmem:$0x8400] =	vst v63  }
0x27e: {  	s10 =	sld [smem:$0x7EF];
	_ =	sdelay $0x1  }
0x27f: {  	s7 =	sld [smem:$0x771]  }
0x280: {  	[hbm4b:s10+s2] =	stream.linear.scatter [tilespmem:s9], [sflag:$0x2], $0x80, $0x38;
	[tilespmem:$0x8400] =	vst v63  }
0x281: {  	s8 =	sadd.s32 $0x10, s10;
	s9 =	sld [smem:$0x772]  }
0x282: {  	[hbm4b:s8+s2] =	stream.linear.scatter [tilespmem:s7], [sflag:$0x2], $0x80, $0x38;
	[tilespmem:$0x8400] =	vst v63  }
0x283: {  	s7 =	sadd.s32 $0x20, s10;
	s8 =	sld [smem:$0x773]  }
0x284: {  	[hbm4b:s7+s2] =	stream.linear.scatter [tilespmem:s9], [sflag:$0x2], $0x80, $0x38;
	[tilespmem:$0x8400] =	vst v63  }
0x285: {  	s7 =	sadd.s32 $0x30, s10;
	s9 =	sld [smem:$0x774]  }
0x286: {  	[hbm4b:s7+s2] =	stream.linear.scatter [tilespmem:s8], [sflag:$0x2], $0x80, $0x38;
	[tilespmem:$0x8400] =	vst v63  }
0x287: {  	s7 =	sadd.s32 $0x40, s10;
	s8 =	sld [smem:$0x775]  }
0x288: {  	[hbm4b:s7+s2] =	stream.linear.scatter [tilespmem:s9], [sflag:$0x2], $0x80, $0x38;
	[tilespmem:$0x8400] =	vst v63  }
0x289: {  	s7 =	sadd.s32 $0x50, s10;
	s9 =	sld [smem:$0x776]  }
0x28a: {  	[hbm4b:s7+s2] =	stream.linear.scatter [tilespmem:s8], [sflag:$0x2], $0x80, $0x38;
	[tilespmem:$0x8400] =	vst v63  }
0x28b: {  	s7 =	sadd.s32 $0x60, s10;
	s8 =	sld [smem:$0x777]  }
0x28c: {  	[hbm4b:s7+s2] =	stream.linear.scatter [tilespmem:s9], [sflag:$0x2], $0x80, $0x38;
	[tilespmem:$0x8400] =	vst v63  }
0x28d: {  	s9 =	sadd.s32 $0x70, s10  }
0x28e: {  	[hbm4b:s9+s2] =	stream.linear.scatter [tilespmem:s8], [sflag:$0x2], $0x80, $0x38;
	[tilespmem:$0x8400] =	vst v63  }
0x28f: {  	s8 =	sld [smem:$0x7F1];
	_ =	sdelay $0x1  }
0x290: {  	s10 =	simm.s32 $0x3400  }
0x291: {  	[hbm4b:s8+s2] =	stream.linear.scatter [tilespmem:s10], [sflag:$0x2], $0x80, $0x38;
	[tilespmem:$0x8400] =	vst v63  }
0x292: {  	s9 =	sadd.s32 $0x10, s8;
	s10 =	simm.s32 $0x3600  }
0x293: {  	[hbm4b:s9+s2] =	stream.linear.scatter [tilespmem:s10], [sflag:$0x2], $0x80, $0x38;
	[tilespmem:$0x8400] =	vst v63  }
0x294: {  	s9 =	sadd.s32 $0x20, s8;
	s10 =	simm.s32 $0x3800  }
0x295: {  	[hbm4b:s9+s2] =	stream.linear.scatter [tilespmem:s10], [sflag:$0x2], $0x80, $0x38;
	[tilespmem:$0x8400] =	vst v63  }
0x296: {  	s9 =	sadd.s32 $0x30, s8;
	s10 =	simm.s32 $0x3A00  }
0x297: {  	[hbm4b:s9+s2] =	stream.linear.scatter [tilespmem:s10], [sflag:$0x2], $0x80, $0x38;
	[tilespmem:$0x8400] =	vst v63  }
0x298: {  	s9 =	sadd.s32 $0x40, s8;
	s10 =	simm.s32 $0x3C00  }
0x299: {  	[hbm4b:s9+s2] =	stream.linear.scatter [tilespmem:s10], [sflag:$0x2], $0x80, $0x38;
	[tilespmem:$0x8400] =	vst v63  }
0x29a: {  	s9 =	sadd.s32 $0x50, s8;
	s10 =	simm.s32 $0x3E00  }
0x29b: {  	[hbm4b:s9+s2] =	stream.linear.scatter [tilespmem:s10], [sflag:$0x2], $0x80, $0x38;
	[tilespmem:$0x8400] =	vst v63  }
0x29c: {  	s9 =	sadd.s32 $0x60, s8;
	s10 =	simm.s32 $0x4000  }
0x29d: {  	[hbm4b:s9+s2] =	stream.linear.scatter [tilespmem:s10], [sflag:$0x2], $0x80, $0x38;
	[tilespmem:$0x8400] =	vst v63  }
0x29e: {  	s9 =	sadd.s32 $0x70, s8;
	s8 =	sld [smem:$0x778];
	s10 =	simm.s32 $0x4200  }
0x29f: {  	[hbm4b:s9+s2] =	stream.linear.scatter [tilespmem:s10], [sflag:$0x2], $0x80, $0x38;
	[tilespmem:$0x8400] =	vst v63  }
0x2a0: {  	s10 =	sld [smem:$0x7F3];
	_ =	sdelay $0x1  }
0x2a1: {  	s7 =	sld [smem:$0x779]  }
0x2a2: {  	[hbm4b:s10+s2] =	stream.linear.scatter [tilespmem:s8], [sflag:$0x2], $0x80, $0x38;
	[tilespmem:$0x8400] =	vst v63  }
0x2a3: {  	s9 =	sld [smem:$0x77A];
	s8 =	sadd.s32 $0x10, s10  }
0x2a4: {  	[hbm4b:s8+s2] =	stream.linear.scatter [tilespmem:s7], [sflag:$0x2], $0x80, $0x38;
	[tilespmem:$0x8400] =	vst v63  }
0x2a5: {  	s7 =	sadd.s32 $0x20, s10;
	s8 =	sld [smem:$0x77B]  }
0x2a6: {  	[hbm4b:s7+s2] =	stream.linear.scatter [tilespmem:s9], [sflag:$0x2], $0x80, $0x38;
	[tilespmem:$0x8400] =	vst v63  }
0x2a7: {  	s7 =	sadd.s32 $0x30, s10;
	s9 =	sld [smem:$0x77C]  }
0x2a8: {  	[hbm4b:s7+s2] =	stream.linear.scatter [tilespmem:s8], [sflag:$0x2], $0x80, $0x38;
	[tilespmem:$0x8400] =	vst v63  }
0x2a9: {  	s7 =	sadd.s32 $0x40, s10;
	s8 =	sld [smem:$0x77D]  }
0x2aa: {  	[hbm4b:s7+s2] =	stream.linear.scatter [tilespmem:s9], [sflag:$0x2], $0x80, $0x38;
	[tilespmem:$0x8400] =	vst v63  }
0x2ab: {  	s7 =	sadd.s32 $0x50, s10;
	s9 =	sld [smem:$0x77E]  }
0x2ac: {  	[hbm4b:s7+s2] =	stream.linear.scatter [tilespmem:s8], [sflag:$0x2], $0x80, $0x38;
	[tilespmem:$0x8400] =	vst v63  }
0x2ad: {  	s7 =	sadd.s32 $0x60, s10;
	s8 =	sld [smem:$0x77F]  }
0x2ae: {  	[hbm4b:s7+s2] =	stream.linear.scatter [tilespmem:s9], [sflag:$0x2], $0x80, $0x38;
	[tilespmem:$0x8400] =	vst v63  }
0x2af: {  	s10 =	sadd.s32 $0x70, s10;
	s9 =	sld [smem:$0x780]  }
0x2b0: {  	[hbm4b:s10+s2] =	stream.linear.scatter [tilespmem:s8], [sflag:$0x2], $0x80, $0x38;
	[tilespmem:$0x8400] =	vst v63  }
0x2b1: {  	s10 =	sld [smem:$0x7F5];
	_ =	sdelay $0x1  }
0x2b2: {  	s7 =	sld [smem:$0x781]  }
0x2b3: {  	[hbm4b:s10+s2] =	stream.linear.scatter [tilespmem:s9], [sflag:$0x2], $0x80, $0x38;
	[tilespmem:$0x8400] =	vst v63  }
0x2b4: {  	s8 =	sadd.s32 $0x10, s10;
	s9 =	sld [smem:$0x782]  }
0x2b5: {  	[hbm4b:s8+s2] =	stream.linear.scatter [tilespmem:s7], [sflag:$0x2], $0x80, $0x38;
	[tilespmem:$0x8400] =	vst v63  }
0x2b6: {  	s7 =	sadd.s32 $0x20, s10;
	s8 =	sld [smem:$0x783]  }
0x2b7: {  	[hbm4b:s7+s2] =	stream.linear.scatter [tilespmem:s9], [sflag:$0x2], $0x80, $0x38;
	[tilespmem:$0x8400] =	vst v63  }
0x2b8: {  	s7 =	sadd.s32 $0x30, s10;
	s9 =	sld [smem:$0x784]  }
0x2b9: {  	[hbm4b:s7+s2] =	stream.linear.scatter [tilespmem:s8], [sflag:$0x2], $0x80, $0x38;
	[tilespmem:$0x8400] =	vst v63  }
0x2ba: {  	s7 =	sadd.s32 $0x40, s10;
	s8 =	sld [smem:$0x785]  }
0x2bb: {  	[hbm4b:s7+s2] =	stream.linear.scatter [tilespmem:s9], [sflag:$0x2], $0x80, $0x38;
	[tilespmem:$0x8400] =	vst v63  }
0x2bc: {  	s7 =	sadd.s32 $0x50, s10;
	s9 =	sld [smem:$0x786]  }
0x2bd: {  	[hbm4b:s7+s2] =	stream.linear.scatter [tilespmem:s8], [sflag:$0x2], $0x80, $0x38;
	[tilespmem:$0x8400] =	vst v63  }
0x2be: {  	s7 =	sadd.s32 $0x60, s10;
	s8 =	sld [smem:$0x787]  }
0x2bf: {  	[hbm4b:s7+s2] =	stream.linear.scatter [tilespmem:s9], [sflag:$0x2], $0x80, $0x38;
	[tilespmem:$0x8400] =	vst v63  }
0x2c0: {  	s9 =	sadd.s32 $0x70, s10;
	s10 =	sld [smem:$0x788]  }
0x2c1: {  	[hbm4b:s9+s2] =	stream.linear.scatter [tilespmem:s8], [sflag:$0x2], $0x80, $0x38;
	[tilespmem:$0x8400] =	vst v63  }
0x2c2: {  	s8 =	sld [smem:$0x789]  }
0x2c3: {  	[hbm4b:s18+s2] =	stream.linear.scatter [tilespmem:s10], [sflag:$0x2], $0x80, $0x38;
	[tilespmem:$0x8400] =	vst v63  }
0x2c4: {  	s9 =	sld [smem:$0x78A];
	s10 =	sadd.s32 $0x10, s18  }
0x2c5: {  	[hbm4b:s10+s2] =	stream.linear.scatter [tilespmem:s8], [sflag:$0x2], $0x80, $0x38;
	[tilespmem:$0x8400] =	vst v63  }
0x2c6: {  	s10 =	sadd.s32 $0x20, s18;
	s8 =	sld [smem:$0x78B]  }
0x2c7: {  	[hbm4b:s10+s2] =	stream.linear.scatter [tilespmem:s9], [sflag:$0x2], $0x80, $0x38;
	[tilespmem:$0x8400] =	vst v63  }
0x2c8: {  	s10 =	sadd.s32 $0x30, s18;
	s9 =	sld [smem:$0x78C]  }
0x2c9: {  	[hbm4b:s10+s2] =	stream.linear.scatter [tilespmem:s8], [sflag:$0x2], $0x80, $0x38;
	[tilespmem:$0x8400] =	vst v63  }
0x2ca: {  	s10 =	sadd.s32 $0x40, s18;
	s8 =	sld [smem:$0x78D]  }
0x2cb: {  	[hbm4b:s10+s2] =	stream.linear.scatter [tilespmem:s9], [sflag:$0x2], $0x80, $0x38;
	[tilespmem:$0x8400] =	vst v63  }
0x2cc: {  	s10 =	sadd.s32 $0x50, s18;
	s9 =	sld [smem:$0x78E]  }
0x2cd: {  	[hbm4b:s10+s2] =	stream.linear.scatter [tilespmem:s8], [sflag:$0x2], $0x80, $0x38;
	[tilespmem:$0x8400] =	vst v63  }
0x2ce: {  	s10 =	sadd.s32 $0x60, s18;
	s8 =	sld [smem:$0x78F]  }
0x2cf: {  	[hbm4b:s10+s2] =	stream.linear.scatter [tilespmem:s9], [sflag:$0x2], $0x80, $0x38;
	[tilespmem:$0x8400] =	vst v63  }
0x2d0: {  	s10 =	sadd.s32 $0x70, s18  }
0x2d1: {  	[hbm4b:s10+s2] =	stream.linear.scatter [tilespmem:s8], [sflag:$0x2], $0x80, $0x38;
	[tilespmem:$0x8400] =	vst v63  }
0x2d2: {  	s8 =	simm.s32 $0x4400  }
0x2d3: {  	[hbm4b:s19+s2] =	stream.linear.scatter [tilespmem:s8], [sflag:$0x2], $0x80, $0x38;
	[tilespmem:$0x8400] =	vst v63  }
0x2d4: {  	s9 =	sadd.s32 $0x10, s19;
	s10 =	simm.s32 $0x4600  }
0x2d5: {  	[hbm4b:s9+s2] =	stream.linear.scatter [tilespmem:s10], [sflag:$0x2], $0x80, $0x38;
	[tilespmem:$0x8400] =	vst v63  }
0x2d6: {  	s9 =	sadd.s32 $0x20, s19;
	s10 =	simm.s32 $0x4800  }
0x2d7: {  	[hbm4b:s9+s2] =	stream.linear.scatter [tilespmem:s10], [sflag:$0x2], $0x80, $0x38;
	[tilespmem:$0x8400] =	vst v63  }
0x2d8: {  	s9 =	sadd.s32 $0x30, s19;
	s10 =	simm.s32 $0x4A00  }
0x2d9: {  	[hbm4b:s9+s2] =	stream.linear.scatter [tilespmem:s10], [sflag:$0x2], $0x80, $0x38;
	[tilespmem:$0x8400] =	vst v63  }
0x2da: {  	s9 =	sadd.s32 $0x40, s19;
	s10 =	simm.s32 $0x4C00  }
0x2db: {  	[hbm4b:s9+s2] =	stream.linear.scatter [tilespmem:s10], [sflag:$0x2], $0x80, $0x38;
	[tilespmem:$0x8400] =	vst v63  }
0x2dc: {  	s9 =	sadd.s32 $0x50, s19;
	s10 =	simm.s32 $0x4E00  }
0x2dd: {  	[hbm4b:s9+s2] =	stream.linear.scatter [tilespmem:s10], [sflag:$0x2], $0x80, $0x38;
	[tilespmem:$0x8400] =	vst v63  }
0x2de: {  	s9 =	sadd.s32 $0x60, s19;
	s10 =	simm.s32 $0x5000  }
0x2df: {  	[hbm4b:s9+s2] =	stream.linear.scatter [tilespmem:s10], [sflag:$0x2], $0x80, $0x38;
	[tilespmem:$0x8400] =	vst v63  }
0x2e0: {  	s8 =	sld [smem:$0x790];
	s9 =	sadd.s32 $0x70, s19;
	s10 =	simm.s32 $0x5200  }
0x2e1: {  	[hbm4b:s9+s2] =	stream.linear.scatter [tilespmem:s10], [sflag:$0x2], $0x80, $0x38;
	[tilespmem:$0x8400] =	vst v63  }
0x2e2: {  	s7 =	sld [smem:$0x791]  }
0x2e3: {  	[hbm4b:s20+s2] =	stream.linear.scatter [tilespmem:s8], [sflag:$0x2], $0x80, $0x38;
	[tilespmem:$0x8400] =	vst v63  }
0x2e4: {  	s10 =	sadd.s32 $0x10, s20;
	s9 =	sld [smem:$0x792]  }
0x2e5: {  	[hbm4b:s10+s2] =	stream.linear.scatter [tilespmem:s7], [sflag:$0x2], $0x80, $0x38;
	[tilespmem:$0x8400] =	vst v63  }
0x2e6: {  	s8 =	sld [smem:$0x793];
	s10 =	sadd.s32 $0x20, s20  }
0x2e7: {  	[hbm4b:s10+s2] =	stream.linear.scatter [tilespmem:s9], [sflag:$0x2], $0x80, $0x38;
	[tilespmem:$0x8400] =	vst v63  }
0x2e8: {  	s10 =	sadd.s32 $0x30, s20;
	s9 =	sld [smem:$0x794]  }
0x2e9: {  	[hbm4b:s10+s2] =	stream.linear.scatter [tilespmem:s8], [sflag:$0x2], $0x80, $0x38;
	[tilespmem:$0x8400] =	vst v63  }
0x2ea: {  	s10 =	sadd.s32 $0x40, s20;
	s8 =	sld [smem:$0x795]  }
0x2eb: {  	[hbm4b:s10+s2] =	stream.linear.scatter [tilespmem:s9], [sflag:$0x2], $0x80, $0x38;
	[tilespmem:$0x8400] =	vst v63  }
0x2ec: {  	s10 =	sadd.s32 $0x50, s20;
	s9 =	sld [smem:$0x796]  }
0x2ed: {  	[hbm4b:s10+s2] =	stream.linear.scatter [tilespmem:s8], [sflag:$0x2], $0x80, $0x38;
	[tilespmem:$0x8400] =	vst v63  }
0x2ee: {  	s10 =	sadd.s32 $0x60, s20;
	s8 =	sld [smem:$0x797]  }
0x2ef: {  	[hbm4b:s10+s2] =	stream.linear.scatter [tilespmem:s9], [sflag:$0x2], $0x80, $0x38;
	[tilespmem:$0x8400] =	vst v63  }
0x2f0: {  	s9 =	sadd.s32 $0x70, s20;
	s10 =	sld [smem:$0x798]  }
0x2f1: {  	[hbm4b:s9+s2] =	stream.linear.scatter [tilespmem:s8], [sflag:$0x2], $0x80, $0x38;
	[tilespmem:$0x8400] =	vst v63  }
0x2f2: {  	s8 =	sld [smem:$0x799]  }
0x2f3: {  	[hbm4b:s21+s2] =	stream.linear.scatter [tilespmem:s10], [sflag:$0x2], $0x80, $0x38;
	[tilespmem:$0x8400] =	vst v63  }
0x2f4: {  	s9 =	sld [smem:$0x79A];
	s10 =	sadd.s32 $0x10, s21  }
0x2f5: {  	[hbm4b:s10+s2] =	stream.linear.scatter [tilespmem:s8], [sflag:$0x2], $0x80, $0x38;
	[tilespmem:$0x8400] =	vst v63  }
0x2f6: {  	s10 =	sadd.s32 $0x20, s21;
	s8 =	sld [smem:$0x79B]  }
0x2f7: {  	[hbm4b:s10+s2] =	stream.linear.scatter [tilespmem:s9], [sflag:$0x2], $0x80, $0x38;
	[tilespmem:$0x8400] =	vst v63  }
0x2f8: {  	s10 =	sadd.s32 $0x30, s21;
	s9 =	sld [smem:$0x79C]  }
0x2f9: {  	[hbm4b:s10+s2] =	stream.linear.scatter [tilespmem:s8], [sflag:$0x2], $0x80, $0x38;
	[tilespmem:$0x8400] =	vst v63  }
0x2fa: {  	s10 =	sadd.s32 $0x40, s21;
	s8 =	sld [smem:$0x79D]  }
0x2fb: {  	[hbm4b:s10+s2] =	stream.linear.scatter [tilespmem:s9], [sflag:$0x2], $0x80, $0x38;
	[tilespmem:$0x8400] =	vst v63  }
0x2fc: {  	s10 =	sadd.s32 $0x50, s21;
	s9 =	sld [smem:$0x79E]  }
0x2fd: {  	[hbm4b:s10+s2] =	stream.linear.scatter [tilespmem:s8], [sflag:$0x2], $0x80, $0x38;
	[tilespmem:$0x8400] =	vst v63  }
0x2fe: {  	s10 =	sadd.s32 $0x60, s21;
	s8 =	sld [smem:$0x79F]  }
0x2ff: {  	[hbm4b:s10+s2] =	stream.linear.scatter [tilespmem:s9], [sflag:$0x2], $0x80, $0x38;
	[tilespmem:$0x8400] =	vst v63  }
0x300: {  	s9 =	sadd.s32 $0x70, s21;
	s10 =	sld [smem:$0x7A0]  }
0x301: {  	[hbm4b:s9+s2] =	stream.linear.scatter [tilespmem:s8], [sflag:$0x2], $0x80, $0x38;
	[tilespmem:$0x8400] =	vst v63  }
0x302: {  	s8 =	sld [smem:$0x7A1]  }
0x303: {  	[hbm4b:s22+s2] =	stream.linear.scatter [tilespmem:s10], [sflag:$0x2], $0x80, $0x38;
	[tilespmem:$0x8400] =	vst v63  }
0x304: {  	s9 =	sld [smem:$0x7A2];
	s10 =	sadd.s32 $0x10, s22  }
0x305: {  	[hbm4b:s10+s2] =	stream.linear.scatter [tilespmem:s8], [sflag:$0x2], $0x80, $0x38;
	[tilespmem:$0x8400] =	vst v63  }
0x306: {  	s10 =	sadd.s32 $0x20, s22;
	s8 =	sld [smem:$0x7A3]  }
0x307: {  	[hbm4b:s10+s2] =	stream.linear.scatter [tilespmem:s9], [sflag:$0x2], $0x80, $0x38;
	[tilespmem:$0x8400] =	vst v63  }
0x308: {  	s10 =	sadd.s32 $0x30, s22;
	s9 =	sld [smem:$0x7A4]  }
0x309: {  	[hbm4b:s10+s2] =	stream.linear.scatter [tilespmem:s8], [sflag:$0x2], $0x80, $0x38;
	[tilespmem:$0x8400] =	vst v63  }
0x30a: {  	s10 =	sadd.s32 $0x40, s22;
	s8 =	sld [smem:$0x7A5]  }
0x30b: {  	[hbm4b:s10+s2] =	stream.linear.scatter [tilespmem:s9], [sflag:$0x2], $0x80, $0x38;
	[tilespmem:$0x8400] =	vst v63  }
0x30c: {  	s10 =	sadd.s32 $0x50, s22;
	s9 =	sld [smem:$0x7A6]  }
0x30d: {  	[hbm4b:s10+s2] =	stream.linear.scatter [tilespmem:s8], [sflag:$0x2], $0x80, $0x38;
	[tilespmem:$0x8400] =	vst v63  }
0x30e: {  	s10 =	sadd.s32 $0x60, s22;
	s8 =	sld [smem:$0x7A7]  }
0x30f: {  	[hbm4b:s10+s2] =	stream.linear.scatter [tilespmem:s9], [sflag:$0x2], $0x80, $0x38;
	[tilespmem:$0x8400] =	vst v63  }
0x310: {  	s10 =	sadd.s32 $0x70, s22  }
0x311: {  	[hbm4b:s10+s2] =	stream.linear.scatter [tilespmem:s8], [sflag:$0x2], $0x80, $0x38;
	[tilespmem:$0x8400] =	vst v63  }
0x312: {  	s8 =	simm.s32 $0x5400  }
0x313: {  	[hbm4b:s23+s2] =	stream.linear.scatter [tilespmem:s8], [sflag:$0x2], $0x80, $0x38;
	[tilespmem:$0x8400] =	vst v63  }
0x314: {  	s9 =	sadd.s32 $0x10, s23;
	s10 =	simm.s32 $0x5600  }
0x315: {  	[hbm4b:s9+s2] =	stream.linear.scatter [tilespmem:s10], [sflag:$0x2], $0x80, $0x38;
	[tilespmem:$0x8400] =	vst v63  }
0x316: {  	s9 =	sadd.s32 $0x20, s23;
	s10 =	simm.s32 $0x5800  }
0x317: {  	[hbm4b:s9+s2] =	stream.linear.scatter [tilespmem:s10], [sflag:$0x2], $0x80, $0x38;
	[tilespmem:$0x8400] =	vst v63  }
0x318: {  	s9 =	sadd.s32 $0x30, s23;
	s10 =	simm.s32 $0x5A00  }
0x319: {  	[hbm4b:s9+s2] =	stream.linear.scatter [tilespmem:s10], [sflag:$0x2], $0x80, $0x38;
	[tilespmem:$0x8400] =	vst v63  }
0x31a: {  	s9 =	sadd.s32 $0x40, s23;
	s10 =	simm.s32 $0x5C00  }
0x31b: {  	[hbm4b:s9+s2] =	stream.linear.scatter [tilespmem:s10], [sflag:$0x2], $0x80, $0x38;
	[tilespmem:$0x8400] =	vst v63  }
0x31c: {  	s9 =	sadd.s32 $0x50, s23;
	s10 =	simm.s32 $0x5E00  }
0x31d: {  	[hbm4b:s9+s2] =	stream.linear.scatter [tilespmem:s10], [sflag:$0x2], $0x80, $0x38;
	[tilespmem:$0x8400] =	vst v63  }
0x31e: {  	s9 =	sadd.s32 $0x60, s23;
	s10 =	simm.s32 $0x6000  }
0x31f: {  	[hbm4b:s9+s2] =	stream.linear.scatter [tilespmem:s10], [sflag:$0x2], $0x80, $0x38;
	[tilespmem:$0x8400] =	vst v63  }
0x320: {  	s8 =	sld [smem:$0x7A8];
	s9 =	sadd.s32 $0x70, s23;
	s10 =	simm.s32 $0x6200  }
0x321: {  	[hbm4b:s9+s2] =	stream.linear.scatter [tilespmem:s10], [sflag:$0x2], $0x80, $0x38;
	[tilespmem:$0x8400] =	vst v63  }
0x322: {  	s7 =	sld [smem:$0x7A9]  }
0x323: {  	[hbm4b:s24+s2] =	stream.linear.scatter [tilespmem:s8], [sflag:$0x2], $0x80, $0x38;
	[tilespmem:$0x8400] =	vst v63  }
0x324: {  	s10 =	sadd.s32 $0x10, s24;
	s9 =	sld [smem:$0x7AA]  }
0x325: {  	[hbm4b:s10+s2] =	stream.linear.scatter [tilespmem:s7], [sflag:$0x2], $0x80, $0x38;
	[tilespmem:$0x8400] =	vst v63  }
0x326: {  	s8 =	sld [smem:$0x7AB];
	s10 =	sadd.s32 $0x20, s24  }
0x327: {  	[hbm4b:s10+s2] =	stream.linear.scatter [tilespmem:s9], [sflag:$0x2], $0x80, $0x38;
	[tilespmem:$0x8400] =	vst v63  }
0x328: {  	s10 =	sadd.s32 $0x30, s24;
	s9 =	sld [smem:$0x7AC]  }
0x329: {  	[hbm4b:s10+s2] =	stream.linear.scatter [tilespmem:s8], [sflag:$0x2], $0x80, $0x38;
	[tilespmem:$0x8400] =	vst v63  }
0x32a: {  	s10 =	sadd.s32 $0x40, s24;
	s8 =	sld [smem:$0x7AD]  }
0x32b: {  	[hbm4b:s10+s2] =	stream.linear.scatter [tilespmem:s9], [sflag:$0x2], $0x80, $0x38;
	[tilespmem:$0x8400] =	vst v63  }
0x32c: {  	s10 =	sadd.s32 $0x50, s24;
	s9 =	sld [smem:$0x7AE]  }
0x32d: {  	[hbm4b:s10+s2] =	stream.linear.scatter [tilespmem:s8], [sflag:$0x2], $0x80, $0x38;
	[tilespmem:$0x8400] =	vst v63  }
0x32e: {  	s10 =	sadd.s32 $0x60, s24;
	s8 =	sld [smem:$0x7AF]  }
0x32f: {  	[hbm4b:s10+s2] =	stream.linear.scatter [tilespmem:s9], [sflag:$0x2], $0x80, $0x38;
	[tilespmem:$0x8400] =	vst v63  }
0x330: {  	s9 =	sadd.s32 $0x70, s24;
	s10 =	sld [smem:$0x7B0]  }
0x331: {  	[hbm4b:s9+s2] =	stream.linear.scatter [tilespmem:s8], [sflag:$0x2], $0x80, $0x38;
	[tilespmem:$0x8400] =	vst v63  }
0x332: {  	s8 =	sld [smem:$0x7B1]  }
0x333: {  	[hbm4b:s26+s2] =	stream.linear.scatter [tilespmem:s10], [sflag:$0x2], $0x80, $0x38;
	[tilespmem:$0x8400] =	vst v63  }
0x334: {  	s9 =	sld [smem:$0x7B2];
	s10 =	sadd.s32 $0x10, s26  }
0x335: {  	[hbm4b:s10+s2] =	stream.linear.scatter [tilespmem:s8], [sflag:$0x2], $0x80, $0x38;
	[tilespmem:$0x8400] =	vst v63  }
0x336: {  	s10 =	sadd.s32 $0x20, s26;
	s8 =	sld [smem:$0x7B3]  }
0x337: {  	[hbm4b:s10+s2] =	stream.linear.scatter [tilespmem:s9], [sflag:$0x2], $0x80, $0x38;
	[tilespmem:$0x8400] =	vst v63  }
0x338: {  	s10 =	sadd.s32 $0x30, s26;
	s9 =	sld [smem:$0x7B4]  }
0x339: {  	[hbm4b:s10+s2] =	stream.linear.scatter [tilespmem:s8], [sflag:$0x2], $0x80, $0x38;
	[tilespmem:$0x8400] =	vst v63  }
0x33a: {  	s10 =	sadd.s32 $0x40, s26;
	s8 =	sld [smem:$0x7B5]  }
0x33b: {  	[hbm4b:s10+s2] =	stream.linear.scatter [tilespmem:s9], [sflag:$0x2], $0x80, $0x38;
	[tilespmem:$0x8400] =	vst v63  }
0x33c: {  	s10 =	sadd.s32 $0x50, s26;
	s9 =	sld [smem:$0x7B6]  }
0x33d: {  	[hbm4b:s10+s2] =	stream.linear.scatter [tilespmem:s8], [sflag:$0x2], $0x80, $0x38;
	[tilespmem:$0x8400] =	vst v63  }
0x33e: {  	s10 =	sadd.s32 $0x60, s26;
	s8 =	sld [smem:$0x7B7]  }
0x33f: {  	[hbm4b:s10+s2] =	stream.linear.scatter [tilespmem:s9], [sflag:$0x2], $0x80, $0x38;
	[tilespmem:$0x8400] =	vst v63  }
0x340: {  	s9 =	sadd.s32 $0x70, s26;
	s10 =	sld [smem:$0x7B8]  }
0x341: {  	[hbm4b:s9+s2] =	stream.linear.scatter [tilespmem:s8], [sflag:$0x2], $0x80, $0x38;
	[tilespmem:$0x8400] =	vst v63  }
0x342: {  	s8 =	sld [smem:$0x7B9]  }
0x343: {  	[hbm4b:s28+s2] =	stream.linear.scatter [tilespmem:s10], [sflag:$0x2], $0x80, $0x38;
	[tilespmem:$0x8400] =	vst v63  }
0x344: {  	s9 =	sld [smem:$0x7BA];
	s10 =	sadd.s32 $0x10, s28  }
0x345: {  	[hbm4b:s10+s2] =	stream.linear.scatter [tilespmem:s8], [sflag:$0x2], $0x80, $0x38;
	[tilespmem:$0x8400] =	vst v63  }
0x346: {  	s10 =	sadd.s32 $0x20, s28;
	s8 =	sld [smem:$0x7BB]  }
0x347: {  	[hbm4b:s10+s2] =	stream.linear.scatter [tilespmem:s9], [sflag:$0x2], $0x80, $0x38;
	[tilespmem:$0x8400] =	vst v63  }
0x348: {  	s10 =	sadd.s32 $0x30, s28;
	s9 =	sld [smem:$0x7BC]  }
0x349: {  	[hbm4b:s10+s2] =	stream.linear.scatter [tilespmem:s8], [sflag:$0x2], $0x80, $0x38;
	[tilespmem:$0x8400] =	vst v63  }
0x34a: {  	s10 =	sadd.s32 $0x40, s28;
	s8 =	sld [smem:$0x7BD]  }
0x34b: {  	[hbm4b:s10+s2] =	stream.linear.scatter [tilespmem:s9], [sflag:$0x2], $0x80, $0x38;
	[tilespmem:$0x8400] =	vst v63  }
0x34c: {  	s10 =	sadd.s32 $0x50, s28;
	s9 =	sld [smem:$0x7BE]  }
0x34d: {  	[hbm4b:s10+s2] =	stream.linear.scatter [tilespmem:s8], [sflag:$0x2], $0x80, $0x38;
	[tilespmem:$0x8400] =	vst v63  }
0x34e: {  	s10 =	sadd.s32 $0x60, s28;
	s8 =	sld [smem:$0x7BF]  }
0x34f: {  	[hbm4b:s10+s2] =	stream.linear.scatter [tilespmem:s9], [sflag:$0x2], $0x80, $0x38;
	[tilespmem:$0x8400] =	vst v63  }
0x350: {  	s10 =	sadd.s32 $0x70, s28  }
0x351: {  	[hbm4b:s10+s2] =	stream.linear.scatter [tilespmem:s8], [sflag:$0x2], $0x80, $0x38;
	[tilespmem:$0x8400] =	vst v63  }
0x352: {  	s8 =	simm.s32 $0x6400  }
0x353: {  	[hbm4b:s29+s2] =	stream.linear.scatter [tilespmem:s8], [sflag:$0x2], $0x80, $0x38;
	[tilespmem:$0x8400] =	vst v63  }
0x354: {  	s9 =	sadd.s32 $0x10, s29;
	s10 =	simm.s32 $0x6600  }
0x355: {  	[hbm4b:s9+s2] =	stream.linear.scatter [tilespmem:s10], [sflag:$0x2], $0x80, $0x38;
	[tilespmem:$0x8400] =	vst v63  }
0x356: {  	s9 =	sadd.s32 $0x20, s29;
	s10 =	simm.s32 $0x6800  }
0x357: {  	[hbm4b:s9+s2] =	stream.linear.scatter [tilespmem:s10], [sflag:$0x2], $0x80, $0x38;
	[tilespmem:$0x8400] =	vst v63  }
0x358: {  	s9 =	sadd.s32 $0x30, s29;
	s10 =	simm.s32 $0x6A00  }
0x359: {  	[hbm4b:s9+s2] =	stream.linear.scatter [tilespmem:s10], [sflag:$0x2], $0x80, $0x38;
	[tilespmem:$0x8400] =	vst v63  }
0x35a: {  	s9 =	sadd.s32 $0x40, s29;
	s10 =	simm.s32 $0x6C00  }
0x35b: {  	[hbm4b:s9+s2] =	stream.linear.scatter [tilespmem:s10], [sflag:$0x2], $0x80, $0x38;
	[tilespmem:$0x8400] =	vst v63  }
0x35c: {  	s9 =	sadd.s32 $0x50, s29;
	s10 =	simm.s32 $0x6E00  }
0x35d: {  	[hbm4b:s9+s2] =	stream.linear.scatter [tilespmem:s10], [sflag:$0x2], $0x80, $0x38;
	[tilespmem:$0x8400] =	vst v63  }
0x35e: {  	s9 =	sadd.s32 $0x60, s29;
	s10 =	simm.s32 $0x7000  }
0x35f: {  	[hbm4b:s9+s2] =	stream.linear.scatter [tilespmem:s10], [sflag:$0x2], $0x80, $0x38;
	[tilespmem:$0x8400] =	vst v63  }
0x360: {  	s8 =	sld [smem:$0x7C0];
	s9 =	sadd.s32 $0x70, s29;
	s10 =	simm.s32 $0x7200  }
0x361: {  	[hbm4b:s9+s2] =	stream.linear.scatter [tilespmem:s10], [sflag:$0x2], $0x80, $0x38;
	[tilespmem:$0x8400] =	vst v63  }
0x362: {  	s7 =	sld [smem:$0x7C1]  }
0x363: {  	[hbm4b:s30+s2] =	stream.linear.scatter [tilespmem:s8], [sflag:$0x2], $0x80, $0x38;
	[tilespmem:$0x8400] =	vst v63  }
0x364: {  	s10 =	sadd.s32 $0x10, s30;
	s9 =	sld [smem:$0x7C2]  }
0x365: {  	[hbm4b:s10+s2] =	stream.linear.scatter [tilespmem:s7], [sflag:$0x2], $0x80, $0x38;
	[tilespmem:$0x8400] =	vst v63  }
0x366: {  	s8 =	sld [smem:$0x7C3];
	s10 =	sadd.s32 $0x20, s30  }
0x367: {  	[hbm4b:s10+s2] =	stream.linear.scatter [tilespmem:s9], [sflag:$0x2], $0x80, $0x38;
	[tilespmem:$0x8400] =	vst v63  }
0x368: {  	s10 =	sadd.s32 $0x30, s30;
	s9 =	sld [smem:$0x7C4]  }
0x369: {  	[hbm4b:s10+s2] =	stream.linear.scatter [tilespmem:s8], [sflag:$0x2], $0x80, $0x38;
	[tilespmem:$0x8400] =	vst v63  }
0x36a: {  	s10 =	sadd.s32 $0x40, s30;
	s8 =	sld [smem:$0x7C5]  }
0x36b: {  	[hbm4b:s10+s2] =	stream.linear.scatter [tilespmem:s9], [sflag:$0x2], $0x80, $0x38;
	[tilespmem:$0x8400] =	vst v63  }
0x36c: {  	s10 =	sadd.s32 $0x50, s30;
	s9 =	sld [smem:$0x7C6]  }
0x36d: {  	[hbm4b:s10+s2] =	stream.linear.scatter [tilespmem:s8], [sflag:$0x2], $0x80, $0x38;
	[tilespmem:$0x8400] =	vst v63  }
0x36e: {  	s10 =	sadd.s32 $0x60, s30;
	s8 =	sld [smem:$0x7C7]  }
0x36f: {  	[hbm4b:s10+s2] =	stream.linear.scatter [tilespmem:s9], [sflag:$0x2], $0x80, $0x38;
	[tilespmem:$0x8400] =	vst v63  }
0x370: {  	s9 =	sadd.s32 $0x70, s30;
	s10 =	sld [smem:$0x7C8]  }
0x371: {  	[hbm4b:s9+s2] =	stream.linear.scatter [tilespmem:s8], [sflag:$0x2], $0x80, $0x38;
	[tilespmem:$0x8400] =	vst v63  }
0x372: {  	s8 =	sld [smem:$0x7C9]  }
0x373: {  	[hbm4b:s31+s2] =	stream.linear.scatter [tilespmem:s10], [sflag:$0x2], $0x80, $0x38;
	[tilespmem:$0x8400] =	vst v63  }
0x374: {  	s9 =	sld [smem:$0x7CA];
	s10 =	sadd.s32 $0x10, s31  }
0x375: {  	[hbm4b:s10+s2] =	stream.linear.scatter [tilespmem:s8], [sflag:$0x2], $0x80, $0x38;
	[tilespmem:$0x8400] =	vst v63  }
0x376: {  	s10 =	sadd.s32 $0x20, s31;
	s8 =	sld [smem:$0x7CB]  }
0x377: {  	[hbm4b:s10+s2] =	stream.linear.scatter [tilespmem:s9], [sflag:$0x2], $0x80, $0x38;
	[tilespmem:$0x8400] =	vst v63  }
0x378: {  	s10 =	sadd.s32 $0x30, s31;
	s9 =	sld [smem:$0x7CC]  }
0x379: {  	[hbm4b:s10+s2] =	stream.linear.scatter [tilespmem:s8], [sflag:$0x2], $0x80, $0x38;
	[tilespmem:$0x8400] =	vst v63  }
0x37a: {  	s10 =	sadd.s32 $0x40, s31;
	s8 =	sld [smem:$0x7CD]  }
0x37b: {  	[hbm4b:s10+s2] =	stream.linear.scatter [tilespmem:s9], [sflag:$0x2], $0x80, $0x38;
	[tilespmem:$0x8400] =	vst v63  }
0x37c: {  	s10 =	sadd.s32 $0x50, s31;
	s9 =	sld [smem:$0x7CE]  }
0x37d: {  	[hbm4b:s10+s2] =	stream.linear.scatter [tilespmem:s8], [sflag:$0x2], $0x80, $0x38;
	[tilespmem:$0x8400] =	vst v63  }
0x37e: {  	s10 =	sadd.s32 $0x60, s31;
	s8 =	sld [smem:$0x7CF]  }
0x37f: {  	[hbm4b:s10+s2] =	stream.linear.scatter [tilespmem:s9], [sflag:$0x2], $0x80, $0x38;
	[tilespmem:$0x8400] =	vst v63  }
0x380: {  	s9 =	sadd.s32 $0x70, s31;
	s10 =	sld [smem:$0x7D0]  }
0x381: {  	[hbm4b:s9+s2] =	stream.linear.scatter [tilespmem:s8], [sflag:$0x2], $0x80, $0x38;
	[tilespmem:$0x8400] =	vst v63  }
0x382: {  	s8 =	sld [smem:$0x7D1]  }
0x383: {  	[hbm4b:s0+s2] =	stream.linear.scatter [tilespmem:s10], [sflag:$0x2], $0x80, $0x38;
	[tilespmem:$0x8400] =	vst v63  }
0x384: {  	s9 =	sld [smem:$0x7D2];
	s10 =	sadd.s32 $0x10, s0  }
0x385: {  	[hbm4b:s10+s2] =	stream.linear.scatter [tilespmem:s8], [sflag:$0x2], $0x80, $0x38;
	[tilespmem:$0x8400] =	vst v63  }
0x386: {  	s10 =	sadd.s32 $0x20, s0;
	s8 =	sld [smem:$0x7D3]  }
0x387: {  	[hbm4b:s10+s2] =	stream.linear.scatter [tilespmem:s9], [sflag:$0x2], $0x80, $0x38;
	[tilespmem:$0x8400] =	vst v63  }
0x388: {  	s10 =	sadd.s32 $0x30, s0;
	s9 =	sld [smem:$0x7D4]  }
0x389: {  	[hbm4b:s10+s2] =	stream.linear.scatter [tilespmem:s8], [sflag:$0x2], $0x80, $0x38;
	[tilespmem:$0x8400] =	vst v63  }
0x38a: {  	s10 =	sadd.s32 $0x40, s0;
	s8 =	sld [smem:$0x7D5]  }
0x38b: {  	[hbm4b:s10+s2] =	stream.linear.scatter [tilespmem:s9], [sflag:$0x2], $0x80, $0x38;
	[tilespmem:$0x8400] =	vst v63  }
0x38c: {  	s10 =	sadd.s32 $0x50, s0;
	s9 =	sld [smem:$0x7D6]  }
0x38d: {  	[hbm4b:s10+s2] =	stream.linear.scatter [tilespmem:s8], [sflag:$0x2], $0x80, $0x38;
	[tilespmem:$0x8400] =	vst v63  }
0x38e: {  	s10 =	sadd.s32 $0x60, s0;
	s8 =	sld [smem:$0x7D7]  }
0x38f: {  	[hbm4b:s10+s2] =	stream.linear.scatter [tilespmem:s9], [sflag:$0x2], $0x80, $0x38;
	[tilespmem:$0x8400] =	vst v63  }
0x390: {  	s10 =	sadd.s32 $0x70, s0  }
0x391: {  	[hbm4b:s10+s2] =	stream.linear.scatter [tilespmem:s8], [sflag:$0x2], $0x80, $0x38;
	[tilespmem:$0x8400] =	vst v63  }
0x392: {  	s8 =	simm.s32 $0x7400  }
0x393: {  	[hbm4b:s1+s2] =	stream.linear.scatter [tilespmem:s8], [sflag:$0x2], $0x80, $0x38;
	[tilespmem:$0x8400] =	vst v63  }
0x394: {  	s9 =	sadd.s32 $0x10, s1;
	s10 =	simm.s32 $0x7600  }
0x395: {  	[hbm4b:s9+s2] =	stream.linear.scatter [tilespmem:s10], [sflag:$0x2], $0x80, $0x38;
	[tilespmem:$0x8400] =	vst v63  }
0x396: {  	s9 =	sadd.s32 $0x20, s1;
	s10 =	simm.s32 $0x7800  }
0x397: {  	[hbm4b:s9+s2] =	stream.linear.scatter [tilespmem:s10], [sflag:$0x2], $0x80, $0x38;
	[tilespmem:$0x8400] =	vst v63  }
0x398: {  	s9 =	sadd.s32 $0x30, s1;
	s10 =	simm.s32 $0x7A00  }
0x399: {  	[hbm4b:s9+s2] =	stream.linear.scatter [tilespmem:s10], [sflag:$0x2], $0x80, $0x38;
	[tilespmem:$0x8400] =	vst v63  }
0x39a: {  	s9 =	sadd.s32 $0x40, s1;
	s10 =	simm.s32 $0x7C00  }
0x39b: {  	[hbm4b:s9+s2] =	stream.linear.scatter [tilespmem:s10], [sflag:$0x2], $0x80, $0x38;
	[tilespmem:$0x8400] =	vst v63  }
0x39c: {  	s9 =	sadd.s32 $0x50, s1;
	s10 =	simm.s32 $0x7E00  }
0x39d: {  	[hbm4b:s9+s2] =	stream.linear.scatter [tilespmem:s10], [sflag:$0x2], $0x80, $0x38;
	[tilespmem:$0x8400] =	vst v63  }
0x39e: {  	s17 =	simm.s32 $0x8000;
	s8 =	sadd.s32 $0x60, s1  }
0x39f: {  	[hbm4b:s8+s2] =	stream.linear.scatter [tilespmem:s17], [sflag:$0x2], $0x80, $0x38;
	[tilespmem:$0x8400] =	vst v63  }
0x3a0: {  	s9 =	sadd.s32 $0x70, s1;
	s10 =	sld [smem:$0x7D8];
	s17 =	simm.s32 $0x8200  }
0x3a1: {  	[hbm4b:s9+s2] =	stream.linear.scatter [tilespmem:s17], [sflag:$0x2], $0x80, $0x38;
	[tilespmem:$0x8400] =	vst v63  }
0x3a2: {  	s9 =	sld [smem:$0x7D9]  }
0x3a3: {  	[hbm4b:s25+s2] =	stream.linear.scatter [tilespmem:s10], [sflag:$0x2], $0x80, $0x38;
	[tilespmem:$0x8400] =	vst v63  }
0x3a4: {  	s17 =	sld [smem:$0x7FB];
	s10 =	sadd.s32 $0x10, s25  }
0x3a5: {  	[hbm4b:s10+s2] =	stream.linear.scatter [tilespmem:s9], [sflag:$0x2], $0x80, $0x38;
	[tilespmem:$0x8400] =	vst v63  }
0x3a6: {  	s8 =	sadd.s32 $0x20, s25;
	s10 =	sld [smem:$0x7DA]  }
0x3a7: {  	[hbm4b:s8+s2] =	stream.linear.scatter [tilespmem:s17], [sflag:$0x2], $0x80, $0x38;
	[tilespmem:$0x8400] =	vst v63  }
0x3a8: {  	s9 =	sld [smem:$0x7FA];
	s17 =	sadd.s32 $0x30, s25  }
0x3a9: {  	[hbm4b:s17+s2] =	stream.linear.scatter [tilespmem:s10], [sflag:$0x2], $0x80, $0x38;
	[tilespmem:$0x8400] =	vst v63  }
0x3aa: {  	s10 =	sadd.s32 $0x40, s25;
	s17 =	sld [smem:$0x7DC]  }
0x3ab: {  	[hbm4b:s10+s2] =	stream.linear.scatter [tilespmem:s9], [sflag:$0x2], $0x80, $0x38;
	[tilespmem:$0x8400] =	vst v63  }
0x3ac: {  	s9 =	sadd.s32 $0x50, s25;
	s10 =	sld [smem:$0x7F9]  }
0x3ad: {  	[hbm4b:s9+s2] =	stream.linear.scatter [tilespmem:s17], [sflag:$0x2], $0x80, $0x38;
	[tilespmem:$0x8400] =	vst v63  }
0x3ae: {  	s8 =	sld [smem:$0x7DE];
	s17 =	sadd.s32 $0x60, s25  }
0x3af: {  	[hbm4b:s17+s2] =	stream.linear.scatter [tilespmem:s10], [sflag:$0x2], $0x80, $0x38;
	[tilespmem:$0x8400] =	vst v63  }
0x3b0: {  	s10 =	sadd.s32 $0x70, s25;
	s17 =	sld [smem:$0x7F8]  }
0x3b1: {  	[hbm4b:s10+s2] =	stream.linear.scatter [tilespmem:s8], [sflag:$0x2], $0x80, $0x38;
	[tilespmem:$0x8400] =	vst v63  }
0x3b2: {  	s8 =	sld [smem:$0x7E0]  }
0x3b3: {  	[hbm4b:s4+s2] =	stream.linear.scatter [tilespmem:s17], [sflag:$0x2], $0x80, $0x38;
	[tilespmem:$0x8400] =	vst v63  }
0x3b4: {  	s10 =	sadd.s32 $0x10, s4;
	s17 =	sld [smem:$0x7F7]  }
0x3b5: {  	[hbm4b:s10+s2] =	stream.linear.scatter [tilespmem:s8], [sflag:$0x2], $0x80, $0x38;
	[tilespmem:$0x8400] =	vst v63  }
0x3b6: {  	s8 =	sadd.s32 $0x20, s4;
	s10 =	sld [smem:$0x7E2]  }
0x3b7: {  	[hbm4b:s8+s2] =	stream.linear.scatter [tilespmem:s17], [sflag:$0x2], $0x80, $0x38;
	[tilespmem:$0x8400] =	vst v63  }
0x3b8: {  	s9 =	sld [smem:$0x7F6];
	s17 =	sadd.s32 $0x30, s4  }
0x3b9: {  	[hbm4b:s17+s2] =	stream.linear.scatter [tilespmem:s10], [sflag:$0x2], $0x80, $0x38;
	[tilespmem:$0x8400] =	vst v63  }
0x3ba: {  	s10 =	sadd.s32 $0x40, s4;
	s17 =	sld [smem:$0x7E4]  }
0x3bb: {  	[hbm4b:s10+s2] =	stream.linear.scatter [tilespmem:s9], [sflag:$0x2], $0x80, $0x38;
	[tilespmem:$0x8400] =	vst v63  }
0x3bc: {  	s9 =	sadd.s32 $0x50, s4;
	s10 =	sld [smem:$0x7F4]  }
0x3bd: {  	[hbm4b:s9+s2] =	stream.linear.scatter [tilespmem:s17], [sflag:$0x2], $0x80, $0x38;
	[tilespmem:$0x8400] =	vst v63  }
0x3be: {  	s8 =	sld [smem:$0x7E6];
	s17 =	sadd.s32 $0x60, s4  }
0x3bf: {  	[hbm4b:s17+s2] =	stream.linear.scatter [tilespmem:s10], [sflag:$0x2], $0x80, $0x38;
	[tilespmem:$0x8400] =	vst v63  }
0x3c0: {  	s10 =	sadd.s32 $0x70, s4;
	s17 =	sld [smem:$0x7F2]  }
0x3c1: {  	[hbm4b:s10+s2] =	stream.linear.scatter [tilespmem:s8], [sflag:$0x2], $0x80, $0x38;
	[tilespmem:$0x8400] =	vst v63  }
0x3c2: {  	s8 =	sld [smem:$0x7E8]  }
0x3c3: {  	[hbm4b:s5+s2] =	stream.linear.scatter [tilespmem:s17], [sflag:$0x2], $0x80, $0x38;
	[tilespmem:$0x8400] =	vst v63  }
0x3c4: {  	s9 =	sadd.s32 $0x10, s5;
	s10 =	sld [smem:$0x7F0]  }
0x3c5: {  	[hbm4b:s9+s2] =	stream.linear.scatter [tilespmem:s8], [sflag:$0x2], $0x80, $0x38;
	[tilespmem:$0x8400] =	vst v63  }
0x3c6: {  	s17 =	sadd.s32 $0x20, s5;
	s8 =	sld [smem:$0x7EA]  }
0x3c7: {  	[hbm4b:s17+s2] =	stream.linear.scatter [tilespmem:s10], [sflag:$0x2], $0x80, $0x38;
	[tilespmem:$0x8400] =	vst v63  }
0x3c8: {  	s10 =	sadd.s32 $0x30, s5;
	s17 =	sld [smem:$0x7EE]  }
0x3c9: {  	[hbm4b:s10+s2] =	stream.linear.scatter [tilespmem:s8], [sflag:$0x2], $0x80, $0x38;
	[tilespmem:$0x8400] =	vst v63  }
0x3ca: {  	s8 =	sadd.s32 $0x40, s5;
	s10 =	sld [smem:$0x7EC]  }
0x3cb: {  	[hbm4b:s8+s2] =	stream.linear.scatter [tilespmem:s17], [sflag:$0x2], $0x80, $0x38;
	[tilespmem:$0x8400] =	vst v63  }
0x3cc: {  	s9 =	sld [smem:$0x7FC];
	s17 =	sadd.s32 $0x50, s5  }
0x3cd: {  	[hbm4b:s17+s2] =	stream.linear.scatter [tilespmem:s10], [sflag:$0x2], $0x80, $0x38;
	[tilespmem:$0x8400] =	vst v63  }
0x3ce: {  	s10 =	sadd.s32 $0x60, s5;
	s17 =	sld [smem:$0x7FD]  }
0x3cf: {  	[hbm4b:s10+s2] =	stream.linear.scatter [tilespmem:s9], [sflag:$0x2], $0x80, $0x38;
	[tilespmem:$0x8400] =	vst v63  }
0x3d0: {  	s10 =	sld [smem:$0x70A]  }
0x3d1: {  	s9 =	sadd.s32 $0x70, s5  }
0x3d2: {  	[hbm4b:s9+s2] =	stream.linear.scatter [tilespmem:s17], [sflag:$0x2], $0x80, $0x38;
	[tilespmem:$0x8400] =	vst v63  }
0x3d3: {  	p0 =	sne.s32 s10, $0x1  }
.Ltmp0:
0x3d4: {  	_ = 	snop;
	(pc) =	sbr.rel @p0 .LBB2_1-.Ltmp0, $4  }
0x3d5: {  	s17 =	simm.s32 $0x2  }
0x3d6: {  	_ =	swait.ge [sflag:s17], $0x8000  }
0x3d7: {  	[sflag:s17] =	ssyncset.done $0x0  }
0x3d8: {  	s7 =	sadd.s32 $0xFFFFFFFF, s10;
	[sflag:s17] =	ssyncadd.s32 $0xFFFF8000  }
0x3d9: {  	_ =	sfence.sel $0x180000  }
0x3da: {  	[bflag:$0x0] =	sbarrier.arrive $0xFFFF  }
0x3db: {  	_ =	strace $0x90000047  }
0x3dc: {  	s0 =	stileid.u32;
	[bflag:$0x2] =	sbarrier.arrive $0xFFFF  }
0x3dd: {  	p0 =	sne.s32 s0, $0x0;
	s0 =	rddreg [dreg:$0x3]  }
0x3de: {  	s0 =	sadd.s32 @!p0 $0x100000, s0  }
0x3df: {  	[sflag:s0] =	ssyncadd.tile.s32 @!p0 $0x1;
	_ =	shalt  }
.Lfunc_end2:
_tile_overlayer_lowered:
.L_overlay_start_2:
0x3e0: {  	(tag) =	ssettag $0x2  }
0x3e1: {  	s0 =	rddreg [dreg:$0x0];
	s2 =	stileid.u32  }
0x3e2: {  	s1 =	rddreg [dreg:$0x1];
	p0 =	sne.s32 s2, $0x0  }
0x3e3: {  	s3 =	rddreg [dreg:$0x2];
	[bflag:$0x3] =	sbarrier.arrive $0xFFFF;
	s2 =	simm.s32 @!p0 $0x1C03  }
0x3e4: {  	[timem:s3], [sflag:s2] =	dma.local @!p0 [hbm:s0], s1  }
0x3e5: {  	s0 =	simm.s32 @!p0 $0x3  }
0x3e6: {  	_ =	swait.ge @!p0 [sflag:s0], s1  }
0x3e7: {  	s1 =	ssub.s32 @!p0 $0x0, s1;
	[sflag:s0] =	ssyncset.done @!p0 $0x0  }
0x3e8: {  	[sflag:s0] =	ssyncadd.s32 @!p0 s1  }
0x3e9: {  	[bflag:$0x3] =	sbarrier.arrive $0xFFFF  }
0x3ea: {  	_ =	shalt  }

</sc_bundles>
